<compile_context>
chip_gen: v7x
topology: tpu7x:2x2x1
jax: 0.10.2.dev20260603
libtpu: 0.0.44.dev20260713+nightly
codegen_flags: <defaults>
</compile_context>

<pallas_src>
import functools

import jax
import jax.numpy as jnp
from jax import lax
from jax.experimental import pallas as pl
from jax.experimental.pallas import tpu as pltpu
from jax.experimental.pallas import tpu_sc as plsc

_T = 4096
_D = 256
_K = 8192
_TB = 512
_KC = 1024
_NTB = _T // _TB
_NKC = _K // _KC

_NC = 2
_NS = 16
_NW = _NC * _NS
_BW = _T // _NW


def _argmin_body(r_ref, rsq_ref, cb_ref, csq_ref, out_ref, minv, mini):
    kc = pl.program_id(1)
    cross = lax.dot_general(r_ref[...], cb_ref[...],
                            (((1,), (1,)), ((), ())),
                            preferred_element_type=jnp.float32,
                            precision=lax.Precision.DEFAULT)
    t = rsq_ref[...] - 2.0 * cross + csq_ref[...]
    mloc = jnp.min(t, axis=1, keepdims=True)
    iota = lax.broadcasted_iota(jnp.int32, t.shape, 1)
    iloc = jnp.min(jnp.where(t == mloc, iota, _K), axis=1, keepdims=True)
    iloc = iloc + kc * _KC

    @pl.when(kc == 0)
    def _():
        minv[...] = mloc
        mini[...] = iloc

    @pl.when(kc > 0)
    def _():
        better = mloc < minv[...]
        minv[...] = jnp.where(better, mloc, minv[...])
        mini[...] = jnp.where(better, iloc, mini[...])

    @pl.when(kc == _NKC - 1)
    def _():
        out_ref[...] = mini[...]


def _tc_argmin(r, rsq, cb, csq):
    return pl.pallas_call(
        _argmin_body,
        grid=(_NTB, _NKC),
        in_specs=[
            pl.BlockSpec((_TB, _D), lambda tb, kc: (tb, 0)),
            pl.BlockSpec((_TB, 1), lambda tb, kc: (tb, 0)),
            pl.BlockSpec((_KC, _D), lambda tb, kc: (kc, 0)),
            pl.BlockSpec((1, _KC), lambda tb, kc: (0, kc)),
        ],
        out_specs=pl.BlockSpec((_TB, 1), lambda tb, kc: (tb, 0)),
        out_shape=jax.ShapeDtypeStruct((_T, 1), jnp.int32),
        scratch_shapes=[pltpu.VMEM((_TB, 1), jnp.float32),
                        pltpu.VMEM((_TB, 1), jnp.int32)],
    )(r, rsq, cb, csq)


def _sc_mesh():
    return plsc.VectorSubcoreMesh(core_axis_name="c", subcore_axis_name="s",
                                  num_cores=_NC, num_subcores=_NS)


def _sc_residual_update(r, idx, cb):

    @functools.partial(
        pl.kernel,
        out_type=jax.ShapeDtypeStruct((_T, _D), jnp.float32),
        mesh=_sc_mesh(),
        scratch_types=[pltpu.VMEM((_BW,), jnp.int32),
                       pltpu.VMEM((_BW, _D), jnp.float32),
                       pltpu.VMEM((_BW, _D), jnp.float32),
                       pltpu.SemaphoreType.DMA],
    )
    def k(r_hbm, idx_hbm, cb_hbm, out_hbm, idx_v, rows_v, r_v, sem):
        wid = lax.axis_index("s") * _NC + lax.axis_index("c")
        base = wid * _BW
        pltpu.sync_copy(idx_hbm.at[pl.ds(base, _BW)], idx_v)
        cp = pltpu.async_copy(cb_hbm.at[idx_v], rows_v, sem)
        pltpu.sync_copy(r_hbm.at[pl.ds(base, _BW)], r_v)
        cp.wait()

        def row_fn(i, carry):
            for j in range(_D // 16):
                s = pl.ds(j * 16, 16)
                rows_v[i, s] = r_v[i, s] - rows_v[i, s]
            return carry

        lax.fori_loop(0, _BW, row_fn, 0)
        pltpu.sync_copy(rows_v, out_hbm.at[pl.ds(base, _BW)])

    return k(r, idx, cb)


def _sc_final_output(r, idx, cb, h):

    @functools.partial(
        pl.kernel,
        out_type=jax.ShapeDtypeStruct((_T, _D), jnp.float32),
        mesh=_sc_mesh(),
        scratch_types=[pltpu.VMEM((_BW,), jnp.int32),
                       pltpu.VMEM((_BW, _D), jnp.float32),
                       pltpu.VMEM((_BW, _D), jnp.float32),
                       pltpu.VMEM((_BW, _D), jnp.float32),
                       pltpu.SemaphoreType.DMA],
    )
    def k(r_hbm, idx_hbm, cb_hbm, h_hbm, out_hbm, idx_v, rows_v, r_v, h_v, sem):
        wid = lax.axis_index("s") * _NC + lax.axis_index("c")
        base = wid * _BW
        pltpu.sync_copy(idx_hbm.at[pl.ds(base, _BW)], idx_v)
        cp = pltpu.async_copy(cb_hbm.at[idx_v], rows_v, sem)
        pltpu.sync_copy(r_hbm.at[pl.ds(base, _BW)], r_v)
        pltpu.sync_copy(h_hbm.at[pl.ds(base, _BW)], h_v)
        cp.wait()

        def row_fn(i, carry):
            for j in range(_D // 16):
                s = pl.ds(j * 16, 16)
                rows_v[i, s] = (h_v[i, s] - r_v[i, s]) + rows_v[i, s]
            return carry

        lax.fori_loop(0, _BW, row_fn, 0)
        pltpu.sync_copy(rows_v, out_hbm.at[pl.ds(base, _BW)])

    return k(r, idx, cb, h)


def kernel(x, codebooks):
    b, d, n = x.shape
    num_q = codebooks.shape[0]
    h = jnp.transpose(x, (0, 2, 1)).reshape(b * n, d)
    csq = jnp.sum(codebooks * codebooks, axis=-1)

    r = h
    out_tok = None
    for q in range(num_q):
        r3 = r.reshape(b, n, d)
        rsq = jnp.sum(r3 * r3, axis=-1, keepdims=True)
        idx = _tc_argmin(r, rsq.reshape(b * n, 1), codebooks[q],
                         csq[q][None, :])[:, 0]
        if q < num_q - 1:
            r = _sc_residual_update(r, idx, codebooks[q])
        else:
            out_tok = _sc_final_output(r, idx, codebooks[q], h)
    return jnp.transpose(out_tok.reshape(b, n, d), (0, 2, 1))

# --- scband reference (transcript-rebuilt; emitter-appended) ---
"""Pipeline reference for scband-rvqbottleneck-34600256537524 (READ-ONLY COPY).

The authoritative reference and input builder live on the scoring server;
editing this copy changes nothing except your own understanding.
"""

import jax, jax.numpy as jnp
import numpy as np

NUM_Q = 4
CODEBOOK_SIZE = 8192
DIM = 256
BATCH = 4
SEQ = 1024

def setup_inputs(seed: int = 0) -> dict:
    key = jax.random.key(seed)
    k1, k2 = jax.random.split(key)
    x = jax.random.normal(k1, (BATCH, DIM, SEQ), dtype=jnp.float32)
    codebooks = jax.random.normal(k2, (NUM_Q, CODEBOOK_SIZE, DIM), dtype=jnp.float32)
    return {"x": x, "codebooks": codebooks}

def reference(x, codebooks):
    # RVQBottleneck.encode: rearrange 'b c n -> b n c', ResidualVQ, rearrange back
    h = jnp.transpose(x, (0, 2, 1))  # [b, n, c]
    residual = h
    quantized_out = jnp.zeros_like(h)
    num_q = codebooks.shape[0]
    for q in range(num_q):
        cb = codebooks[q]  # [K, D]
        # squared euclidean distances: ||r||^2 - 2 r.c + ||c||^2
        r_sq = jnp.sum(residual * residual, axis=-1, keepdims=True)      # [b, n, 1]
        cross = residual @ cb.T                                          # [b, n, K] (compute-heavy matmul)
        c_sq = jnp.sum(cb * cb, axis=-1)[None, None, :]                  # [1, 1, K]
        dist = r_sq - 2.0 * cross + c_sq
        idx = jnp.argmin(dist, axis=-1)                                  # [b, n]
        quant = jnp.take(cb, idx, axis=0)                                # gather [b, n, D]
        # straight-through estimator
        quant_st = residual + jax.lax.stop_gradient(quant - residual)
        quantized_out = quantized_out + quant_st
        residual = residual - jax.lax.stop_gradient(quant)
    out = jnp.transpose(quantized_out, (0, 2, 1))  # back to [b, c, n]
    return out

if __name__ == "__main__":
    import jax
    _d = setup_inputs()
    print(jax.jit(kernel)(*tuple(_d.values())))

</pallas_src>

<mosaic_0001>
#map = affine_map<(d0, d1) -> (0, 0)>
#map1 = affine_map<(d0, d1) -> (0)>
module attributes {stable_mosaic.version = 14 : i64} {
  func.func @k(%arg0: i32, %arg1: i32, %arg2: memref<4096x256xf32, #tpu.memory_space<hbm>>, %arg3: memref<4096xi32, #tpu.memory_space<hbm>>, %arg4: memref<8192x256xf32, #tpu.memory_space<hbm>>, %arg5: memref<4096x256xf32, #tpu.memory_space<hbm>>, %arg6: memref<4096x256xf32, #tpu.memory_space<hbm>>, %arg7: memref<128xi32, #tpu.memory_space<vmem>>, %arg8: memref<128x256xf32, #tpu.memory_space<vmem>>, %arg9: memref<128x256xf32, #tpu.memory_space<vmem>>, %arg10: memref<128x256xf32, #tpu.memory_space<vmem>>, %arg11: memref<!tpu.dma_semaphore, #tpu.memory_space<semaphore_mem>>) attributes {dimension_semantics = [#tpu.dimension_semantics<core_parallel>, #tpu.dimension_semantics<subcore_parallel>], iteration_bounds = array<i64: 2, 16>, scalar_prefetch = 0 : i64, scratch_operands = 5 : i64, tpu.core_type = #tpu.core_type<sc_vector_subcore>, window_params = [{transform_indices = #map}, {transform_indices = #map1}, {transform_indices = #map}, {transform_indices = #map}, {transform_indices = #map}]} {
    %mul3A = arith.constant 2 : i32
    %mul3A_0 = arith.muli %arg1, %mul3A : i32
    %add3A = arith.addi %mul3A_0, %arg0 : i32
    %mul3A_1 = arith.constant 128 : i32
    %mul3A_2 = arith.muli %add3A, %mul3A_1 : i32
    "tpu.region"() ({
      %run_scoped3A = tpu.sem_alloc : memref<!tpu.dma_semaphore, #tpu.memory_space<semaphore_mem>>
      %dma_start3A_12 = tpu.memref_slice %arg3[%mul3A_2] : memref<4096xi32, #tpu.memory_space<hbm>> -> memref<128xi32, #tpu.memory_space<hbm>>
      %dma_start3A_13 = tpu.memref_slice %arg3[%mul3A_2] : memref<4096xi32, #tpu.memory_space<hbm>> -> memref<128xi32, #tpu.memory_space<hbm>>
      tpu.enqueue_dma source(%dma_start3A_13 : memref<128xi32, #tpu.memory_space<hbm>>) target(%arg7 : memref<128xi32, #tpu.memory_space<vmem>>) target_semaphore(%run_scoped3A : memref<!tpu.dma_semaphore, #tpu.memory_space<semaphore_mem>>)
      %dma_wait3A_14 = tpu.memref_slice %arg3[%mul3A_2] : memref<4096xi32, #tpu.memory_space<hbm>> -> memref<128xi32, #tpu.memory_space<hbm>>
      %dma_wait3A_15 = tpu.memref_slice %arg3[%mul3A_2] : memref<4096xi32, #tpu.memory_space<hbm>> -> memref<128xi32, #tpu.memory_space<hbm>>
      tpu.wait_dma2 semaphore(%run_scoped3A : memref<!tpu.dma_semaphore, #tpu.memory_space<semaphore_mem>>) src(%dma_wait3A_15 : memref<128xi32, #tpu.memory_space<hbm>>) dst(%arg7 : memref<128xi32, #tpu.memory_space<vmem>>)
      tpu.yield
    }) : () -> ()
    %dma_start3A = arith.constant 0 : i32
    %dma_start3A_3 = arith.constant 0 : i32
    %dma_start3A_4 = tpu.memref_slice %arg4[%dma_start3A, %dma_start3A_3] : memref<8192x256xf32, #tpu.memory_space<hbm>> -> memref<8192x256xf32, #tpu.memory_space<hbm>>
    tpu.enqueue_indirect_dma source(%dma_start3A_4 : memref<8192x256xf32, #tpu.memory_space<hbm>>) target(%arg8 : memref<128x256xf32, #tpu.memory_space<vmem>>) offsets(%arg7 : memref<128xi32, #tpu.memory_space<vmem>>) semaphore(%arg11 : memref<!tpu.dma_semaphore, #tpu.memory_space<semaphore_mem>>)
    "tpu.region"() ({
      %run_scoped3A = tpu.sem_alloc : memref<!tpu.dma_semaphore, #tpu.memory_space<semaphore_mem>>
      %dma_start3A_12 = arith.constant 0 : i32
      %dma_start3A_13 = tpu.memref_slice %arg2[%mul3A_2, %dma_start3A_12] : memref<4096x256xf32, #tpu.memory_space<hbm>> -> memref<128x256xf32, #tpu.memory_space<hbm>>
      %dma_start3A_14 = arith.constant 0 : i32
      %dma_start3A_15 = tpu.memref_slice %arg2[%mul3A_2, %dma_start3A_14] : memref<4096x256xf32, #tpu.memory_space<hbm>> -> memref<128x256xf32, #tpu.memory_space<hbm>>
      tpu.enqueue_dma source(%dma_start3A_15 : memref<128x256xf32, #tpu.memory_space<hbm>>) target(%arg9 : memref<128x256xf32, #tpu.memory_space<vmem>>) target_semaphore(%run_scoped3A : memref<!tpu.dma_semaphore, #tpu.memory_space<semaphore_mem>>)
      %dma_wait3A_16 = arith.constant 0 : i32
      %dma_wait3A_17 = tpu.memref_slice %arg2[%mul3A_2, %dma_wait3A_16] : memref<4096x256xf32, #tpu.memory_space<hbm>> -> memref<128x256xf32, #tpu.memory_space<hbm>>
      %dma_wait3A_18 = arith.constant 0 : i32
      %dma_wait3A_19 = tpu.memref_slice %arg2[%mul3A_2, %dma_wait3A_18] : memref<4096x256xf32, #tpu.memory_space<hbm>> -> memref<128x256xf32, #tpu.memory_space<hbm>>
      tpu.wait_dma2 semaphore(%run_scoped3A : memref<!tpu.dma_semaphore, #tpu.memory_space<semaphore_mem>>) src(%dma_wait3A_19 : memref<128x256xf32, #tpu.memory_space<hbm>>) dst(%arg9 : memref<128x256xf32, #tpu.memory_space<vmem>>)
      tpu.yield
    }) : () -> ()
    "tpu.region"() ({
      %run_scoped3A = tpu.sem_alloc : memref<!tpu.dma_semaphore, #tpu.memory_space<semaphore_mem>>
      %dma_start3A_12 = arith.constant 0 : i32
      %dma_start3A_13 = tpu.memref_slice %arg5[%mul3A_2, %dma_start3A_12] : memref<4096x256xf32, #tpu.memory_space<hbm>> -> memref<128x256xf32, #tpu.memory_space<hbm>>
      %dma_start3A_14 = arith.constant 0 : i32
      %dma_start3A_15 = tpu.memref_slice %arg5[%mul3A_2, %dma_start3A_14] : memref<4096x256xf32, #tpu.memory_space<hbm>> -> memref<128x256xf32, #tpu.memory_space<hbm>>
      tpu.enqueue_dma source(%dma_start3A_15 : memref<128x256xf32, #tpu.memory_space<hbm>>) target(%arg10 : memref<128x256xf32, #tpu.memory_space<vmem>>) target_semaphore(%run_scoped3A : memref<!tpu.dma_semaphore, #tpu.memory_space<semaphore_mem>>)
      %dma_wait3A_16 = arith.constant 0 : i32
      %dma_wait3A_17 = tpu.memref_slice %arg5[%mul3A_2, %dma_wait3A_16] : memref<4096x256xf32, #tpu.memory_space<hbm>> -> memref<128x256xf32, #tpu.memory_space<hbm>>
      %dma_wait3A_18 = arith.constant 0 : i32
      %dma_wait3A_19 = tpu.memref_slice %arg5[%mul3A_2, %dma_wait3A_18] : memref<4096x256xf32, #tpu.memory_space<hbm>> -> memref<128x256xf32, #tpu.memory_space<hbm>>
      tpu.wait_dma2 semaphore(%run_scoped3A : memref<!tpu.dma_semaphore, #tpu.memory_space<semaphore_mem>>) src(%dma_wait3A_19 : memref<128x256xf32, #tpu.memory_space<hbm>>) dst(%arg10 : memref<128x256xf32, #tpu.memory_space<vmem>>)
      tpu.yield
    }) : () -> ()
    %dma_wait3A = arith.constant 0 : i32
    %dma_wait3A_5 = arith.constant 0 : i32
    %dma_wait3A_6 = tpu.memref_slice %arg4[%dma_wait3A, %dma_wait3A_5] : memref<8192x256xf32, #tpu.memory_space<hbm>> -> memref<8192x256xf32, #tpu.memory_space<hbm>>
    tpu.wait_indirect_dma semaphore(%arg11 : memref<!tpu.dma_semaphore, #tpu.memory_space<semaphore_mem>>) src(%dma_wait3A_6 : memref<8192x256xf32, #tpu.memory_space<hbm>>) dst(%arg8 : memref<128x256xf32, #tpu.memory_space<vmem>>)
    %scan3A = arith.constant 0 : i32
    %scan3A_7 = arith.constant 0 : i32
    %scan3A_8 = arith.constant 128 : i32
    %scan3A_9 = arith.addi %scan3A_7, %scan3A_8 : i32
    %scan3A_10 = arith.constant 1 : i32
    scf.for %scan3A_12 = %scan3A_7 to %scan3A_9 step %scan3A_10  : i32 {
      %get3A = arith.index_cast %scan3A_12 : i32 to index
      %get3A_13 = arith.constant 0 : index
      %get3A_14 = tpu.vector_load %arg10[%get3A, %get3A_13] {strides = array<i32>} : memref<128x256xf32, #tpu.memory_space<vmem>>, vector<1x16xf32>,
      %get3A_15 = vector.shape_cast %get3A_14 : vector<1x16xf32> to vector<16xf32>
      %get3A_16 = arith.index_cast %scan3A_12 : i32 to index
      %get3A_17 = arith.constant 0 : index
      %get3A_18 = tpu.vector_load %arg9[%get3A_16, %get3A_17] {strides = array<i32>} : memref<128x256xf32, #tpu.memory_space<vmem>>, vector<1x16xf32>,
      %get3A_19 = vector.shape_cast %get3A_18 : vector<1x16xf32> to vector<16xf32>
      %sub3A = arith.subf %get3A_15, %get3A_19 : vector<16xf32>
      %get3A_20 = arith.index_cast %scan3A_12 : i32 to index
      %get3A_21 = arith.constant 0 : index
      %get3A_22 = tpu.vector_load %arg8[%get3A_20, %get3A_21] {strides = array<i32>} : memref<128x256xf32, #tpu.memory_space<vmem>>, vector<1x16xf32>,
      %get3A_23 = vector.shape_cast %get3A_22 : vector<1x16xf32> to vector<16xf32>
      %add3A_24 = arith.addf %sub3A, %get3A_23 : vector<16xf32>
      %swap3A = arith.index_cast %scan3A_12 : i32 to index
      %swap3A_25 = arith.constant 0 : index
      %swap3A_26 = tpu.vector_load %arg8[%swap3A, %swap3A_25] {strides = array<i32>} : memref<128x256xf32, #tpu.memory_space<vmem>>, vector<1x16xf32>,
      %swap3A_27 = vector.shape_cast %swap3A_26 : vector<1x16xf32> to vector<16xf32>
      %swap3A_28 = vector.shape_cast %add3A_24 : vector<16xf32> to vector<1x16xf32>
      tpu.vector_store %arg8[%swap3A, %swap3A_25], %swap3A_28 {strides = array<i32>} : memref<128x256xf32, #tpu.memory_space<vmem>>, vector<1x16xf32>,
      %get3A_29 = arith.index_cast %scan3A_12 : i32 to index
      %get3A_30 = arith.constant 16 : index
      %get3A_31 = tpu.vector_load %arg10[%get3A_29, %get3A_30] {strides = array<i32>} : memref<128x256xf32, #tpu.memory_space<vmem>>, vector<1x16xf32>,
      %get3A_32 = vector.shape_cast %get3A_31 : vector<1x16xf32> to vector<16xf32>
      %get3A_33 = arith.index_cast %scan3A_12 : i32 to index
      %get3A_34 = arith.constant 16 : index
      %get3A_35 = tpu.vector_load %arg9[%get3A_33, %get3A_34] {strides = array<i32>} : memref<128x256xf32, #tpu.memory_space<vmem>>, vector<1x16xf32>,
      %get3A_36 = vector.shape_cast %get3A_35 : vector<1x16xf32> to vector<16xf32>
      %sub3A_37 = arith.subf %get3A_32, %get3A_36 : vector<16xf32>
      %get3A_38 = arith.index_cast %scan3A_12 : i32 to index
      %get3A_39 = arith.constant 16 : index
      %get3A_40 = tpu.vector_load %arg8[%get3A_38, %get3A_39] {strides = array<i32>} : memref<128x256xf32, #tpu.memory_space<vmem>>, vector<1x16xf32>,
      %get3A_41 = vector.shape_cast %get3A_40 : vector<1x16xf32> to vector<16xf32>
      %add3A_42 = arith.addf %sub3A_37, %get3A_41 : vector<16xf32>
      %swap3A_43 = arith.index_cast %scan3A_12 : i32 to index
      %swap3A_44 = arith.constant 16 : index
      %swap3A_45 = tpu.vector_load %arg8[%swap3A_43, %swap3A_44] {strides = array<i32>} : memref<128x256xf32, #tpu.memory_space<vmem>>, vector<1x16xf32>,
      %swap3A_46 = vector.shape_cast %swap3A_45 : vector<1x16xf32> to vector<16xf32>
      %swap3A_47 = vector.shape_cast %add3A_42 : vector<16xf32> to vector<1x16xf32>
      tpu.vector_store %arg8[%swap3A_43, %swap3A_44], %swap3A_47 {strides = array<i32>} : memref<128x256xf32, #tpu.memory_space<vmem>>, vector<1x16xf32>,
      %get3A_48 = arith.index_cast %scan3A_12 : i32 to index
      %get3A_49 = arith.constant 32 : index
      %get3A_50 = tpu.vector_load %arg10[%get3A_48, %get3A_49] {strides = array<i32>} : memref<128x256xf32, #tpu.memory_space<vmem>>, vector<1x16xf32>,
      %get3A_51 = vector.shape_cast %get3A_50 : vector<1x16xf32> to vector<16xf32>
      %get3A_52 = arith.index_cast %scan3A_12 : i32 to index
      %get3A_53 = arith.constant 32 : index
      %get3A_54 = tpu.vector_load %arg9[%get3A_52, %get3A_53] {strides = array<i32>} : memref<128x256xf32, #tpu.memory_space<vmem>>, vector<1x16xf32>,
      %get3A_55 = vector.shape_cast %get3A_54 : vector<1x16xf32> to vector<16xf32>
      %sub3A_56 = arith.subf %get3A_51, %get3A_55 : vector<16xf32>
      %get3A_57 = arith.index_cast %scan3A_12 : i32 to index
      %get3A_58 = arith.constant 32 : index
      %get3A_59 = tpu.vector_load %arg8[%get3A_57, %get3A_58] {strides = array<i32>} : memref<128x256xf32, #tpu.memory_space<vmem>>, vector<1x16xf32>,
      %get3A_60 = vector.shape_cast %get3A_59 : vector<1x16xf32> to vector<16xf32>
      %add3A_61 = arith.addf %sub3A_56, %get3A_60 : vector<16xf32>
      %swap3A_62 = arith.index_cast %scan3A_12 : i32 to index
      %swap3A_63 = arith.constant 32 : index
      %swap3A_64 = tpu.vector_load %arg8[%swap3A_62, %swap3A_63] {strides = array<i32>} : memref<128x256xf32, #tpu.memory_space<vmem>>, vector<1x16xf32>,
      %swap3A_65 = vector.shape_cast %swap3A_64 : vector<1x16xf32> to vector<16xf32>
      %swap3A_66 = vector.shape_cast %add3A_61 : vector<16xf32> to vector<1x16xf32>
      tpu.vector_store %arg8[%swap3A_62, %swap3A_63], %swap3A_66 {strides = array<i32>} : memref<128x256xf32, #tpu.memory_space<vmem>>, vector<1x16xf32>,
      %get3A_67 = arith.index_cast %scan3A_12 : i32 to index
      %get3A_68 = arith.constant 48 : index
      %get3A_69 = tpu.vector_load %arg10[%get3A_67, %get3A_68] {strides = array<i32>} : memref<128x256xf32, #tpu.memory_space<vmem>>, vector<1x16xf32>,
      %get3A_70 = vector.shape_cast %get3A_69 : vector<1x16xf32> to vector<16xf32>
      %get3A_71 = arith.index_cast %scan3A_12 : i32 to index
      %get3A_72 = arith.constant 48 : index
      %get3A_73 = tpu.vector_load %arg9[%get3A_71, %get3A_72] {strides = array<i32>} : memref<128x256xf32, #tpu.memory_space<vmem>>, vector<1x16xf32>,
      %get3A_74 = vector.shape_cast %get3A_73 : vector<1x16xf32> to vector<16xf32>
      %sub3A_75 = arith.subf %get3A_70, %get3A_74 : vector<16xf32>
      %get3A_76 = arith.index_cast %scan3A_12 : i32 to index
      %get3A_77 = arith.constant 48 : index
      %get3A_78 = tpu.vector_load %arg8[%get3A_76, %get3A_77] {strides = array<i32>} : memref<128x256xf32, #tpu.memory_space<vmem>>, vector<1x16xf32>,
      %get3A_79 = vector.shape_cast %get3A_78 : vector<1x16xf32> to vector<16xf32>
      %add3A_80 = arith.addf %sub3A_75, %get3A_79 : vector<16xf32>
      %swap3A_81 = arith.index_cast %scan3A_12 : i32 to index
      %swap3A_82 = arith.constant 48 : index
      %swap3A_83 = tpu.vector_load %arg8[%swap3A_81, %swap3A_82] {strides = array<i32>} : memref<128x256xf32, #tpu.memory_space<vmem>>, vector<1x16xf32>,
      %swap3A_84 = vector.shape_cast %swap3A_83 : vector<1x16xf32> to vector<16xf32>
      %swap3A_85 = vector.shape_cast %add3A_80 : vector<16xf32> to vector<1x16xf32>
      tpu.vector_store %arg8[%swap3A_81, %swap3A_82], %swap3A_85 {strides = array<i32>} : memref<128x256xf32, #tpu.memory_space<vmem>>, vector<1x16xf32>,
      %get3A_86 = arith.index_cast %scan3A_12 : i32 to index
      %get3A_87 = arith.constant 64 : index
      %get3A_88 = tpu.vector_load %arg10[%get3A_86, %get3A_87] {strides = array<i32>} : memref<128x256xf32, #tpu.memory_space<vmem>>, vector<1x16xf32>,
      %get3A_89 = vector.shape_cast %get3A_88 : vector<1x16xf32> to vector<16xf32>
      %get3A_90 = arith.index_cast %scan3A_12 : i32 to index
      %get3A_91 = arith.constant 64 : index
      %get3A_92 = tpu.vector_load %arg9[%get3A_90, %get3A_91] {strides = array<i32>} : memref<128x256xf32, #tpu.memory_space<vmem>>, vector<1x16xf32>,
      %get3A_93 = vector.shape_cast %get3A_92 : vector<1x16xf32> to vector<16xf32>
      %sub3A_94 = arith.subf %get3A_89, %get3A_93 : vector<16xf32>
      %get3A_95 = arith.index_cast %scan3A_12 : i32 to index
      %get3A_96 = arith.constant 64 : index
      %get3A_97 = tpu.vector_load %arg8[%get3A_95, %get3A_96] {strides = array<i32>} : memref<128x256xf32, #tpu.memory_space<vmem>>, vector<1x16xf32>,
      %get3A_98 = vector.shape_cast %get3A_97 : vector<1x16xf32> to vector<16xf32>
      %add3A_99 = arith.addf %sub3A_94, %get3A_98 : vector<16xf32>
      %swap3A_100 = arith.index_cast %scan3A_12 : i32 to index
      %swap3A_101 = arith.constant 64 : index
      %swap3A_102 = tpu.vector_load %arg8[%swap3A_100, %swap3A_101] {strides = array<i32>} : memref<128x256xf32, #tpu.memory_space<vmem>>, vector<1x16xf32>,
      %swap3A_103 = vector.shape_cast %swap3A_102 : vector<1x16xf32> to vector<16xf32>
      %swap3A_104 = vector.shape_cast %add3A_99 : vector<16xf32> to vector<1x16xf32>
      tpu.vector_store %arg8[%swap3A_100, %swap3A_101], %swap3A_104 {strides = array<i32>} : memref<128x256xf32, #tpu.memory_space<vmem>>, vector<1x16xf32>,
      %get3A_105 = arith.index_cast %scan3A_12 : i32 to index
      %get3A_106 = arith.constant 80 : index
      %get3A_107 = tpu.vector_load %arg10[%get3A_105, %get3A_106] {strides = array<i32>} : memref<128x256xf32, #tpu.memory_space<vmem>>, vector<1x16xf32>,
      %get3A_108 = vector.shape_cast %get3A_107 : vector<1x16xf32> to vector<16xf32>
      %get3A_109 = arith.index_cast %scan3A_12 : i32 to index
      %get3A_110 = arith.constant 80 : index
      %get3A_111 = tpu.vector_load %arg9[%get3A_109, %get3A_110] {strides = array<i32>} : memref<128x256xf32, #tpu.memory_space<vmem>>, vector<1x16xf32>,
      %get3A_112 = vector.shape_cast %get3A_111 : vector<1x16xf32> to vector<16xf32>
      %sub3A_113 = arith.subf %get3A_108, %get3A_112 : vector<16xf32>
      %get3A_114 = arith.index_cast %scan3A_12 : i32 to index
      %get3A_115 = arith.constant 80 : index
      %get3A_116 = tpu.vector_load %arg8[%get3A_114, %get3A_115] {strides = array<i32>} : memref<128x256xf32, #tpu.memory_space<vmem>>, vector<1x16xf32>,
      %get3A_117 = vector.shape_cast %get3A_116 : vector<1x16xf32> to vector<16xf32>
      %add3A_118 = arith.addf %sub3A_113, %get3A_117 : vector<16xf32>
      %swap3A_119 = arith.index_cast %scan3A_12 : i32 to index
      %swap3A_120 = arith.constant 80 : index
      %swap3A_121 = tpu.vector_load %arg8[%swap3A_119, %swap3A_120] {strides = array<i32>} : memref<128x256xf32, #tpu.memory_space<vmem>>, vector<1x16xf32>,
      %swap3A_122 = vector.shape_cast %swap3A_121 : vector<1x16xf32> to vector<16xf32>
      %swap3A_123 = vector.shape_cast %add3A_118 : vector<16xf32> to vector<1x16xf32>
      tpu.vector_store %arg8[%swap3A_119, %swap3A_120], %swap3A_123 {strides = array<i32>} : memref<128x256xf32, #tpu.memory_space<vmem>>, vector<1x16xf32>,
      %get3A_124 = arith.index_cast %scan3A_12 : i32 to index
      %get3A_125 = arith.constant 96 : index
      %get3A_126 = tpu.vector_load %arg10[%get3A_124, %get3A_125] {strides = array<i32>} : memref<128x256xf32, #tpu.memory_space<vmem>>, vector<1x16xf32>,
      %get3A_127 = vector.shape_cast %get3A_126 : vector<1x16xf32> to vector<16xf32>
      %get3A_128 = arith.index_cast %scan3A_12 : i32 to index
      %get3A_129 = arith.constant 96 : index
      %get3A_130 = tpu.vector_load %arg9[%get3A_128, %get3A_129] {strides = array<i32>} : memref<128x256xf32, #tpu.memory_space<vmem>>, vector<1x16xf32>,
      %get3A_131 = vector.shape_cast %get3A_130 : vector<1x16xf32> to vector<16xf32>
      %sub3A_132 = arith.subf %get3A_127, %get3A_131 : vector<16xf32>
      %get3A_133 = arith.index_cast %scan3A_12 : i32 to index
      %get3A_134 = arith.constant 96 : index
      %get3A_135 = tpu.vector_load %arg8[%get3A_133, %get3A_134] {strides = array<i32>} : memref<128x256xf32, #tpu.memory_space<vmem>>, vector<1x16xf32>,
      %get3A_136 = vector.shape_cast %get3A_135 : vector<1x16xf32> to vector<16xf32>
      %add3A_137 = arith.addf %sub3A_132, %get3A_136 : vector<16xf32>
      %swap3A_138 = arith.index_cast %scan3A_12 : i32 to index
      %swap3A_139 = arith.constant 96 : index
      %swap3A_140 = tpu.vector_load %arg8[%swap3A_138, %swap3A_139] {strides = array<i32>} : memref<128x256xf32, #tpu.memory_space<vmem>>, vector<1x16xf32>,
      %swap3A_141 = vector.shape_cast %swap3A_140 : vector<1x16xf32> to vector<16xf32>
      %swap3A_142 = vector.shape_cast %add3A_137 : vector<16xf32> to vector<1x16xf32>
      tpu.vector_store %arg8[%swap3A_138, %swap3A_139], %swap3A_142 {strides = array<i32>} : memref<128x256xf32, #tpu.memory_space<vmem>>, vector<1x16xf32>,
      %get3A_143 = arith.index_cast %scan3A_12 : i32 to index
      %get3A_144 = arith.constant 112 : index
      %get3A_145 = tpu.vector_load %arg10[%get3A_143, %get3A_144] {strides = array<i32>} : memref<128x256xf32, #tpu.memory_space<vmem>>, vector<1x16xf32>,
      %get3A_146 = vector.shape_cast %get3A_145 : vector<1x16xf32> to vector<16xf32>
      %get3A_147 = arith.index_cast %scan3A_12 : i32 to index
      %get3A_148 = arith.constant 112 : index
      %get3A_149 = tpu.vector_load %arg9[%get3A_147, %get3A_148] {strides = array<i32>} : memref<128x256xf32, #tpu.memory_space<vmem>>, vector<1x16xf32>,
      %get3A_150 = vector.shape_cast %get3A_149 : vector<1x16xf32> to vector<16xf32>
      %sub3A_151 = arith.subf %get3A_146, %get3A_150 : vector<16xf32>
      %get3A_152 = arith.index_cast %scan3A_12 : i32 to index
      %get3A_153 = arith.constant 112 : index
      %get3A_154 = tpu.vector_load %arg8[%get3A_152, %get3A_153] {strides = array<i32>} : memref<128x256xf32, #tpu.memory_space<vmem>>, vector<1x16xf32>,
      %get3A_155 = vector.shape_cast %get3A_154 : vector<1x16xf32> to vector<16xf32>
      %add3A_156 = arith.addf %sub3A_151, %get3A_155 : vector<16xf32>
      %swap3A_157 = arith.index_cast %scan3A_12 : i32 to index
      %swap3A_158 = arith.constant 112 : index
      %swap3A_159 = tpu.vector_load %arg8[%swap3A_157, %swap3A_158] {strides = array<i32>} : memref<128x256xf32, #tpu.memory_space<vmem>>, vector<1x16xf32>,
      %swap3A_160 = vector.shape_cast %swap3A_159 : vector<1x16xf32> to vector<16xf32>
      %swap3A_161 = vector.shape_cast %add3A_156 : vector<16xf32> to vector<1x16xf32>
      tpu.vector_store %arg8[%swap3A_157, %swap3A_158], %swap3A_161 {strides = array<i32>} : memref<128x256xf32, #tpu.memory_space<vmem>>, vector<1x16xf32>,
      %get3A_162 = arith.index_cast %scan3A_12 : i32 to index
      %get3A_163 = arith.constant 128 : index
      %get3A_164 = tpu.vector_load %arg10[%get3A_162, %get3A_163] {strides = array<i32>} : memref<128x256xf32, #tpu.memory_space<vmem>>, vector<1x16xf32>,
      %get3A_165 = vector.shape_cast %get3A_164 : vector<1x16xf32> to vector<16xf32>
      %get3A_166 = arith.index_cast %scan3A_12 : i32 to index
      %get3A_167 = arith.constant 128 : index
      %get3A_168 = tpu.vector_load %arg9[%get3A_166, %get3A_167] {strides = array<i32>} : memref<128x256xf32, #tpu.memory_space<vmem>>, vector<1x16xf32>,
      %get3A_169 = vector.shape_cast %get3A_168 : vector<1x16xf32> to vector<16xf32>
      %sub3A_170 = arith.subf %get3A_165, %get3A_169 : vector<16xf32>
      %get3A_171 = arith.index_cast %scan3A_12 : i32 to index
      %get3A_172 = arith.constant 128 : index
      %get3A_173 = tpu.vector_load %arg8[%get3A_171, %get3A_172] {strides = array<i32>} : memref<128x256xf32, #tpu.memory_space<vmem>>, vector<1x16xf32>,
      %get3A_174 = vector.shape_cast %get3A_173 : vector<1x16xf32> to vector<16xf32>
      %add3A_175 = arith.addf %sub3A_170, %get3A_174 : vector<16xf32>
      %swap3A_176 = arith.index_cast %scan3A_12 : i32 to index
      %swap3A_177 = arith.constant 128 : index
      %swap3A_178 = tpu.vector_load %arg8[%swap3A_176, %swap3A_177] {strides = array<i32>} : memref<128x256xf32, #tpu.memory_space<vmem>>, vector<1x16xf32>,
      %swap3A_179 = vector.shape_cast %swap3A_178 : vector<1x16xf32> to vector<16xf32>
      %swap3A_180 = vector.shape_cast %add3A_175 : vector<16xf32> to vector<1x16xf32>
      tpu.vector_store %arg8[%swap3A_176, %swap3A_177], %swap3A_180 {strides = array<i32>} : memref<128x256xf32, #tpu.memory_space<vmem>>, vector<1x16xf32>,
      %get3A_181 = arith.index_cast %scan3A_12 : i32 to index
      %get3A_182 = arith.constant 144 : index
      %get3A_183 = tpu.vector_load %arg10[%get3A_181, %get3A_182] {strides = array<i32>} : memref<128x256xf32, #tpu.memory_space<vmem>>, vector<1x16xf32>,
      %get3A_184 = vector.shape_cast %get3A_183 : vector<1x16xf32> to vector<16xf32>
      %get3A_185 = arith.index_cast %scan3A_12 : i32 to index
      %get3A_186 = arith.constant 144 : index
      %get3A_187 = tpu.vector_load %arg9[%get3A_185, %get3A_186] {strides = array<i32>} : memref<128x256xf32, #tpu.memory_space<vmem>>, vector<1x16xf32>,
      %get3A_188 = vector.shape_cast %get3A_187 : vector<1x16xf32> to vector<16xf32>
      %sub3A_189 = arith.subf %get3A_184, %get3A_188 : vector<16xf32>
      %get3A_190 = arith.index_cast %scan3A_12 : i32 to index
      %get3A_191 = arith.constant 144 : index
      %get3A_192 = tpu.vector_load %arg8[%get3A_190, %get3A_191] {strides = array<i32>} : memref<128x256xf32, #tpu.memory_space<vmem>>, vector<1x16xf32>,
      %get3A_193 = vector.shape_cast %get3A_192 : vector<1x16xf32> to vector<16xf32>
      %add3A_194 = arith.addf %sub3A_189, %get3A_193 : vector<16xf32>
      %swap3A_195 = arith.index_cast %scan3A_12 : i32 to index
      %swap3A_196 = arith.constant 144 : index
      %swap3A_197 = tpu.vector_load %arg8[%swap3A_195, %swap3A_196] {strides = array<i32>} : memref<128x256xf32, #tpu.memory_space<vmem>>, vector<1x16xf32>,
      %swap3A_198 = vector.shape_cast %swap3A_197 : vector<1x16xf32> to vector<16xf32>
      %swap3A_199 = vector.shape_cast %add3A_194 : vector<16xf32> to vector<1x16xf32>
      tpu.vector_store %arg8[%swap3A_195, %swap3A_196], %swap3A_199 {strides = array<i32>} : memref<128x256xf32, #tpu.memory_space<vmem>>, vector<1x16xf32>,
      %get3A_200 = arith.index_cast %scan3A_12 : i32 to index
      %get3A_201 = arith.constant 160 : index
      %get3A_202 = tpu.vector_load %arg10[%get3A_200, %get3A_201] {strides = array<i32>} : memref<128x256xf32, #tpu.memory_space<vmem>>, vector<1x16xf32>,
      %get3A_203 = vector.shape_cast %get3A_202 : vector<1x16xf32> to vector<16xf32>
      %get3A_204 = arith.index_cast %scan3A_12 : i32 to index
      %get3A_205 = arith.constant 160 : index
      %get3A_206 = tpu.vector_load %arg9[%get3A_204, %get3A_205] {strides = array<i32>} : memref<128x256xf32, #tpu.memory_space<vmem>>, vector<1x16xf32>,
      %get3A_207 = vector.shape_cast %get3A_206 : vector<1x16xf32> to vector<16xf32>
      %sub3A_208 = arith.subf %get3A_203, %get3A_207 : vector<16xf32>
      %get3A_209 = arith.index_cast %scan3A_12 : i32 to index
      %get3A_210 = arith.constant 160 : index
      %get3A_211 = tpu.vector_load %arg8[%get3A_209, %get3A_210] {strides = array<i32>} : memref<128x256xf32, #tpu.memory_space<vmem>>, vector<1x16xf32>,
      %get3A_212 = vector.shape_cast %get3A_211 : vector<1x16xf32> to vector<16xf32>
      %add3A_213 = arith.addf %sub3A_208, %get3A_212 : vector<16xf32>
      %swap3A_214 = arith.index_cast %scan3A_12 : i32 to index
      %swap3A_215 = arith.constant 160 : index
      %swap3A_216 = tpu.vector_load %arg8[%swap3A_214, %swap3A_215] {strides = array<i32>} : memref<128x256xf32, #tpu.memory_space<vmem>>, vector<1x16xf32>,
      %swap3A_217 = vector.shape_cast %swap3A_216 : vector<1x16xf32> to vector<16xf32>
      %swap3A_218 = vector.shape_cast %add3A_213 : vector<16xf32> to vector<1x16xf32>
      tpu.vector_store %arg8[%swap3A_214, %swap3A_215], %swap3A_218 {strides = array<i32>} : memref<128x256xf32, #tpu.memory_space<vmem>>, vector<1x16xf32>,
      %get3A_219 = arith.index_cast %scan3A_12 : i32 to index
      %get3A_220 = arith.constant 176 : index
      %get3A_221 = tpu.vector_load %arg10[%get3A_219, %get3A_220] {strides = array<i32>} : memref<128x256xf32, #tpu.memory_space<vmem>>, vector<1x16xf32>,
      %get3A_222 = vector.shape_cast %get3A_221 : vector<1x16xf32> to vector<16xf32>
      %get3A_223 = arith.index_cast %scan3A_12 : i32 to index
      %get3A_224 = arith.constant 176 : index
      %get3A_225 = tpu.vector_load %arg9[%get3A_223, %get3A_224] {strides = array<i32>} : memref<128x256xf32, #tpu.memory_space<vmem>>, vector<1x16xf32>,
      %get3A_226 = vector.shape_cast %get3A_225 : vector<1x16xf32> to vector<16xf32>
      %sub3A_227 = arith.subf %get3A_222, %get3A_226 : vector<16xf32>
      %get3A_228 = arith.index_cast %scan3A_12 : i32 to index
      %get3A_229 = arith.constant 176 : index
      %get3A_230 = tpu.vector_load %arg8[%get3A_228, %get3A_229] {strides = array<i32>} : memref<128x256xf32, #tpu.memory_space<vmem>>, vector<1x16xf32>,
      %get3A_231 = vector.shape_cast %get3A_230 : vector<1x16xf32> to vector<16xf32>
      %add3A_232 = arith.addf %sub3A_227, %get3A_231 : vector<16xf32>
      %swap3A_233 = arith.index_cast %scan3A_12 : i32 to index
      %swap3A_234 = arith.constant 176 : index
      %swap3A_235 = tpu.vector_load %arg8[%swap3A_233, %swap3A_234] {strides = array<i32>} : memref<128x256xf32, #tpu.memory_space<vmem>>, vector<1x16xf32>,
      %swap3A_236 = vector.shape_cast %swap3A_235 : vector<1x16xf32> to vector<16xf32>
      %swap3A_237 = vector.shape_cast %add3A_232 : vector<16xf32> to vector<1x16xf32>
      tpu.vector_store %arg8[%swap3A_233, %swap3A_234], %swap3A_237 {strides = array<i32>} : memref<128x256xf32, #tpu.memory_space<vmem>>, vector<1x16xf32>,
      %get3A_238 = arith.index_cast %scan3A_12 : i32 to index
      %get3A_239 = arith.constant 192 : index
      %get3A_240 = tpu.vector_load %arg10[%get3A_238, %get3A_239] {strides = array<i32>} : memref<128x256xf32, #tpu.memory_space<vmem>>, vector<1x16xf32>,
      %get3A_241 = vector.shape_cast %get3A_240 : vector<1x16xf32> to vector<16xf32>
      %get3A_242 = arith.index_cast %scan3A_12 : i32 to index
      %get3A_243 = arith.constant 192 : index
      %get3A_244 = tpu.vector_load %arg9[%get3A_242, %get3A_243] {strides = array<i32>} : memref<128x256xf32, #tpu.memory_space<vmem>>, vector<1x16xf32>,
      %get3A_245 = vector.shape_cast %get3A_244 : vector<1x16xf32> to vector<16xf32>
      %sub3A_246 = arith.subf %get3A_241, %get3A_245 : vector<16xf32>
      %get3A_247 = arith.index_cast %scan3A_12 : i32 to index
      %get3A_248 = arith.constant 192 : index
      %get3A_249 = tpu.vector_load %arg8[%get3A_247, %get3A_248] {strides = array<i32>} : memref<128x256xf32, #tpu.memory_space<vmem>>, vector<1x16xf32>,
      %get3A_250 = vector.shape_cast %get3A_249 : vector<1x16xf32> to vector<16xf32>
      %add3A_251 = arith.addf %sub3A_246, %get3A_250 : vector<16xf32>
      %swap3A_252 = arith.index_cast %scan3A_12 : i32 to index
      %swap3A_253 = arith.constant 192 : index
      %swap3A_254 = tpu.vector_load %arg8[%swap3A_252, %swap3A_253] {strides = array<i32>} : memref<128x256xf32, #tpu.memory_space<vmem>>, vector<1x16xf32>,
      %swap3A_255 = vector.shape_cast %swap3A_254 : vector<1x16xf32> to vector<16xf32>
      %swap3A_256 = vector.shape_cast %add3A_251 : vector<16xf32> to vector<1x16xf32>
      tpu.vector_store %arg8[%swap3A_252, %swap3A_253], %swap3A_256 {strides = array<i32>} : memref<128x256xf32, #tpu.memory_space<vmem>>, vector<1x16xf32>,
      %get3A_257 = arith.index_cast %scan3A_12 : i32 to index
      %get3A_258 = arith.constant 208 : index
      %get3A_259 = tpu.vector_load %arg10[%get3A_257, %get3A_258] {strides = array<i32>} : memref<128x256xf32, #tpu.memory_space<vmem>>, vector<1x16xf32>,
      %get3A_260 = vector.shape_cast %get3A_259 : vector<1x16xf32> to vector<16xf32>
      %get3A_261 = arith.index_cast %scan3A_12 : i32 to index
      %get3A_262 = arith.constant 208 : index
      %get3A_263 = tpu.vector_load %arg9[%get3A_261, %get3A_262] {strides = array<i32>} : memref<128x256xf32, #tpu.memory_space<vmem>>, vector<1x16xf32>,
      %get3A_264 = vector.shape_cast %get3A_263 : vector<1x16xf32> to vector<16xf32>
      %sub3A_265 = arith.subf %get3A_260, %get3A_264 : vector<16xf32>
      %get3A_266 = arith.index_cast %scan3A_12 : i32 to index
      %get3A_267 = arith.constant 208 : index
      %get3A_268 = tpu.vector_load %arg8[%get3A_266, %get3A_267] {strides = array<i32>} : memref<128x256xf32, #tpu.memory_space<vmem>>, vector<1x16xf32>,
      %get3A_269 = vector.shape_cast %get3A_268 : vector<1x16xf32> to vector<16xf32>
      %add3A_270 = arith.addf %sub3A_265, %get3A_269 : vector<16xf32>
      %swap3A_271 = arith.index_cast %scan3A_12 : i32 to index
      %swap3A_272 = arith.constant 208 : index
      %swap3A_273 = tpu.vector_load %arg8[%swap3A_271, %swap3A_272] {strides = array<i32>} : memref<128x256xf32, #tpu.memory_space<vmem>>, vector<1x16xf32>,
      %swap3A_274 = vector.shape_cast %swap3A_273 : vector<1x16xf32> to vector<16xf32>
      %swap3A_275 = vector.shape_cast %add3A_270 : vector<16xf32> to vector<1x16xf32>
      tpu.vector_store %arg8[%swap3A_271, %swap3A_272], %swap3A_275 {strides = array<i32>} : memref<128x256xf32, #tpu.memory_space<vmem>>, vector<1x16xf32>,
      %get3A_276 = arith.index_cast %scan3A_12 : i32 to index
      %get3A_277 = arith.constant 224 : index
      %get3A_278 = tpu.vector_load %arg10[%get3A_276, %get3A_277] {strides = array<i32>} : memref<128x256xf32, #tpu.memory_space<vmem>>, vector<1x16xf32>,
      %get3A_279 = vector.shape_cast %get3A_278 : vector<1x16xf32> to vector<16xf32>
      %get3A_280 = arith.index_cast %scan3A_12 : i32 to index
      %get3A_281 = arith.constant 224 : index
      %get3A_282 = tpu.vector_load %arg9[%get3A_280, %get3A_281] {strides = array<i32>} : memref<128x256xf32, #tpu.memory_space<vmem>>, vector<1x16xf32>,
      %get3A_283 = vector.shape_cast %get3A_282 : vector<1x16xf32> to vector<16xf32>
      %sub3A_284 = arith.subf %get3A_279, %get3A_283 : vector<16xf32>
      %get3A_285 = arith.index_cast %scan3A_12 : i32 to index
      %get3A_286 = arith.constant 224 : index
      %get3A_287 = tpu.vector_load %arg8[%get3A_285, %get3A_286] {strides = array<i32>} : memref<128x256xf32, #tpu.memory_space<vmem>>, vector<1x16xf32>,
      %get3A_288 = vector.shape_cast %get3A_287 : vector<1x16xf32> to vector<16xf32>
      %add3A_289 = arith.addf %sub3A_284, %get3A_288 : vector<16xf32>
      %swap3A_290 = arith.index_cast %scan3A_12 : i32 to index
      %swap3A_291 = arith.constant 224 : index
      %swap3A_292 = tpu.vector_load %arg8[%swap3A_290, %swap3A_291] {strides = array<i32>} : memref<128x256xf32, #tpu.memory_space<vmem>>, vector<1x16xf32>,
      %swap3A_293 = vector.shape_cast %swap3A_292 : vector<1x16xf32> to vector<16xf32>
      %swap3A_294 = vector.shape_cast %add3A_289 : vector<16xf32> to vector<1x16xf32>
      tpu.vector_store %arg8[%swap3A_290, %swap3A_291], %swap3A_294 {strides = array<i32>} : memref<128x256xf32, #tpu.memory_space<vmem>>, vector<1x16xf32>,
      %get3A_295 = arith.index_cast %scan3A_12 : i32 to index
      %get3A_296 = arith.constant 240 : index
      %get3A_297 = tpu.vector_load %arg10[%get3A_295, %get3A_296] {strides = array<i32>} : memref<128x256xf32, #tpu.memory_space<vmem>>, vector<1x16xf32>,
      %get3A_298 = vector.shape_cast %get3A_297 : vector<1x16xf32> to vector<16xf32>
      %get3A_299 = arith.index_cast %scan3A_12 : i32 to index
      %get3A_300 = arith.constant 240 : index
      %get3A_301 = tpu.vector_load %arg9[%get3A_299, %get3A_300] {strides = array<i32>} : memref<128x256xf32, #tpu.memory_space<vmem>>, vector<1x16xf32>,
      %get3A_302 = vector.shape_cast %get3A_301 : vector<1x16xf32> to vector<16xf32>
      %sub3A_303 = arith.subf %get3A_298, %get3A_302 : vector<16xf32>
      %get3A_304 = arith.index_cast %scan3A_12 : i32 to index
      %get3A_305 = arith.constant 240 : index
      %get3A_306 = tpu.vector_load %arg8[%get3A_304, %get3A_305] {strides = array<i32>} : memref<128x256xf32, #tpu.memory_space<vmem>>, vector<1x16xf32>,
      %get3A_307 = vector.shape_cast %get3A_306 : vector<1x16xf32> to vector<16xf32>
      %add3A_308 = arith.addf %sub3A_303, %get3A_307 : vector<16xf32>
      %swap3A_309 = arith.index_cast %scan3A_12 : i32 to index
      %swap3A_310 = arith.constant 240 : index
      %swap3A_311 = tpu.vector_load %arg8[%swap3A_309, %swap3A_310] {strides = array<i32>} : memref<128x256xf32, #tpu.memory_space<vmem>>, vector<1x16xf32>,
      %swap3A_312 = vector.shape_cast %swap3A_311 : vector<1x16xf32> to vector<16xf32>
      %swap3A_313 = vector.shape_cast %add3A_308 : vector<16xf32> to vector<1x16xf32>
      tpu.vector_store %arg8[%swap3A_309, %swap3A_310], %swap3A_313 {strides = array<i32>} : memref<128x256xf32, #tpu.memory_space<vmem>>, vector<1x16xf32>,
    }
    %scan3A_11 = arith.constant 128 : i32
    "tpu.region"() ({
      %run_scoped3A = tpu.sem_alloc : memref<!tpu.dma_semaphore, #tpu.memory_space<semaphore_mem>>
      %dma_start3A_12 = arith.constant 0 : i32
      %dma_start3A_13 = tpu.memref_slice %arg6[%mul3A_2, %dma_start3A_12] : memref<4096x256xf32, #tpu.memory_space<hbm>> -> memref<128x256xf32, #tpu.memory_space<hbm>>
      %dma_start3A_14 = arith.constant 0 : i32
      %dma_start3A_15 = tpu.memref_slice %arg6[%mul3A_2, %dma_start3A_14] : memref<4096x256xf32, #tpu.memory_space<hbm>> -> memref<128x256xf32, #tpu.memory_space<hbm>>
      tpu.enqueue_dma source(%arg8 : memref<128x256xf32, #tpu.memory_space<vmem>>) target(%dma_start3A_15 : memref<128x256xf32, #tpu.memory_space<hbm>>) target_semaphore(%run_scoped3A : memref<!tpu.dma_semaphore, #tpu.memory_space<semaphore_mem>>)
      %dma_wait3A_16 = arith.constant 0 : i32
      %dma_wait3A_17 = tpu.memref_slice %arg6[%mul3A_2, %dma_wait3A_16] : memref<4096x256xf32, #tpu.memory_space<hbm>> -> memref<128x256xf32, #tpu.memory_space<hbm>>
      %dma_wait3A_18 = arith.constant 0 : i32
      %dma_wait3A_19 = tpu.memref_slice %arg6[%mul3A_2, %dma_wait3A_18] : memref<4096x256xf32, #tpu.memory_space<hbm>> -> memref<128x256xf32, #tpu.memory_space<hbm>>
      tpu.wait_dma2 semaphore(%run_scoped3A : memref<!tpu.dma_semaphore, #tpu.memory_space<semaphore_mem>>) src(%arg8 : memref<128x256xf32, #tpu.memory_space<vmem>>) dst(%dma_wait3A_19 : memref<128x256xf32, #tpu.memory_space<hbm>>)
      tpu.yield
    }) : () -> ()
    return
  }
}

#map = affine_map<(d0, d1) -> (0, 0)>
#map1 = affine_map<(d0, d1) -> (0)>
module attributes {stable_mosaic.version = 14 : i64} {
  func.func @k(%arg0: i32, %arg1: i32, %arg2: memref<4096x256xf32, #tpu.memory_space<hbm>>, %arg3: memref<4096xi32, #tpu.memory_space<hbm>>, %arg4: memref<8192x256xf32, #tpu.memory_space<hbm>>, %arg5: memref<4096x256xf32, #tpu.memory_space<hbm>>, %arg6: memref<128xi32, #tpu.memory_space<vmem>>, %arg7: memref<128x256xf32, #tpu.memory_space<vmem>>, %arg8: memref<128x256xf32, #tpu.memory_space<vmem>>, %arg9: memref<!tpu.dma_semaphore, #tpu.memory_space<semaphore_mem>>) attributes {dimension_semantics = [#tpu.dimension_semantics<core_parallel>, #tpu.dimension_semantics<subcore_parallel>], iteration_bounds = array<i64: 2, 16>, scalar_prefetch = 0 : i64, scratch_operands = 4 : i64, tpu.core_type = #tpu.core_type<sc_vector_subcore>, window_params = [{transform_indices = #map}, {transform_indices = #map1}, {transform_indices = #map}, {transform_indices = #map}]} {
    %mul3A = arith.constant 2 : i32
    %mul3A_0 = arith.muli %arg1, %mul3A : i32
    %add3A = arith.addi %mul3A_0, %arg0 : i32
    %mul3A_1 = arith.constant 128 : i32
    %mul3A_2 = arith.muli %add3A, %mul3A_1 : i32
    "tpu.region"() ({
      %run_scoped3A = tpu.sem_alloc : memref<!tpu.dma_semaphore, #tpu.memory_space<semaphore_mem>>
      %dma_start3A_12 = tpu.memref_slice %arg3[%mul3A_2] : memref<4096xi32, #tpu.memory_space<hbm>> -> memref<128xi32, #tpu.memory_space<hbm>>
      %dma_start3A_13 = tpu.memref_slice %arg3[%mul3A_2] : memref<4096xi32, #tpu.memory_space<hbm>> -> memref<128xi32, #tpu.memory_space<hbm>>
      tpu.enqueue_dma source(%dma_start3A_13 : memref<128xi32, #tpu.memory_space<hbm>>) target(%arg6 : memref<128xi32, #tpu.memory_space<vmem>>) target_semaphore(%run_scoped3A : memref<!tpu.dma_semaphore, #tpu.memory_space<semaphore_mem>>)
      %dma_wait3A_14 = tpu.memref_slice %arg3[%mul3A_2] : memref<4096xi32, #tpu.memory_space<hbm>> -> memref<128xi32, #tpu.memory_space<hbm>>
      %dma_wait3A_15 = tpu.memref_slice %arg3[%mul3A_2] : memref<4096xi32, #tpu.memory_space<hbm>> -> memref<128xi32, #tpu.memory_space<hbm>>
      tpu.wait_dma2 semaphore(%run_scoped3A : memref<!tpu.dma_semaphore, #tpu.memory_space<semaphore_mem>>) src(%dma_wait3A_15 : memref<128xi32, #tpu.memory_space<hbm>>) dst(%arg6 : memref<128xi32, #tpu.memory_space<vmem>>)
      tpu.yield
    }) : () -> ()
    %dma_start3A = arith.constant 0 : i32
    %dma_start3A_3 = arith.constant 0 : i32
    %dma_start3A_4 = tpu.memref_slice %arg4[%dma_start3A, %dma_start3A_3] : memref<8192x256xf32, #tpu.memory_space<hbm>> -> memref<8192x256xf32, #tpu.memory_space<hbm>>
    tpu.enqueue_indirect_dma source(%dma_start3A_4 : memref<8192x256xf32, #tpu.memory_space<hbm>>) target(%arg7 : memref<128x256xf32, #tpu.memory_space<vmem>>) offsets(%arg6 : memref<128xi32, #tpu.memory_space<vmem>>) semaphore(%arg9 : memref<!tpu.dma_semaphore, #tpu.memory_space<semaphore_mem>>)
    "tpu.region"() ({
      %run_scoped3A = tpu.sem_alloc : memref<!tpu.dma_semaphore, #tpu.memory_space<semaphore_mem>>
      %dma_start3A_12 = arith.constant 0 : i32
      %dma_start3A_13 = tpu.memref_slice %arg2[%mul3A_2, %dma_start3A_12] : memref<4096x256xf32, #tpu.memory_space<hbm>> -> memref<128x256xf32, #tpu.memory_space<hbm>>
      %dma_start3A_14 = arith.constant 0 : i32
      %dma_start3A_15 = tpu.memref_slice %arg2[%mul3A_2, %dma_start3A_14] : memref<4096x256xf32, #tpu.memory_space<hbm>> -> memref<128x256xf32, #tpu.memory_space<hbm>>
      tpu.enqueue_dma source(%dma_start3A_15 : memref<128x256xf32, #tpu.memory_space<hbm>>) target(%arg8 : memref<128x256xf32, #tpu.memory_space<vmem>>) target_semaphore(%run_scoped3A : memref<!tpu.dma_semaphore, #tpu.memory_space<semaphore_mem>>)
      %dma_wait3A_16 = arith.constant 0 : i32
      %dma_wait3A_17 = tpu.memref_slice %arg2[%mul3A_2, %dma_wait3A_16] : memref<4096x256xf32, #tpu.memory_space<hbm>> -> memref<128x256xf32, #tpu.memory_space<hbm>>
      %dma_wait3A_18 = arith.constant 0 : i32
      %dma_wait3A_19 = tpu.memref_slice %arg2[%mul3A_2, %dma_wait3A_18] : memref<4096x256xf32, #tpu.memory_space<hbm>> -> memref<128x256xf32, #tpu.memory_space<hbm>>
      tpu.wait_dma2 semaphore(%run_scoped3A : memref<!tpu.dma_semaphore, #tpu.memory_space<semaphore_mem>>) src(%dma_wait3A_19 : memref<128x256xf32, #tpu.memory_space<hbm>>) dst(%arg8 : memref<128x256xf32, #tpu.memory_space<vmem>>)
      tpu.yield
    }) : () -> ()
    %dma_wait3A = arith.constant 0 : i32
    %dma_wait3A_5 = arith.constant 0 : i32
    %dma_wait3A_6 = tpu.memref_slice %arg4[%dma_wait3A, %dma_wait3A_5] : memref<8192x256xf32, #tpu.memory_space<hbm>> -> memref<8192x256xf32, #tpu.memory_space<hbm>>
    tpu.wait_indirect_dma semaphore(%arg9 : memref<!tpu.dma_semaphore, #tpu.memory_space<semaphore_mem>>) src(%dma_wait3A_6 : memref<8192x256xf32, #tpu.memory_space<hbm>>) dst(%arg7 : memref<128x256xf32, #tpu.memory_space<vmem>>)
    %scan3A = arith.constant 0 : i32
    %scan3A_7 = arith.constant 0 : i32
    %scan3A_8 = arith.constant 128 : i32
    %scan3A_9 = arith.addi %scan3A_7, %scan3A_8 : i32
    %scan3A_10 = arith.constant 1 : i32
    scf.for %scan3A_12 = %scan3A_7 to %scan3A_9 step %scan3A_10  : i32 {
      %get3A = arith.index_cast %scan3A_12 : i32 to index
      %get3A_13 = arith.constant 0 : index
      %get3A_14 = tpu.vector_load %arg8[%get3A, %get3A_13] {strides = array<i32>} : memref<128x256xf32, #tpu.memory_space<vmem>>, vector<1x16xf32>,
      %get3A_15 = vector.shape_cast %get3A_14 : vector<1x16xf32> to vector<16xf32>
      %get3A_16 = arith.index_cast %scan3A_12 : i32 to index
      %get3A_17 = arith.constant 0 : index
      %get3A_18 = tpu.vector_load %arg7[%get3A_16, %get3A_17] {strides = array<i32>} : memref<128x256xf32, #tpu.memory_space<vmem>>, vector<1x16xf32>,
      %get3A_19 = vector.shape_cast %get3A_18 : vector<1x16xf32> to vector<16xf32>
      %sub3A = arith.subf %get3A_15, %get3A_19 : vector<16xf32>
      %swap3A = arith.index_cast %scan3A_12 : i32 to index
      %swap3A_20 = arith.constant 0 : index
      %swap3A_21 = tpu.vector_load %arg7[%swap3A, %swap3A_20] {strides = array<i32>} : memref<128x256xf32, #tpu.memory_space<vmem>>, vector<1x16xf32>,
      %swap3A_22 = vector.shape_cast %swap3A_21 : vector<1x16xf32> to vector<16xf32>
      %swap3A_23 = vector.shape_cast %sub3A : vector<16xf32> to vector<1x16xf32>
      tpu.vector_store %arg7[%swap3A, %swap3A_20], %swap3A_23 {strides = array<i32>} : memref<128x256xf32, #tpu.memory_space<vmem>>, vector<1x16xf32>,
      %get3A_24 = arith.index_cast %scan3A_12 : i32 to index
      %get3A_25 = arith.constant 16 : index
      %get3A_26 = tpu.vector_load %arg8[%get3A_24, %get3A_25] {strides = array<i32>} : memref<128x256xf32, #tpu.memory_space<vmem>>, vector<1x16xf32>,
      %get3A_27 = vector.shape_cast %get3A_26 : vector<1x16xf32> to vector<16xf32>
      %get3A_28 = arith.index_cast %scan3A_12 : i32 to index
      %get3A_29 = arith.constant 16 : index
      %get3A_30 = tpu.vector_load %arg7[%get3A_28, %get3A_29] {strides = array<i32>} : memref<128x256xf32, #tpu.memory_space<vmem>>, vector<1x16xf32>,
      %get3A_31 = vector.shape_cast %get3A_30 : vector<1x16xf32> to vector<16xf32>
      %sub3A_32 = arith.subf %get3A_27, %get3A_31 : vector<16xf32>
      %swap3A_33 = arith.index_cast %scan3A_12 : i32 to index
      %swap3A_34 = arith.constant 16 : index
      %swap3A_35 = tpu.vector_load %arg7[%swap3A_33, %swap3A_34] {strides = array<i32>} : memref<128x256xf32, #tpu.memory_space<vmem>>, vector<1x16xf32>,
      %swap3A_36 = vector.shape_cast %swap3A_35 : vector<1x16xf32> to vector<16xf32>
      %swap3A_37 = vector.shape_cast %sub3A_32 : vector<16xf32> to vector<1x16xf32>
      tpu.vector_store %arg7[%swap3A_33, %swap3A_34], %swap3A_37 {strides = array<i32>} : memref<128x256xf32, #tpu.memory_space<vmem>>, vector<1x16xf32>,
      %get3A_38 = arith.index_cast %scan3A_12 : i32 to index
      %get3A_39 = arith.constant 32 : index
      %get3A_40 = tpu.vector_load %arg8[%get3A_38, %get3A_39] {strides = array<i32>} : memref<128x256xf32, #tpu.memory_space<vmem>>, vector<1x16xf32>,
      %get3A_41 = vector.shape_cast %get3A_40 : vector<1x16xf32> to vector<16xf32>
      %get3A_42 = arith.index_cast %scan3A_12 : i32 to index
      %get3A_43 = arith.constant 32 : index
      %get3A_44 = tpu.vector_load %arg7[%get3A_42, %get3A_43] {strides = array<i32>} : memref<128x256xf32, #tpu.memory_space<vmem>>, vector<1x16xf32>,
      %get3A_45 = vector.shape_cast %get3A_44 : vector<1x16xf32> to vector<16xf32>
      %sub3A_46 = arith.subf %get3A_41, %get3A_45 : vector<16xf32>
      %swap3A_47 = arith.index_cast %scan3A_12 : i32 to index
      %swap3A_48 = arith.constant 32 : index
      %swap3A_49 = tpu.vector_load %arg7[%swap3A_47, %swap3A_48] {strides = array<i32>} : memref<128x256xf32, #tpu.memory_space<vmem>>, vector<1x16xf32>,
      %swap3A_50 = vector.shape_cast %swap3A_49 : vector<1x16xf32> to vector<16xf32>
      %swap3A_51 = vector.shape_cast %sub3A_46 : vector<16xf32> to vector<1x16xf32>
      tpu.vector_store %arg7[%swap3A_47, %swap3A_48], %swap3A_51 {strides = array<i32>} : memref<128x256xf32, #tpu.memory_space<vmem>>, vector<1x16xf32>,
      %get3A_52 = arith.index_cast %scan3A_12 : i32 to index
      %get3A_53 = arith.constant 48 : index
      %get3A_54 = tpu.vector_load %arg8[%get3A_52, %get3A_53] {strides = array<i32>} : memref<128x256xf32, #tpu.memory_space<vmem>>, vector<1x16xf32>,
      %get3A_55 = vector.shape_cast %get3A_54 : vector<1x16xf32> to vector<16xf32>
      %get3A_56 = arith.index_cast %scan3A_12 : i32 to index
      %get3A_57 = arith.constant 48 : index
      %get3A_58 = tpu.vector_load %arg7[%get3A_56, %get3A_57] {strides = array<i32>} : memref<128x256xf32, #tpu.memory_space<vmem>>, vector<1x16xf32>,
      %get3A_59 = vector.shape_cast %get3A_58 : vector<1x16xf32> to vector<16xf32>
      %sub3A_60 = arith.subf %get3A_55, %get3A_59 : vector<16xf32>
      %swap3A_61 = arith.index_cast %scan3A_12 : i32 to index
      %swap3A_62 = arith.constant 48 : index
      %swap3A_63 = tpu.vector_load %arg7[%swap3A_61, %swap3A_62] {strides = array<i32>} : memref<128x256xf32, #tpu.memory_space<vmem>>, vector<1x16xf32>,
      %swap3A_64 = vector.shape_cast %swap3A_63 : vector<1x16xf32> to vector<16xf32>
      %swap3A_65 = vector.shape_cast %sub3A_60 : vector<16xf32> to vector<1x16xf32>
      tpu.vector_store %arg7[%swap3A_61, %swap3A_62], %swap3A_65 {strides = array<i32>} : memref<128x256xf32, #tpu.memory_space<vmem>>, vector<1x16xf32>,
      %get3A_66 = arith.index_cast %scan3A_12 : i32 to index
      %get3A_67 = arith.constant 64 : index
      %get3A_68 = tpu.vector_load %arg8[%get3A_66, %get3A_67] {strides = array<i32>} : memref<128x256xf32, #tpu.memory_space<vmem>>, vector<1x16xf32>,
      %get3A_69 = vector.shape_cast %get3A_68 : vector<1x16xf32> to vector<16xf32>
      %get3A_70 = arith.index_cast %scan3A_12 : i32 to index
      %get3A_71 = arith.constant 64 : index
      %get3A_72 = tpu.vector_load %arg7[%get3A_70, %get3A_71] {strides = array<i32>} : memref<128x256xf32, #tpu.memory_space<vmem>>, vector<1x16xf32>,
      %get3A_73 = vector.shape_cast %get3A_72 : vector<1x16xf32> to vector<16xf32>
      %sub3A_74 = arith.subf %get3A_69, %get3A_73 : vector<16xf32>
      %swap3A_75 = arith.index_cast %scan3A_12 : i32 to index
      %swap3A_76 = arith.constant 64 : index
      %swap3A_77 = tpu.vector_load %arg7[%swap3A_75, %swap3A_76] {strides = array<i32>} : memref<128x256xf32, #tpu.memory_space<vmem>>, vector<1x16xf32>,
      %swap3A_78 = vector.shape_cast %swap3A_77 : vector<1x16xf32> to vector<16xf32>
      %swap3A_79 = vector.shape_cast %sub3A_74 : vector<16xf32> to vector<1x16xf32>
      tpu.vector_store %arg7[%swap3A_75, %swap3A_76], %swap3A_79 {strides = array<i32>} : memref<128x256xf32, #tpu.memory_space<vmem>>, vector<1x16xf32>,
      %get3A_80 = arith.index_cast %scan3A_12 : i32 to index
      %get3A_81 = arith.constant 80 : index
      %get3A_82 = tpu.vector_load %arg8[%get3A_80, %get3A_81] {strides = array<i32>} : memref<128x256xf32, #tpu.memory_space<vmem>>, vector<1x16xf32>,
      %get3A_83 = vector.shape_cast %get3A_82 : vector<1x16xf32> to vector<16xf32>
      %get3A_84 = arith.index_cast %scan3A_12 : i32 to index
      %get3A_85 = arith.constant 80 : index
      %get3A_86 = tpu.vector_load %arg7[%get3A_84, %get3A_85] {strides = array<i32>} : memref<128x256xf32, #tpu.memory_space<vmem>>, vector<1x16xf32>,
      %get3A_87 = vector.shape_cast %get3A_86 : vector<1x16xf32> to vector<16xf32>
      %sub3A_88 = arith.subf %get3A_83, %get3A_87 : vector<16xf32>
      %swap3A_89 = arith.index_cast %scan3A_12 : i32 to index
      %swap3A_90 = arith.constant 80 : index
      %swap3A_91 = tpu.vector_load %arg7[%swap3A_89, %swap3A_90] {strides = array<i32>} : memref<128x256xf32, #tpu.memory_space<vmem>>, vector<1x16xf32>,
      %swap3A_92 = vector.shape_cast %swap3A_91 : vector<1x16xf32> to vector<16xf32>
      %swap3A_93 = vector.shape_cast %sub3A_88 : vector<16xf32> to vector<1x16xf32>
      tpu.vector_store %arg7[%swap3A_89, %swap3A_90], %swap3A_93 {strides = array<i32>} : memref<128x256xf32, #tpu.memory_space<vmem>>, vector<1x16xf32>,
      %get3A_94 = arith.index_cast %scan3A_12 : i32 to index
      %get3A_95 = arith.constant 96 : index
      %get3A_96 = tpu.vector_load %arg8[%get3A_94, %get3A_95] {strides = array<i32>} : memref<128x256xf32, #tpu.memory_space<vmem>>, vector<1x16xf32>,
      %get3A_97 = vector.shape_cast %get3A_96 : vector<1x16xf32> to vector<16xf32>
      %get3A_98 = arith.index_cast %scan3A_12 : i32 to index
      %get3A_99 = arith.constant 96 : index
      %get3A_100 = tpu.vector_load %arg7[%get3A_98, %get3A_99] {strides = array<i32>} : memref<128x256xf32, #tpu.memory_space<vmem>>, vector<1x16xf32>,
      %get3A_101 = vector.shape_cast %get3A_100 : vector<1x16xf32> to vector<16xf32>
      %sub3A_102 = arith.subf %get3A_97, %get3A_101 : vector<16xf32>
      %swap3A_103 = arith.index_cast %scan3A_12 : i32 to index
      %swap3A_104 = arith.constant 96 : index
      %swap3A_105 = tpu.vector_load %arg7[%swap3A_103, %swap3A_104] {strides = array<i32>} : memref<128x256xf32, #tpu.memory_space<vmem>>, vector<1x16xf32>,
      %swap3A_106 = vector.shape_cast %swap3A_105 : vector<1x16xf32> to vector<16xf32>
      %swap3A_107 = vector.shape_cast %sub3A_102 : vector<16xf32> to vector<1x16xf32>
      tpu.vector_store %arg7[%swap3A_103, %swap3A_104], %swap3A_107 {strides = array<i32>} : memref<128x256xf32, #tpu.memory_space<vmem>>, vector<1x16xf32>,
      %get3A_108 = arith.index_cast %scan3A_12 : i32 to index
      %get3A_109 = arith.constant 112 : index
      %get3A_110 = tpu.vector_load %arg8[%get3A_108, %get3A_109] {strides = array<i32>} : memref<128x256xf32, #tpu.memory_space<vmem>>, vector<1x16xf32>,
      %get3A_111 = vector.shape_cast %get3A_110 : vector<1x16xf32> to vector<16xf32>
      %get3A_112 = arith.index_cast %scan3A_12 : i32 to index
      %get3A_113 = arith.constant 112 : index
      %get3A_114 = tpu.vector_load %arg7[%get3A_112, %get3A_113] {strides = array<i32>} : memref<128x256xf32, #tpu.memory_space<vmem>>, vector<1x16xf32>,
      %get3A_115 = vector.shape_cast %get3A_114 : vector<1x16xf32> to vector<16xf32>
      %sub3A_116 = arith.subf %get3A_111, %get3A_115 : vector<16xf32>
      %swap3A_117 = arith.index_cast %scan3A_12 : i32 to index
      %swap3A_118 = arith.constant 112 : index
      %swap3A_119 = tpu.vector_load %arg7[%swap3A_117, %swap3A_118] {strides = array<i32>} : memref<128x256xf32, #tpu.memory_space<vmem>>, vector<1x16xf32>,
      %swap3A_120 = vector.shape_cast %swap3A_119 : vector<1x16xf32> to vector<16xf32>
      %swap3A_121 = vector.shape_cast %sub3A_116 : vector<16xf32> to vector<1x16xf32>
      tpu.vector_store %arg7[%swap3A_117, %swap3A_118], %swap3A_121 {strides = array<i32>} : memref<128x256xf32, #tpu.memory_space<vmem>>, vector<1x16xf32>,
      %get3A_122 = arith.index_cast %scan3A_12 : i32 to index
      %get3A_123 = arith.constant 128 : index
      %get3A_124 = tpu.vector_load %arg8[%get3A_122, %get3A_123] {strides = array<i32>} : memref<128x256xf32, #tpu.memory_space<vmem>>, vector<1x16xf32>,
      %get3A_125 = vector.shape_cast %get3A_124 : vector<1x16xf32> to vector<16xf32>
      %get3A_126 = arith.index_cast %scan3A_12 : i32 to index
      %get3A_127 = arith.constant 128 : index
      %get3A_128 = tpu.vector_load %arg7[%get3A_126, %get3A_127] {strides = array<i32>} : memref<128x256xf32, #tpu.memory_space<vmem>>, vector<1x16xf32>,
      %get3A_129 = vector.shape_cast %get3A_128 : vector<1x16xf32> to vector<16xf32>
      %sub3A_130 = arith.subf %get3A_125, %get3A_129 : vector<16xf32>
      %swap3A_131 = arith.index_cast %scan3A_12 : i32 to index
      %swap3A_132 = arith.constant 128 : index
      %swap3A_133 = tpu.vector_load %arg7[%swap3A_131, %swap3A_132] {strides = array<i32>} : memref<128x256xf32, #tpu.memory_space<vmem>>, vector<1x16xf32>,
      %swap3A_134 = vector.shape_cast %swap3A_133 : vector<1x16xf32> to vector<16xf32>
      %swap3A_135 = vector.shape_cast %sub3A_130 : vector<16xf32> to vector<1x16xf32>
      tpu.vector_store %arg7[%swap3A_131, %swap3A_132], %swap3A_135 {strides = array<i32>} : memref<128x256xf32, #tpu.memory_space<vmem>>, vector<1x16xf32>,
      %get3A_136 = arith.index_cast %scan3A_12 : i32 to index
      %get3A_137 = arith.constant 144 : index
      %get3A_138 = tpu.vector_load %arg8[%get3A_136, %get3A_137] {strides = array<i32>} : memref<128x256xf32, #tpu.memory_space<vmem>>, vector<1x16xf32>,
      %get3A_139 = vector.shape_cast %get3A_138 : vector<1x16xf32> to vector<16xf32>
      %get3A_140 = arith.index_cast %scan3A_12 : i32 to index
      %get3A_141 = arith.constant 144 : index
      %get3A_142 = tpu.vector_load %arg7[%get3A_140, %get3A_141] {strides = array<i32>} : memref<128x256xf32, #tpu.memory_space<vmem>>, vector<1x16xf32>,
      %get3A_143 = vector.shape_cast %get3A_142 : vector<1x16xf32> to vector<16xf32>
      %sub3A_144 = arith.subf %get3A_139, %get3A_143 : vector<16xf32>
      %swap3A_145 = arith.index_cast %scan3A_12 : i32 to index
      %swap3A_146 = arith.constant 144 : index
      %swap3A_147 = tpu.vector_load %arg7[%swap3A_145, %swap3A_146] {strides = array<i32>} : memref<128x256xf32, #tpu.memory_space<vmem>>, vector<1x16xf32>,
      %swap3A_148 = vector.shape_cast %swap3A_147 : vector<1x16xf32> to vector<16xf32>
      %swap3A_149 = vector.shape_cast %sub3A_144 : vector<16xf32> to vector<1x16xf32>
      tpu.vector_store %arg7[%swap3A_145, %swap3A_146], %swap3A_149 {strides = array<i32>} : memref<128x256xf32, #tpu.memory_space<vmem>>, vector<1x16xf32>,
      %get3A_150 = arith.index_cast %scan3A_12 : i32 to index
      %get3A_151 = arith.constant 160 : index
      %get3A_152 = tpu.vector_load %arg8[%get3A_150, %get3A_151] {strides = array<i32>} : memref<128x256xf32, #tpu.memory_space<vmem>>, vector<1x16xf32>,
      %get3A_153 = vector.shape_cast %get3A_152 : vector<1x16xf32> to vector<16xf32>
      %get3A_154 = arith.index_cast %scan3A_12 : i32 to index
      %get3A_155 = arith.constant 160 : index
      %get3A_156 = tpu.vector_load %arg7[%get3A_154, %get3A_155] {strides = array<i32>} : memref<128x256xf32, #tpu.memory_space<vmem>>, vector<1x16xf32>,
      %get3A_157 = vector.shape_cast %get3A_156 : vector<1x16xf32> to vector<16xf32>
      %sub3A_158 = arith.subf %get3A_153, %get3A_157 : vector<16xf32>
      %swap3A_159 = arith.index_cast %scan3A_12 : i32 to index
      %swap3A_160 = arith.constant 160 : index
      %swap3A_161 = tpu.vector_load %arg7[%swap3A_159, %swap3A_160] {strides = array<i32>} : memref<128x256xf32, #tpu.memory_space<vmem>>, vector<1x16xf32>,
      %swap3A_162 = vector.shape_cast %swap3A_161 : vector<1x16xf32> to vector<16xf32>
      %swap3A_163 = vector.shape_cast %sub3A_158 : vector<16xf32> to vector<1x16xf32>
      tpu.vector_store %arg7[%swap3A_159, %swap3A_160], %swap3A_163 {strides = array<i32>} : memref<128x256xf32, #tpu.memory_space<vmem>>, vector<1x16xf32>,
      %get3A_164 = arith.index_cast %scan3A_12 : i32 to index
      %get3A_165 = arith.constant 176 : index
      %get3A_166 = tpu.vector_load %arg8[%get3A_164, %get3A_165] {strides = array<i32>} : memref<128x256xf32, #tpu.memory_space<vmem>>, vector<1x16xf32>,
      %get3A_167 = vector.shape_cast %get3A_166 : vector<1x16xf32> to vector<16xf32>
      %get3A_168 = arith.index_cast %scan3A_12 : i32 to index
      %get3A_169 = arith.constant 176 : index
      %get3A_170 = tpu.vector_load %arg7[%get3A_168, %get3A_169] {strides = array<i32>} : memref<128x256xf32, #tpu.memory_space<vmem>>, vector<1x16xf32>,
      %get3A_171 = vector.shape_cast %get3A_170 : vector<1x16xf32> to vector<16xf32>
      %sub3A_172 = arith.subf %get3A_167, %get3A_171 : vector<16xf32>
      %swap3A_173 = arith.index_cast %scan3A_12 : i32 to index
      %swap3A_174 = arith.constant 176 : index
      %swap3A_175 = tpu.vector_load %arg7[%swap3A_173, %swap3A_174] {strides = array<i32>} : memref<128x256xf32, #tpu.memory_space<vmem>>, vector<1x16xf32>,
      %swap3A_176 = vector.shape_cast %swap3A_175 : vector<1x16xf32> to vector<16xf32>
      %swap3A_177 = vector.shape_cast %sub3A_172 : vector<16xf32> to vector<1x16xf32>
      tpu.vector_store %arg7[%swap3A_173, %swap3A_174], %swap3A_177 {strides = array<i32>} : memref<128x256xf32, #tpu.memory_space<vmem>>, vector<1x16xf32>,
      %get3A_178 = arith.index_cast %scan3A_12 : i32 to index
      %get3A_179 = arith.constant 192 : index
      %get3A_180 = tpu.vector_load %arg8[%get3A_178, %get3A_179] {strides = array<i32>} : memref<128x256xf32, #tpu.memory_space<vmem>>, vector<1x16xf32>,
      %get3A_181 = vector.shape_cast %get3A_180 : vector<1x16xf32> to vector<16xf32>
      %get3A_182 = arith.index_cast %scan3A_12 : i32 to index
      %get3A_183 = arith.constant 192 : index
      %get3A_184 = tpu.vector_load %arg7[%get3A_182, %get3A_183] {strides = array<i32>} : memref<128x256xf32, #tpu.memory_space<vmem>>, vector<1x16xf32>,
      %get3A_185 = vector.shape_cast %get3A_184 : vector<1x16xf32> to vector<16xf32>
      %sub3A_186 = arith.subf %get3A_181, %get3A_185 : vector<16xf32>
      %swap3A_187 = arith.index_cast %scan3A_12 : i32 to index
      %swap3A_188 = arith.constant 192 : index
      %swap3A_189 = tpu.vector_load %arg7[%swap3A_187, %swap3A_188] {strides = array<i32>} : memref<128x256xf32, #tpu.memory_space<vmem>>, vector<1x16xf32>,
      %swap3A_190 = vector.shape_cast %swap3A_189 : vector<1x16xf32> to vector<16xf32>
      %swap3A_191 = vector.shape_cast %sub3A_186 : vector<16xf32> to vector<1x16xf32>
      tpu.vector_store %arg7[%swap3A_187, %swap3A_188], %swap3A_191 {strides = array<i32>} : memref<128x256xf32, #tpu.memory_space<vmem>>, vector<1x16xf32>,
      %get3A_192 = arith.index_cast %scan3A_12 : i32 to index
      %get3A_193 = arith.constant 208 : index
      %get3A_194 = tpu.vector_load %arg8[%get3A_192, %get3A_193] {strides = array<i32>} : memref<128x256xf32, #tpu.memory_space<vmem>>, vector<1x16xf32>,
      %get3A_195 = vector.shape_cast %get3A_194 : vector<1x16xf32> to vector<16xf32>
      %get3A_196 = arith.index_cast %scan3A_12 : i32 to index
      %get3A_197 = arith.constant 208 : index
      %get3A_198 = tpu.vector_load %arg7[%get3A_196, %get3A_197] {strides = array<i32>} : memref<128x256xf32, #tpu.memory_space<vmem>>, vector<1x16xf32>,
      %get3A_199 = vector.shape_cast %get3A_198 : vector<1x16xf32> to vector<16xf32>
      %sub3A_200 = arith.subf %get3A_195, %get3A_199 : vector<16xf32>
      %swap3A_201 = arith.index_cast %scan3A_12 : i32 to index
      %swap3A_202 = arith.constant 208 : index
      %swap3A_203 = tpu.vector_load %arg7[%swap3A_201, %swap3A_202] {strides = array<i32>} : memref<128x256xf32, #tpu.memory_space<vmem>>, vector<1x16xf32>,
      %swap3A_204 = vector.shape_cast %swap3A_203 : vector<1x16xf32> to vector<16xf32>
      %swap3A_205 = vector.shape_cast %sub3A_200 : vector<16xf32> to vector<1x16xf32>
      tpu.vector_store %arg7[%swap3A_201, %swap3A_202], %swap3A_205 {strides = array<i32>} : memref<128x256xf32, #tpu.memory_space<vmem>>, vector<1x16xf32>,
      %get3A_206 = arith.index_cast %scan3A_12 : i32 to index
      %get3A_207 = arith.constant 224 : index
      %get3A_208 = tpu.vector_load %arg8[%get3A_206, %get3A_207] {strides = array<i32>} : memref<128x256xf32, #tpu.memory_space<vmem>>, vector<1x16xf32>,
      %get3A_209 = vector.shape_cast %get3A_208 : vector<1x16xf32> to vector<16xf32>
      %get3A_210 = arith.index_cast %scan3A_12 : i32 to index
      %get3A_211 = arith.constant 224 : index
      %get3A_212 = tpu.vector_load %arg7[%get3A_210, %get3A_211] {strides = array<i32>} : memref<128x256xf32, #tpu.memory_space<vmem>>, vector<1x16xf32>,
      %get3A_213 = vector.shape_cast %get3A_212 : vector<1x16xf32> to vector<16xf32>
      %sub3A_214 = arith.subf %get3A_209, %get3A_213 : vector<16xf32>
      %swap3A_215 = arith.index_cast %scan3A_12 : i32 to index
      %swap3A_216 = arith.constant 224 : index
      %swap3A_217 = tpu.vector_load %arg7[%swap3A_215, %swap3A_216] {strides = array<i32>} : memref<128x256xf32, #tpu.memory_space<vmem>>, vector<1x16xf32>,
      %swap3A_218 = vector.shape_cast %swap3A_217 : vector<1x16xf32> to vector<16xf32>
      %swap3A_219 = vector.shape_cast %sub3A_214 : vector<16xf32> to vector<1x16xf32>
      tpu.vector_store %arg7[%swap3A_215, %swap3A_216], %swap3A_219 {strides = array<i32>} : memref<128x256xf32, #tpu.memory_space<vmem>>, vector<1x16xf32>,
      %get3A_220 = arith.index_cast %scan3A_12 : i32 to index
      %get3A_221 = arith.constant 240 : index
      %get3A_222 = tpu.vector_load %arg8[%get3A_220, %get3A_221] {strides = array<i32>} : memref<128x256xf32, #tpu.memory_space<vmem>>, vector<1x16xf32>,
      %get3A_223 = vector.shape_cast %get3A_222 : vector<1x16xf32> to vector<16xf32>
      %get3A_224 = arith.index_cast %scan3A_12 : i32 to index
      %get3A_225 = arith.constant 240 : index
      %get3A_226 = tpu.vector_load %arg7[%get3A_224, %get3A_225] {strides = array<i32>} : memref<128x256xf32, #tpu.memory_space<vmem>>, vector<1x16xf32>,
      %get3A_227 = vector.shape_cast %get3A_226 : vector<1x16xf32> to vector<16xf32>
      %sub3A_228 = arith.subf %get3A_223, %get3A_227 : vector<16xf32>
      %swap3A_229 = arith.index_cast %scan3A_12 : i32 to index
      %swap3A_230 = arith.constant 240 : index
      %swap3A_231 = tpu.vector_load %arg7[%swap3A_229, %swap3A_230] {strides = array<i32>} : memref<128x256xf32, #tpu.memory_space<vmem>>, vector<1x16xf32>,
      %swap3A_232 = vector.shape_cast %swap3A_231 : vector<1x16xf32> to vector<16xf32>
      %swap3A_233 = vector.shape_cast %sub3A_228 : vector<16xf32> to vector<1x16xf32>
      tpu.vector_store %arg7[%swap3A_229, %swap3A_230], %swap3A_233 {strides = array<i32>} : memref<128x256xf32, #tpu.memory_space<vmem>>, vector<1x16xf32>,
    }
    %scan3A_11 = arith.constant 128 : i32
    "tpu.region"() ({
      %run_scoped3A = tpu.sem_alloc : memref<!tpu.dma_semaphore, #tpu.memory_space<semaphore_mem>>
      %dma_start3A_12 = arith.constant 0 : i32
      %dma_start3A_13 = tpu.memref_slice %arg5[%mul3A_2, %dma_start3A_12] : memref<4096x256xf32, #tpu.memory_space<hbm>> -> memref<128x256xf32, #tpu.memory_space<hbm>>
      %dma_start3A_14 = arith.constant 0 : i32
      %dma_start3A_15 = tpu.memref_slice %arg5[%mul3A_2, %dma_start3A_14] : memref<4096x256xf32, #tpu.memory_space<hbm>> -> memref<128x256xf32, #tpu.memory_space<hbm>>
      tpu.enqueue_dma source(%arg7 : memref<128x256xf32, #tpu.memory_space<vmem>>) target(%dma_start3A_15 : memref<128x256xf32, #tpu.memory_space<hbm>>) target_semaphore(%run_scoped3A : memref<!tpu.dma_semaphore, #tpu.memory_space<semaphore_mem>>)
      %dma_wait3A_16 = arith.constant 0 : i32
      %dma_wait3A_17 = tpu.memref_slice %arg5[%mul3A_2, %dma_wait3A_16] : memref<4096x256xf32, #tpu.memory_space<hbm>> -> memref<128x256xf32, #tpu.memory_space<hbm>>
      %dma_wait3A_18 = arith.constant 0 : i32
      %dma_wait3A_19 = tpu.memref_slice %arg5[%mul3A_2, %dma_wait3A_18] : memref<4096x256xf32, #tpu.memory_space<hbm>> -> memref<128x256xf32, #tpu.memory_space<hbm>>
      tpu.wait_dma2 semaphore(%run_scoped3A : memref<!tpu.dma_semaphore, #tpu.memory_space<semaphore_mem>>) src(%arg7 : memref<128x256xf32, #tpu.memory_space<vmem>>) dst(%dma_wait3A_19 : memref<128x256xf32, #tpu.memory_space<hbm>>)
      tpu.yield
    }) : () -> ()
    return
  }
}

#map = affine_map<(d0, d1) -> (0, 0)>
#map1 = affine_map<(d0, d1) -> (0)>
module attributes {stable_mosaic.version = 14 : i64} {
  func.func @k(%arg0: i32, %arg1: i32, %arg2: memref<4096x256xf32, #tpu.memory_space<hbm>>, %arg3: memref<4096xi32, #tpu.memory_space<hbm>>, %arg4: memref<8192x256xf32, #tpu.memory_space<hbm>>, %arg5: memref<4096x256xf32, #tpu.memory_space<hbm>>, %arg6: memref<128xi32, #tpu.memory_space<vmem>>, %arg7: memref<128x256xf32, #tpu.memory_space<vmem>>, %arg8: memref<128x256xf32, #tpu.memory_space<vmem>>, %arg9: memref<!tpu.dma_semaphore, #tpu.memory_space<semaphore_mem>>) attributes {dimension_semantics = [#tpu.dimension_semantics<core_parallel>, #tpu.dimension_semantics<subcore_parallel>], iteration_bounds = array<i64: 2, 16>, scalar_prefetch = 0 : i64, scratch_operands = 4 : i64, tpu.core_type = #tpu.core_type<sc_vector_subcore>, window_params = [{transform_indices = #map}, {transform_indices = #map1}, {transform_indices = #map}, {transform_indices = #map}]} {
    %mul3A = arith.constant 2 : i32
    %mul3A_0 = arith.muli %arg1, %mul3A : i32
    %add3A = arith.addi %mul3A_0, %arg0 : i32
    %mul3A_1 = arith.constant 128 : i32
    %mul3A_2 = arith.muli %add3A, %mul3A_1 : i32
    "tpu.region"() ({
      %run_scoped3A = tpu.sem_alloc : memref<!tpu.dma_semaphore, #tpu.memory_space<semaphore_mem>>
      %dma_start3A_12 = tpu.memref_slice %arg3[%mul3A_2] : memref<4096xi32, #tpu.memory_space<hbm>> -> memref<128xi32, #tpu.memory_space<hbm>>
      %dma_start3A_13 = tpu.memref_slice %arg3[%mul3A_2] : memref<4096xi32, #tpu.memory_space<hbm>> -> memref<128xi32, #tpu.memory_space<hbm>>
      tpu.enqueue_dma source(%dma_start3A_13 : memref<128xi32, #tpu.memory_space<hbm>>) target(%arg6 : memref<128xi32, #tpu.memory_space<vmem>>) target_semaphore(%run_scoped3A : memref<!tpu.dma_semaphore, #tpu.memory_space<semaphore_mem>>)
      %dma_wait3A_14 = tpu.memref_slice %arg3[%mul3A_2] : memref<4096xi32, #tpu.memory_space<hbm>> -> memref<128xi32, #tpu.memory_space<hbm>>
      %dma_wait3A_15 = tpu.memref_slice %arg3[%mul3A_2] : memref<4096xi32, #tpu.memory_space<hbm>> -> memref<128xi32, #tpu.memory_space<hbm>>
      tpu.wait_dma2 semaphore(%run_scoped3A : memref<!tpu.dma_semaphore, #tpu.memory_space<semaphore_mem>>) src(%dma_wait3A_15 : memref<128xi32, #tpu.memory_space<hbm>>) dst(%arg6 : memref<128xi32, #tpu.memory_space<vmem>>)
      tpu.yield
    }) : () -> ()
    %dma_start3A = arith.constant 0 : i32
    %dma_start3A_3 = arith.constant 0 : i32
    %dma_start3A_4 = tpu.memref_slice %arg4[%dma_start3A, %dma_start3A_3] : memref<8192x256xf32, #tpu.memory_space<hbm>> -> memref<8192x256xf32, #tpu.memory_space<hbm>>
    tpu.enqueue_indirect_dma source(%dma_start3A_4 : memref<8192x256xf32, #tpu.memory_space<hbm>>) target(%arg7 : memref<128x256xf32, #tpu.memory_space<vmem>>) offsets(%arg6 : memref<128xi32, #tpu.memory_space<vmem>>) semaphore(%arg9 : memref<!tpu.dma_semaphore, #tpu.memory_space<semaphore_mem>>)
    "tpu.region"() ({
      %run_scoped3A = tpu.sem_alloc : memref<!tpu.dma_semaphore, #tpu.memory_space<semaphore_mem>>
      %dma_start3A_12 = arith.constant 0 : i32
      %dma_start3A_13 = tpu.memref_slice %arg2[%mul3A_2, %dma_start3A_12] : memref<4096x256xf32, #tpu.memory_space<hbm>> -> memref<128x256xf32, #tpu.memory_space<hbm>>
      %dma_start3A_14 = arith.constant 0 : i32
      %dma_start3A_15 = tpu.memref_slice %arg2[%mul3A_2, %dma_start3A_14] : memref<4096x256xf32, #tpu.memory_space<hbm>> -> memref<128x256xf32, #tpu.memory_space<hbm>>
      tpu.enqueue_dma source(%dma_start3A_15 : memref<128x256xf32, #tpu.memory_space<hbm>>) target(%arg8 : memref<128x256xf32, #tpu.memory_space<vmem>>) target_semaphore(%run_scoped3A : memref<!tpu.dma_semaphore, #tpu.memory_space<semaphore_mem>>)
      %dma_wait3A_16 = arith.constant 0 : i32
      %dma_wait3A_17 = tpu.memref_slice %arg2[%mul3A_2, %dma_wait3A_16] : memref<4096x256xf32, #tpu.memory_space<hbm>> -> memref<128x256xf32, #tpu.memory_space<hbm>>
      %dma_wait3A_18 = arith.constant 0 : i32
      %dma_wait3A_19 = tpu.memref_slice %arg2[%mul3A_2, %dma_wait3A_18] : memref<4096x256xf32, #tpu.memory_space<hbm>> -> memref<128x256xf32, #tpu.memory_space<hbm>>
      tpu.wait_dma2 semaphore(%run_scoped3A : memref<!tpu.dma_semaphore, #tpu.memory_space<semaphore_mem>>) src(%dma_wait3A_19 : memref<128x256xf32, #tpu.memory_space<hbm>>) dst(%arg8 : memref<128x256xf32, #tpu.memory_space<vmem>>)
      tpu.yield
    }) : () -> ()
    %dma_wait3A = arith.constant 0 : i32
    %dma_wait3A_5 = arith.constant 0 : i32
    %dma_wait3A_6 = tpu.memref_slice %arg4[%dma_wait3A, %dma_wait3A_5] : memref<8192x256xf32, #tpu.memory_space<hbm>> -> memref<8192x256xf32, #tpu.memory_space<hbm>>
    tpu.wait_indirect_dma semaphore(%arg9 : memref<!tpu.dma_semaphore, #tpu.memory_space<semaphore_mem>>) src(%dma_wait3A_6 : memref<8192x256xf32, #tpu.memory_space<hbm>>) dst(%arg7 : memref<128x256xf32, #tpu.memory_space<vmem>>)
    %scan3A = arith.constant 0 : i32
    %scan3A_7 = arith.constant 0 : i32
    %scan3A_8 = arith.constant 128 : i32
    %scan3A_9 = arith.addi %scan3A_7, %scan3A_8 : i32
    %scan3A_10 = arith.constant 1 : i32
    scf.for %scan3A_12 = %scan3A_7 to %scan3A_9 step %scan3A_10  : i32 {
      %get3A = arith.index_cast %scan3A_12 : i32 to index
      %get3A_13 = arith.constant 0 : index
      %get3A_14 = tpu.vector_load %arg8[%get3A, %get3A_13] {strides = array<i32>} : memref<128x256xf32, #tpu.memory_space<vmem>>, vector<1x16xf32>,
      %get3A_15 = vector.shape_cast %get3A_14 : vector<1x16xf32> to vector<16xf32>
      %get3A_16 = arith.index_cast %scan3A_12 : i32 to index
      %get3A_17 = arith.constant 0 : index
      %get3A_18 = tpu.vector_load %arg7[%get3A_16, %get3A_17] {strides = array<i32>} : memref<128x256xf32, #tpu.memory_space<vmem>>, vector<1x16xf32>,
      %get3A_19 = vector.shape_cast %get3A_18 : vector<1x16xf32> to vector<16xf32>
      %sub3A = arith.subf %get3A_15, %get3A_19 : vector<16xf32>
      %swap3A = arith.index_cast %scan3A_12 : i32 to index
      %swap3A_20 = arith.constant 0 : index
      %swap3A_21 = tpu.vector_load %arg7[%swap3A, %swap3A_20] {strides = array<i32>} : memref<128x256xf32, #tpu.memory_space<vmem>>, vector<1x16xf32>,
      %swap3A_22 = vector.shape_cast %swap3A_21 : vector<1x16xf32> to vector<16xf32>
      %swap3A_23 = vector.shape_cast %sub3A : vector<16xf32> to vector<1x16xf32>
      tpu.vector_store %arg7[%swap3A, %swap3A_20], %swap3A_23 {strides = array<i32>} : memref<128x256xf32, #tpu.memory_space<vmem>>, vector<1x16xf32>,
      %get3A_24 = arith.index_cast %scan3A_12 : i32 to index
      %get3A_25 = arith.constant 16 : index
      %get3A_26 = tpu.vector_load %arg8[%get3A_24, %get3A_25] {strides = array<i32>} : memref<128x256xf32, #tpu.memory_space<vmem>>, vector<1x16xf32>,
      %get3A_27 = vector.shape_cast %get3A_26 : vector<1x16xf32> to vector<16xf32>
      %get3A_28 = arith.index_cast %scan3A_12 : i32 to index
      %get3A_29 = arith.constant 16 : index
      %get3A_30 = tpu.vector_load %arg7[%get3A_28, %get3A_29] {strides = array<i32>} : memref<128x256xf32, #tpu.memory_space<vmem>>, vector<1x16xf32>,
      %get3A_31 = vector.shape_cast %get3A_30 : vector<1x16xf32> to vector<16xf32>
      %sub3A_32 = arith.subf %get3A_27, %get3A_31 : vector<16xf32>
      %swap3A_33 = arith.index_cast %scan3A_12 : i32 to index
      %swap3A_34 = arith.constant 16 : index
      %swap3A_35 = tpu.vector_load %arg7[%swap3A_33, %swap3A_34] {strides = array<i32>} : memref<128x256xf32, #tpu.memory_space<vmem>>, vector<1x16xf32>,
      %swap3A_36 = vector.shape_cast %swap3A_35 : vector<1x16xf32> to vector<16xf32>
      %swap3A_37 = vector.shape_cast %sub3A_32 : vector<16xf32> to vector<1x16xf32>
      tpu.vector_store %arg7[%swap3A_33, %swap3A_34], %swap3A_37 {strides = array<i32>} : memref<128x256xf32, #tpu.memory_space<vmem>>, vector<1x16xf32>,
      %get3A_38 = arith.index_cast %scan3A_12 : i32 to index
      %get3A_39 = arith.constant 32 : index
      %get3A_40 = tpu.vector_load %arg8[%get3A_38, %get3A_39] {strides = array<i32>} : memref<128x256xf32, #tpu.memory_space<vmem>>, vector<1x16xf32>,
      %get3A_41 = vector.shape_cast %get3A_40 : vector<1x16xf32> to vector<16xf32>
      %get3A_42 = arith.index_cast %scan3A_12 : i32 to index
      %get3A_43 = arith.constant 32 : index
      %get3A_44 = tpu.vector_load %arg7[%get3A_42, %get3A_43] {strides = array<i32>} : memref<128x256xf32, #tpu.memory_space<vmem>>, vector<1x16xf32>,
      %get3A_45 = vector.shape_cast %get3A_44 : vector<1x16xf32> to vector<16xf32>
      %sub3A_46 = arith.subf %get3A_41, %get3A_45 : vector<16xf32>
      %swap3A_47 = arith.index_cast %scan3A_12 : i32 to index
      %swap3A_48 = arith.constant 32 : index
      %swap3A_49 = tpu.vector_load %arg7[%swap3A_47, %swap3A_48] {strides = array<i32>} : memref<128x256xf32, #tpu.memory_space<vmem>>, vector<1x16xf32>,
      %swap3A_50 = vector.shape_cast %swap3A_49 : vector<1x16xf32> to vector<16xf32>
      %swap3A_51 = vector.shape_cast %sub3A_46 : vector<16xf32> to vector<1x16xf32>
      tpu.vector_store %arg7[%swap3A_47, %swap3A_48], %swap3A_51 {strides = array<i32>} : memref<128x256xf32, #tpu.memory_space<vmem>>, vector<1x16xf32>,
      %get3A_52 = arith.index_cast %scan3A_12 : i32 to index
      %get3A_53 = arith.constant 48 : index
      %get3A_54 = tpu.vector_load %arg8[%get3A_52, %get3A_53] {strides = array<i32>} : memref<128x256xf32, #tpu.memory_space<vmem>>, vector<1x16xf32>,
      %get3A_55 = vector.shape_cast %get3A_54 : vector<1x16xf32> to vector<16xf32>
      %get3A_56 = arith.index_cast %scan3A_12 : i32 to index
      %get3A_57 = arith.constant 48 : index
      %get3A_58 = tpu.vector_load %arg7[%get3A_56, %get3A_57] {strides = array<i32>} : memref<128x256xf32, #tpu.memory_space<vmem>>, vector<1x16xf32>,
      %get3A_59 = vector.shape_cast %get3A_58 : vector<1x16xf32> to vector<16xf32>
      %sub3A_60 = arith.subf %get3A_55, %get3A_59 : vector<16xf32>
      %swap3A_61 = arith.index_cast %scan3A_12 : i32 to index
      %swap3A_62 = arith.constant 48 : index
      %swap3A_63 = tpu.vector_load %arg7[%swap3A_61, %swap3A_62] {strides = array<i32>} : memref<128x256xf32, #tpu.memory_space<vmem>>, vector<1x16xf32>,
      %swap3A_64 = vector.shape_cast %swap3A_63 : vector<1x16xf32> to vector<16xf32>
      %swap3A_65 = vector.shape_cast %sub3A_60 : vector<16xf32> to vector<1x16xf32>
      tpu.vector_store %arg7[%swap3A_61, %swap3A_62], %swap3A_65 {strides = array<i32>} : memref<128x256xf32, #tpu.memory_space<vmem>>, vector<1x16xf32>,
      %get3A_66 = arith.index_cast %scan3A_12 : i32 to index
      %get3A_67 = arith.constant 64 : index
      %get3A_68 = tpu.vector_load %arg8[%get3A_66, %get3A_67] {strides = array<i32>} : memref<128x256xf32, #tpu.memory_space<vmem>>, vector<1x16xf32>,
      %get3A_69 = vector.shape_cast %get3A_68 : vector<1x16xf32> to vector<16xf32>
      %get3A_70 = arith.index_cast %scan3A_12 : i32 to index
      %get3A_71 = arith.constant 64 : index
      %get3A_72 = tpu.vector_load %arg7[%get3A_70, %get3A_71] {strides = array<i32>} : memref<128x256xf32, #tpu.memory_space<vmem>>, vector<1x16xf32>,
      %get3A_73 = vector.shape_cast %get3A_72 : vector<1x16xf32> to vector<16xf32>
      %sub3A_74 = arith.subf %get3A_69, %get3A_73 : vector<16xf32>
      %swap3A_75 = arith.index_cast %scan3A_12 : i32 to index
      %swap3A_76 = arith.constant 64 : index
      %swap3A_77 = tpu.vector_load %arg7[%swap3A_75, %swap3A_76] {strides = array<i32>} : memref<128x256xf32, #tpu.memory_space<vmem>>, vector<1x16xf32>,
      %swap3A_78 = vector.shape_cast %swap3A_77 : vector<1x16xf32> to vector<16xf32>
      %swap3A_79 = vector.shape_cast %sub3A_74 : vector<16xf32> to vector<1x16xf32>
      tpu.vector_store %arg7[%swap3A_75, %swap3A_76], %swap3A_79 {strides = array<i32>} : memref<128x256xf32, #tpu.memory_space<vmem>>, vector<1x16xf32>,
      %get3A_80 = arith.index_cast %scan3A_12 : i32 to index
      %get3A_81 = arith.constant 80 : index
      %get3A_82 = tpu.vector_load %arg8[%get3A_80, %get3A_81] {strides = array<i32>} : memref<128x256xf32, #tpu.memory_space<vmem>>, vector<1x16xf32>,
      %get3A_83 = vector.shape_cast %get3A_82 : vector<1x16xf32> to vector<16xf32>
      %get3A_84 = arith.index_cast %scan3A_12 : i32 to index
      %get3A_85 = arith.constant 80 : index
      %get3A_86 = tpu.vector_load %arg7[%get3A_84, %get3A_85] {strides = array<i32>} : memref<128x256xf32, #tpu.memory_space<vmem>>, vector<1x16xf32>,
      %get3A_87 = vector.shape_cast %get3A_86 : vector<1x16xf32> to vector<16xf32>
      %sub3A_88 = arith.subf %get3A_83, %get3A_87 : vector<16xf32>
      %swap3A_89 = arith.index_cast %scan3A_12 : i32 to index
      %swap3A_90 = arith.constant 80 : index
      %swap3A_91 = tpu.vector_load %arg7[%swap3A_89, %swap3A_90] {strides = array<i32>} : memref<128x256xf32, #tpu.memory_space<vmem>>, vector<1x16xf32>,
      %swap3A_92 = vector.shape_cast %swap3A_91 : vector<1x16xf32> to vector<16xf32>
      %swap3A_93 = vector.shape_cast %sub3A_88 : vector<16xf32> to vector<1x16xf32>
      tpu.vector_store %arg7[%swap3A_89, %swap3A_90], %swap3A_93 {strides = array<i32>} : memref<128x256xf32, #tpu.memory_space<vmem>>, vector<1x16xf32>,
      %get3A_94 = arith.index_cast %scan3A_12 : i32 to index
      %get3A_95 = arith.constant 96 : index
      %get3A_96 = tpu.vector_load %arg8[%get3A_94, %get3A_95] {strides = array<i32>} : memref<128x256xf32, #tpu.memory_space<vmem>>, vector<1x16xf32>,
      %get3A_97 = vector.shape_cast %get3A_96 : vector<1x16xf32> to vector<16xf32>
      %get3A_98 = arith.index_cast %scan3A_12 : i32 to index
      %get3A_99 = arith.constant 96 : index
      %get3A_100 = tpu.vector_load %arg7[%get3A_98, %get3A_99] {strides = array<i32>} : memref<128x256xf32, #tpu.memory_space<vmem>>, vector<1x16xf32>,
      %get3A_101 = vector.shape_cast %get3A_100 : vector<1x16xf32> to vector<16xf32>
      %sub3A_102 = arith.subf %get3A_97, %get3A_101 : vector<16xf32>
      %swap3A_103 = arith.index_cast %scan3A_12 : i32 to index
      %swap3A_104 = arith.constant 96 : index
      %swap3A_105 = tpu.vector_load %arg7[%swap3A_103, %swap3A_104] {strides = array<i32>} : memref<128x256xf32, #tpu.memory_space<vmem>>, vector<1x16xf32>,
      %swap3A_106 = vector.shape_cast %swap3A_105 : vector<1x16xf32> to vector<16xf32>
      %swap3A_107 = vector.shape_cast %sub3A_102 : vector<16xf32> to vector<1x16xf32>
      tpu.vector_store %arg7[%swap3A_103, %swap3A_104], %swap3A_107 {strides = array<i32>} : memref<128x256xf32, #tpu.memory_space<vmem>>, vector<1x16xf32>,
      %get3A_108 = arith.index_cast %scan3A_12 : i32 to index
      %get3A_109 = arith.constant 112 : index
      %get3A_110 = tpu.vector_load %arg8[%get3A_108, %get3A_109] {strides = array<i32>} : memref<128x256xf32, #tpu.memory_space<vmem>>, vector<1x16xf32>,
      %get3A_111 = vector.shape_cast %get3A_110 : vector<1x16xf32> to vector<16xf32>
      %get3A_112 = arith.index_cast %scan3A_12 : i32 to index
      %get3A_113 = arith.constant 112 : index
      %get3A_114 = tpu.vector_load %arg7[%get3A_112, %get3A_113] {strides = array<i32>} : memref<128x256xf32, #tpu.memory_space<vmem>>, vector<1x16xf32>,
      %get3A_115 = vector.shape_cast %get3A_114 : vector<1x16xf32> to vector<16xf32>
      %sub3A_116 = arith.subf %get3A_111, %get3A_115 : vector<16xf32>
      %swap3A_117 = arith.index_cast %scan3A_12 : i32 to index
      %swap3A_118 = arith.constant 112 : index
      %swap3A_119 = tpu.vector_load %arg7[%swap3A_117, %swap3A_118] {strides = array<i32>} : memref<128x256xf32, #tpu.memory_space<vmem>>, vector<1x16xf32>,
      %swap3A_120 = vector.shape_cast %swap3A_119 : vector<1x16xf32> to vector<16xf32>
      %swap3A_121 = vector.shape_cast %sub3A_116 : vector<16xf32> to vector<1x16xf32>
      tpu.vector_store %arg7[%swap3A_117, %swap3A_118], %swap3A_121 {strides = array<i32>} : memref<128x256xf32, #tpu.memory_space<vmem>>, vector<1x16xf32>,
      %get3A_122 = arith.index_cast %scan3A_12 : i32 to index
      %get3A_123 = arith.constant 128 : index
      %get3A_124 = tpu.vector_load %arg8[%get3A_122, %get3A_123] {strides = array<i32>} : memref<128x256xf32, #tpu.memory_space<vmem>>, vector<1x16xf32>,
      %get3A_125 = vector.shape_cast %get3A_124 : vector<1x16xf32> to vector<16xf32>
      %get3A_126 = arith.index_cast %scan3A_12 : i32 to index
      %get3A_127 = arith.constant 128 : index
      %get3A_128 = tpu.vector_load %arg7[%get3A_126, %get3A_127] {strides = array<i32>} : memref<128x256xf32, #tpu.memory_space<vmem>>, vector<1x16xf32>,
      %get3A_129 = vector.shape_cast %get3A_128 : vector<1x16xf32> to vector<16xf32>
      %sub3A_130 = arith.subf %get3A_125, %get3A_129 : vector<16xf32>
      %swap3A_131 = arith.index_cast %scan3A_12 : i32 to index
      %swap3A_132 = arith.constant 128 : index
      %swap3A_133 = tpu.vector_load %arg7[%swap3A_131, %swap3A_132] {strides = array<i32>} : memref<128x256xf32, #tpu.memory_space<vmem>>, vector<1x16xf32>,
      %swap3A_134 = vector.shape_cast %swap3A_133 : vector<1x16xf32> to vector<16xf32>
      %swap3A_135 = vector.shape_cast %sub3A_130 : vector<16xf32> to vector<1x16xf32>
      tpu.vector_store %arg7[%swap3A_131, %swap3A_132], %swap3A_135 {strides = array<i32>} : memref<128x256xf32, #tpu.memory_space<vmem>>, vector<1x16xf32>,
      %get3A_136 = arith.index_cast %scan3A_12 : i32 to index
      %get3A_137 = arith.constant 144 : index
      %get3A_138 = tpu.vector_load %arg8[%get3A_136, %get3A_137] {strides = array<i32>} : memref<128x256xf32, #tpu.memory_space<vmem>>, vector<1x16xf32>,
      %get3A_139 = vector.shape_cast %get3A_138 : vector<1x16xf32> to vector<16xf32>
      %get3A_140 = arith.index_cast %scan3A_12 : i32 to index
      %get3A_141 = arith.constant 144 : index
      %get3A_142 = tpu.vector_load %arg7[%get3A_140, %get3A_141] {strides = array<i32>} : memref<128x256xf32, #tpu.memory_space<vmem>>, vector<1x16xf32>,
      %get3A_143 = vector.shape_cast %get3A_142 : vector<1x16xf32> to vector<16xf32>
      %sub3A_144 = arith.subf %get3A_139, %get3A_143 : vector<16xf32>
      %swap3A_145 = arith.index_cast %scan3A_12 : i32 to index
      %swap3A_146 = arith.constant 144 : index
      %swap3A_147 = tpu.vector_load %arg7[%swap3A_145, %swap3A_146] {strides = array<i32>} : memref<128x256xf32, #tpu.memory_space<vmem>>, vector<1x16xf32>,
      %swap3A_148 = vector.shape_cast %swap3A_147 : vector<1x16xf32> to vector<16xf32>
      %swap3A_149 = vector.shape_cast %sub3A_144 : vector<16xf32> to vector<1x16xf32>
      tpu.vector_store %arg7[%swap3A_145, %swap3A_146], %swap3A_149 {strides = array<i32>} : memref<128x256xf32, #tpu.memory_space<vmem>>, vector<1x16xf32>,
      %get3A_150 = arith.index_cast %scan3A_12 : i32 to index
      %get3A_151 = arith.constant 160 : index
      %get3A_152 = tpu.vector_load %arg8[%get3A_150, %get3A_151] {strides = array<i32>} : memref<128x256xf32, #tpu.memory_space<vmem>>, vector<1x16xf32>,
      %get3A_153 = vector.shape_cast %get3A_152 : vector<1x16xf32> to vector<16xf32>
      %get3A_154 = arith.index_cast %scan3A_12 : i32 to index
      %get3A_155 = arith.constant 160 : index
      %get3A_156 = tpu.vector_load %arg7[%get3A_154, %get3A_155] {strides = array<i32>} : memref<128x256xf32, #tpu.memory_space<vmem>>, vector<1x16xf32>,
      %get3A_157 = vector.shape_cast %get3A_156 : vector<1x16xf32> to vector<16xf32>
      %sub3A_158 = arith.subf %get3A_153, %get3A_157 : vector<16xf32>
      %swap3A_159 = arith.index_cast %scan3A_12 : i32 to index
      %swap3A_160 = arith.constant 160 : index
      %swap3A_161 = tpu.vector_load %arg7[%swap3A_159, %swap3A_160] {strides = array<i32>} : memref<128x256xf32, #tpu.memory_space<vmem>>, vector<1x16xf32>,
      %swap3A_162 = vector.shape_cast %swap3A_161 : vector<1x16xf32> to vector<16xf32>
      %swap3A_163 = vector.shape_cast %sub3A_158 : vector<16xf32> to vector<1x16xf32>
      tpu.vector_store %arg7[%swap3A_159, %swap3A_160], %swap3A_163 {strides = array<i32>} : memref<128x256xf32, #tpu.memory_space<vmem>>, vector<1x16xf32>,
      %get3A_164 = arith.index_cast %scan3A_12 : i32 to index
      %get3A_165 = arith.constant 176 : index
      %get3A_166 = tpu.vector_load %arg8[%get3A_164, %get3A_165] {strides = array<i32>} : memref<128x256xf32, #tpu.memory_space<vmem>>, vector<1x16xf32>,
      %get3A_167 = vector.shape_cast %get3A_166 : vector<1x16xf32> to vector<16xf32>
      %get3A_168 = arith.index_cast %scan3A_12 : i32 to index
      %get3A_169 = arith.constant 176 : index
      %get3A_170 = tpu.vector_load %arg7[%get3A_168, %get3A_169] {strides = array<i32>} : memref<128x256xf32, #tpu.memory_space<vmem>>, vector<1x16xf32>,
      %get3A_171 = vector.shape_cast %get3A_170 : vector<1x16xf32> to vector<16xf32>
      %sub3A_172 = arith.subf %get3A_167, %get3A_171 : vector<16xf32>
      %swap3A_173 = arith.index_cast %scan3A_12 : i32 to index
      %swap3A_174 = arith.constant 176 : index
      %swap3A_175 = tpu.vector_load %arg7[%swap3A_173, %swap3A_174] {strides = array<i32>} : memref<128x256xf32, #tpu.memory_space<vmem>>, vector<1x16xf32>,
      %swap3A_176 = vector.shape_cast %swap3A_175 : vector<1x16xf32> to vector<16xf32>
      %swap3A_177 = vector.shape_cast %sub3A_172 : vector<16xf32> to vector<1x16xf32>
      tpu.vector_store %arg7[%swap3A_173, %swap3A_174], %swap3A_177 {strides = array<i32>} : memref<128x256xf32, #tpu.memory_space<vmem>>, vector<1x16xf32>,
      %get3A_178 = arith.index_cast %scan3A_12 : i32 to index
      %get3A_179 = arith.constant 192 : index
      %get3A_180 = tpu.vector_load %arg8[%get3A_178, %get3A_179] {strides = array<i32>} : memref<128x256xf32, #tpu.memory_space<vmem>>, vector<1x16xf32>,
      %get3A_181 = vector.shape_cast %get3A_180 : vector<1x16xf32> to vector<16xf32>
      %get3A_182 = arith.index_cast %scan3A_12 : i32 to index
      %get3A_183 = arith.constant 192 : index
      %get3A_184 = tpu.vector_load %arg7[%get3A_182, %get3A_183] {strides = array<i32>} : memref<128x256xf32, #tpu.memory_space<vmem>>, vector<1x16xf32>,
      %get3A_185 = vector.shape_cast %get3A_184 : vector<1x16xf32> to vector<16xf32>
      %sub3A_186 = arith.subf %get3A_181, %get3A_185 : vector<16xf32>
      %swap3A_187 = arith.index_cast %scan3A_12 : i32 to index
      %swap3A_188 = arith.constant 192 : index
      %swap3A_189 = tpu.vector_load %arg7[%swap3A_187, %swap3A_188] {strides = array<i32>} : memref<128x256xf32, #tpu.memory_space<vmem>>, vector<1x16xf32>,
      %swap3A_190 = vector.shape_cast %swap3A_189 : vector<1x16xf32> to vector<16xf32>
      %swap3A_191 = vector.shape_cast %sub3A_186 : vector<16xf32> to vector<1x16xf32>
      tpu.vector_store %arg7[%swap3A_187, %swap3A_188], %swap3A_191 {strides = array<i32>} : memref<128x256xf32, #tpu.memory_space<vmem>>, vector<1x16xf32>,
      %get3A_192 = arith.index_cast %scan3A_12 : i32 to index
      %get3A_193 = arith.constant 208 : index
      %get3A_194 = tpu.vector_load %arg8[%get3A_192, %get3A_193] {strides = array<i32>} : memref<128x256xf32, #tpu.memory_space<vmem>>, vector<1x16xf32>,
      %get3A_195 = vector.shape_cast %get3A_194 : vector<1x16xf32> to vector<16xf32>
      %get3A_196 = arith.index_cast %scan3A_12 : i32 to index
      %get3A_197 = arith.constant 208 : index
      %get3A_198 = tpu.vector_load %arg7[%get3A_196, %get3A_197] {strides = array<i32>} : memref<128x256xf32, #tpu.memory_space<vmem>>, vector<1x16xf32>,
      %get3A_199 = vector.shape_cast %get3A_198 : vector<1x16xf32> to vector<16xf32>
      %sub3A_200 = arith.subf %get3A_195, %get3A_199 : vector<16xf32>
      %swap3A_201 = arith.index_cast %scan3A_12 : i32 to index
      %swap3A_202 = arith.constant 208 : index
      %swap3A_203 = tpu.vector_load %arg7[%swap3A_201, %swap3A_202] {strides = array<i32>} : memref<128x256xf32, #tpu.memory_space<vmem>>, vector<1x16xf32>,
      %swap3A_204 = vector.shape_cast %swap3A_203 : vector<1x16xf32> to vector<16xf32>
      %swap3A_205 = vector.shape_cast %sub3A_200 : vector<16xf32> to vector<1x16xf32>
      tpu.vector_store %arg7[%swap3A_201, %swap3A_202], %swap3A_205 {strides = array<i32>} : memref<128x256xf32, #tpu.memory_space<vmem>>, vector<1x16xf32>,
      %get3A_206 = arith.index_cast %scan3A_12 : i32 to index
      %get3A_207 = arith.constant 224 : index
      %get3A_208 = tpu.vector_load %arg8[%get3A_206, %get3A_207] {strides = array<i32>} : memref<128x256xf32, #tpu.memory_space<vmem>>, vector<1x16xf32>,
      %get3A_209 = vector.shape_cast %get3A_208 : vector<1x16xf32> to vector<16xf32>
      %get3A_210 = arith.index_cast %scan3A_12 : i32 to index
      %get3A_211 = arith.constant 224 : index
      %get3A_212 = tpu.vector_load %arg7[%get3A_210, %get3A_211] {strides = array<i32>} : memref<128x256xf32, #tpu.memory_space<vmem>>, vector<1x16xf32>,
      %get3A_213 = vector.shape_cast %get3A_212 : vector<1x16xf32> to vector<16xf32>
      %sub3A_214 = arith.subf %get3A_209, %get3A_213 : vector<16xf32>
      %swap3A_215 = arith.index_cast %scan3A_12 : i32 to index
      %swap3A_216 = arith.constant 224 : index
      %swap3A_217 = tpu.vector_load %arg7[%swap3A_215, %swap3A_216] {strides = array<i32>} : memref<128x256xf32, #tpu.memory_space<vmem>>, vector<1x16xf32>,
      %swap3A_218 = vector.shape_cast %swap3A_217 : vector<1x16xf32> to vector<16xf32>
      %swap3A_219 = vector.shape_cast %sub3A_214 : vector<16xf32> to vector<1x16xf32>
      tpu.vector_store %arg7[%swap3A_215, %swap3A_216], %swap3A_219 {strides = array<i32>} : memref<128x256xf32, #tpu.memory_space<vmem>>, vector<1x16xf32>,
      %get3A_220 = arith.index_cast %scan3A_12 : i32 to index
      %get3A_221 = arith.constant 240 : index
      %get3A_222 = tpu.vector_load %arg8[%get3A_220, %get3A_221] {strides = array<i32>} : memref<128x256xf32, #tpu.memory_space<vmem>>, vector<1x16xf32>,
      %get3A_223 = vector.shape_cast %get3A_222 : vector<1x16xf32> to vector<16xf32>
      %get3A_224 = arith.index_cast %scan3A_12 : i32 to index
      %get3A_225 = arith.constant 240 : index
      %get3A_226 = tpu.vector_load %arg7[%get3A_224, %get3A_225] {strides = array<i32>} : memref<128x256xf32, #tpu.memory_space<vmem>>, vector<1x16xf32>,
      %get3A_227 = vector.shape_cast %get3A_226 : vector<1x16xf32> to vector<16xf32>
      %sub3A_228 = arith.subf %get3A_223, %get3A_227 : vector<16xf32>
      %swap3A_229 = arith.index_cast %scan3A_12 : i32 to index
      %swap3A_230 = arith.constant 240 : index
      %swap3A_231 = tpu.vector_load %arg7[%swap3A_229, %swap3A_230] {strides = array<i32>} : memref<128x256xf32, #tpu.memory_space<vmem>>, vector<1x16xf32>,
      %swap3A_232 = vector.shape_cast %swap3A_231 : vector<1x16xf32> to vector<16xf32>
      %swap3A_233 = vector.shape_cast %sub3A_228 : vector<16xf32> to vector<1x16xf32>
      tpu.vector_store %arg7[%swap3A_229, %swap3A_230], %swap3A_233 {strides = array<i32>} : memref<128x256xf32, #tpu.memory_space<vmem>>, vector<1x16xf32>,
    }
    %scan3A_11 = arith.constant 128 : i32
    "tpu.region"() ({
      %run_scoped3A = tpu.sem_alloc : memref<!tpu.dma_semaphore, #tpu.memory_space<semaphore_mem>>
      %dma_start3A_12 = arith.constant 0 : i32
      %dma_start3A_13 = tpu.memref_slice %arg5[%mul3A_2, %dma_start3A_12] : memref<4096x256xf32, #tpu.memory_space<hbm>> -> memref<128x256xf32, #tpu.memory_space<hbm>>
      %dma_start3A_14 = arith.constant 0 : i32
      %dma_start3A_15 = tpu.memref_slice %arg5[%mul3A_2, %dma_start3A_14] : memref<4096x256xf32, #tpu.memory_space<hbm>> -> memref<128x256xf32, #tpu.memory_space<hbm>>
      tpu.enqueue_dma source(%arg7 : memref<128x256xf32, #tpu.memory_space<vmem>>) target(%dma_start3A_15 : memref<128x256xf32, #tpu.memory_space<hbm>>) target_semaphore(%run_scoped3A : memref<!tpu.dma_semaphore, #tpu.memory_space<semaphore_mem>>)
      %dma_wait3A_16 = arith.constant 0 : i32
      %dma_wait3A_17 = tpu.memref_slice %arg5[%mul3A_2, %dma_wait3A_16] : memref<4096x256xf32, #tpu.memory_space<hbm>> -> memref<128x256xf32, #tpu.memory_space<hbm>>
      %dma_wait3A_18 = arith.constant 0 : i32
      %dma_wait3A_19 = tpu.memref_slice %arg5[%mul3A_2, %dma_wait3A_18] : memref<4096x256xf32, #tpu.memory_space<hbm>> -> memref<128x256xf32, #tpu.memory_space<hbm>>
      tpu.wait_dma2 semaphore(%run_scoped3A : memref<!tpu.dma_semaphore, #tpu.memory_space<semaphore_mem>>) src(%arg7 : memref<128x256xf32, #tpu.memory_space<vmem>>) dst(%dma_wait3A_19 : memref<128x256xf32, #tpu.memory_space<hbm>>)
      tpu.yield
    }) : () -> ()
    return
  }
}

#map = affine_map<(d0, d1) -> (0, 0)>
#map1 = affine_map<(d0, d1) -> (0)>
module attributes {stable_mosaic.version = 14 : i64} {
  func.func @k(%arg0: i32, %arg1: i32, %arg2: memref<4096x256xf32, #tpu.memory_space<hbm>>, %arg3: memref<4096xi32, #tpu.memory_space<hbm>>, %arg4: memref<8192x256xf32, #tpu.memory_space<hbm>>, %arg5: memref<4096x256xf32, #tpu.memory_space<hbm>>, %arg6: memref<128xi32, #tpu.memory_space<vmem>>, %arg7: memref<128x256xf32, #tpu.memory_space<vmem>>, %arg8: memref<128x256xf32, #tpu.memory_space<vmem>>, %arg9: memref<!tpu.dma_semaphore, #tpu.memory_space<semaphore_mem>>) attributes {dimension_semantics = [#tpu.dimension_semantics<core_parallel>, #tpu.dimension_semantics<subcore_parallel>], iteration_bounds = array<i64: 2, 16>, scalar_prefetch = 0 : i64, scratch_operands = 4 : i64, tpu.core_type = #tpu.core_type<sc_vector_subcore>, window_params = [{transform_indices = #map}, {transform_indices = #map1}, {transform_indices = #map}, {transform_indices = #map}]} {
    %mul3A = arith.constant 2 : i32
    %mul3A_0 = arith.muli %arg1, %mul3A : i32
    %add3A = arith.addi %mul3A_0, %arg0 : i32
    %mul3A_1 = arith.constant 128 : i32
    %mul3A_2 = arith.muli %add3A, %mul3A_1 : i32
    "tpu.region"() ({
      %run_scoped3A = tpu.sem_alloc : memref<!tpu.dma_semaphore, #tpu.memory_space<semaphore_mem>>
      %dma_start3A_12 = tpu.memref_slice %arg3[%mul3A_2] : memref<4096xi32, #tpu.memory_space<hbm>> -> memref<128xi32, #tpu.memory_space<hbm>>
      %dma_start3A_13 = tpu.memref_slice %arg3[%mul3A_2] : memref<4096xi32, #tpu.memory_space<hbm>> -> memref<128xi32, #tpu.memory_space<hbm>>
      tpu.enqueue_dma source(%dma_start3A_13 : memref<128xi32, #tpu.memory_space<hbm>>) target(%arg6 : memref<128xi32, #tpu.memory_space<vmem>>) target_semaphore(%run_scoped3A : memref<!tpu.dma_semaphore, #tpu.memory_space<semaphore_mem>>)
      %dma_wait3A_14 = tpu.memref_slice %arg3[%mul3A_2] : memref<4096xi32, #tpu.memory_space<hbm>> -> memref<128xi32, #tpu.memory_space<hbm>>
      %dma_wait3A_15 = tpu.memref_slice %arg3[%mul3A_2] : memref<4096xi32, #tpu.memory_space<hbm>> -> memref<128xi32, #tpu.memory_space<hbm>>
      tpu.wait_dma2 semaphore(%run_scoped3A : memref<!tpu.dma_semaphore, #tpu.memory_space<semaphore_mem>>) src(%dma_wait3A_15 : memref<128xi32, #tpu.memory_space<hbm>>) dst(%arg6 : memref<128xi32, #tpu.memory_space<vmem>>)
      tpu.yield
    }) : () -> ()
    %dma_start3A = arith.constant 0 : i32
    %dma_start3A_3 = arith.constant 0 : i32
    %dma_start3A_4 = tpu.memref_slice %arg4[%dma_start3A, %dma_start3A_3] : memref<8192x256xf32, #tpu.memory_space<hbm>> -> memref<8192x256xf32, #tpu.memory_space<hbm>>
    tpu.enqueue_indirect_dma source(%dma_start3A_4 : memref<8192x256xf32, #tpu.memory_space<hbm>>) target(%arg7 : memref<128x256xf32, #tpu.memory_space<vmem>>) offsets(%arg6 : memref<128xi32, #tpu.memory_space<vmem>>) semaphore(%arg9 : memref<!tpu.dma_semaphore, #tpu.memory_space<semaphore_mem>>)
    "tpu.region"() ({
      %run_scoped3A = tpu.sem_alloc : memref<!tpu.dma_semaphore, #tpu.memory_space<semaphore_mem>>
      %dma_start3A_12 = arith.constant 0 : i32
      %dma_start3A_13 = tpu.memref_slice %arg2[%mul3A_2, %dma_start3A_12] : memref<4096x256xf32, #tpu.memory_space<hbm>> -> memref<128x256xf32, #tpu.memory_space<hbm>>
      %dma_start3A_14 = arith.constant 0 : i32
      %dma_start3A_15 = tpu.memref_slice %arg2[%mul3A_2, %dma_start3A_14] : memref<4096x256xf32, #tpu.memory_space<hbm>> -> memref<128x256xf32, #tpu.memory_space<hbm>>
      tpu.enqueue_dma source(%dma_start3A_15 : memref<128x256xf32, #tpu.memory_space<hbm>>) target(%arg8 : memref<128x256xf32, #tpu.memory_space<vmem>>) target_semaphore(%run_scoped3A : memref<!tpu.dma_semaphore, #tpu.memory_space<semaphore_mem>>)
      %dma_wait3A_16 = arith.constant 0 : i32
      %dma_wait3A_17 = tpu.memref_slice %arg2[%mul3A_2, %dma_wait3A_16] : memref<4096x256xf32, #tpu.memory_space<hbm>> -> memref<128x256xf32, #tpu.memory_space<hbm>>
      %dma_wait3A_18 = arith.constant 0 : i32
      %dma_wait3A_19 = tpu.memref_slice %arg2[%mul3A_2, %dma_wait3A_18] : memref<4096x256xf32, #tpu.memory_space<hbm>> -> memref<128x256xf32, #tpu.memory_space<hbm>>
      tpu.wait_dma2 semaphore(%run_scoped3A : memref<!tpu.dma_semaphore, #tpu.memory_space<semaphore_mem>>) src(%dma_wait3A_19 : memref<128x256xf32, #tpu.memory_space<hbm>>) dst(%arg8 : memref<128x256xf32, #tpu.memory_space<vmem>>)
      tpu.yield
    }) : () -> ()
    %dma_wait3A = arith.constant 0 : i32
    %dma_wait3A_5 = arith.constant 0 : i32
    %dma_wait3A_6 = tpu.memref_slice %arg4[%dma_wait3A, %dma_wait3A_5] : memref<8192x256xf32, #tpu.memory_space<hbm>> -> memref<8192x256xf32, #tpu.memory_space<hbm>>
    tpu.wait_indirect_dma semaphore(%arg9 : memref<!tpu.dma_semaphore, #tpu.memory_space<semaphore_mem>>) src(%dma_wait3A_6 : memref<8192x256xf32, #tpu.memory_space<hbm>>) dst(%arg7 : memref<128x256xf32, #tpu.memory_space<vmem>>)
    %scan3A = arith.constant 0 : i32
    %scan3A_7 = arith.constant 0 : i32
    %scan3A_8 = arith.constant 128 : i32
    %scan3A_9 = arith.addi %scan3A_7, %scan3A_8 : i32
    %scan3A_10 = arith.constant 1 : i32
    scf.for %scan3A_12 = %scan3A_7 to %scan3A_9 step %scan3A_10  : i32 {
      %get3A = arith.index_cast %scan3A_12 : i32 to index
      %get3A_13 = arith.constant 0 : index
      %get3A_14 = tpu.vector_load %arg8[%get3A, %get3A_13] {strides = array<i32>} : memref<128x256xf32, #tpu.memory_space<vmem>>, vector<1x16xf32>,
      %get3A_15 = vector.shape_cast %get3A_14 : vector<1x16xf32> to vector<16xf32>
      %get3A_16 = arith.index_cast %scan3A_12 : i32 to index
      %get3A_17 = arith.constant 0 : index
      %get3A_18 = tpu.vector_load %arg7[%get3A_16, %get3A_17] {strides = array<i32>} : memref<128x256xf32, #tpu.memory_space<vmem>>, vector<1x16xf32>,
      %get3A_19 = vector.shape_cast %get3A_18 : vector<1x16xf32> to vector<16xf32>
      %sub3A = arith.subf %get3A_15, %get3A_19 : vector<16xf32>
      %swap3A = arith.index_cast %scan3A_12 : i32 to index
      %swap3A_20 = arith.constant 0 : index
      %swap3A_21 = tpu.vector_load %arg7[%swap3A, %swap3A_20] {strides = array<i32>} : memref<128x256xf32, #tpu.memory_space<vmem>>, vector<1x16xf32>,
      %swap3A_22 = vector.shape_cast %swap3A_21 : vector<1x16xf32> to vector<16xf32>
      %swap3A_23 = vector.shape_cast %sub3A : vector<16xf32> to vector<1x16xf32>
      tpu.vector_store %arg7[%swap3A, %swap3A_20], %swap3A_23 {strides = array<i32>} : memref<128x256xf32, #tpu.memory_space<vmem>>, vector<1x16xf32>,
      %get3A_24 = arith.index_cast %scan3A_12 : i32 to index
      %get3A_25 = arith.constant 16 : index
      %get3A_26 = tpu.vector_load %arg8[%get3A_24, %get3A_25] {strides = array<i32>} : memref<128x256xf32, #tpu.memory_space<vmem>>, vector<1x16xf32>,
      %get3A_27 = vector.shape_cast %get3A_26 : vector<1x16xf32> to vector<16xf32>
      %get3A_28 = arith.index_cast %scan3A_12 : i32 to index
      %get3A_29 = arith.constant 16 : index
      %get3A_30 = tpu.vector_load %arg7[%get3A_28, %get3A_29] {strides = array<i32>} : memref<128x256xf32, #tpu.memory_space<vmem>>, vector<1x16xf32>,
      %get3A_31 = vector.shape_cast %get3A_30 : vector<1x16xf32> to vector<16xf32>
      %sub3A_32 = arith.subf %get3A_27, %get3A_31 : vector<16xf32>
      %swap3A_33 = arith.index_cast %scan3A_12 : i32 to index
      %swap3A_34 = arith.constant 16 : index
      %swap3A_35 = tpu.vector_load %arg7[%swap3A_33, %swap3A_34] {strides = array<i32>} : memref<128x256xf32, #tpu.memory_space<vmem>>, vector<1x16xf32>,
      %swap3A_36 = vector.shape_cast %swap3A_35 : vector<1x16xf32> to vector<16xf32>
      %swap3A_37 = vector.shape_cast %sub3A_32 : vector<16xf32> to vector<1x16xf32>
      tpu.vector_store %arg7[%swap3A_33, %swap3A_34], %swap3A_37 {strides = array<i32>} : memref<128x256xf32, #tpu.memory_space<vmem>>, vector<1x16xf32>,
      %get3A_38 = arith.index_cast %scan3A_12 : i32 to index
      %get3A_39 = arith.constant 32 : index
      %get3A_40 = tpu.vector_load %arg8[%get3A_38, %get3A_39] {strides = array<i32>} : memref<128x256xf32, #tpu.memory_space<vmem>>, vector<1x16xf32>,
      %get3A_41 = vector.shape_cast %get3A_40 : vector<1x16xf32> to vector<16xf32>
      %get3A_42 = arith.index_cast %scan3A_12 : i32 to index
      %get3A_43 = arith.constant 32 : index
      %get3A_44 = tpu.vector_load %arg7[%get3A_42, %get3A_43] {strides = array<i32>} : memref<128x256xf32, #tpu.memory_space<vmem>>, vector<1x16xf32>,
      %get3A_45 = vector.shape_cast %get3A_44 : vector<1x16xf32> to vector<16xf32>
      %sub3A_46 = arith.subf %get3A_41, %get3A_45 : vector<16xf32>
      %swap3A_47 = arith.index_cast %scan3A_12 : i32 to index
      %swap3A_48 = arith.constant 32 : index
      %swap3A_49 = tpu.vector_load %arg7[%swap3A_47, %swap3A_48] {strides = array<i32>} : memref<128x256xf32, #tpu.memory_space<vmem>>, vector<1x16xf32>,
      %swap3A_50 = vector.shape_cast %swap3A_49 : vector<1x16xf32> to vector<16xf32>
      %swap3A_51 = vector.shape_cast %sub3A_46 : vector<16xf32> to vector<1x16xf32>
      tpu.vector_store %arg7[%swap3A_47, %swap3A_48], %swap3A_51 {strides = array<i32>} : memref<128x256xf32, #tpu.memory_space<vmem>>, vector<1x16xf32>,
      %get3A_52 = arith.index_cast %scan3A_12 : i32 to index
      %get3A_53 = arith.constant 48 : index
      %get3A_54 = tpu.vector_load %arg8[%get3A_52, %get3A_53] {strides = array<i32>} : memref<128x256xf32, #tpu.memory_space<vmem>>, vector<1x16xf32>,
      %get3A_55 = vector.shape_cast %get3A_54 : vector<1x16xf32> to vector<16xf32>
      %get3A_56 = arith.index_cast %scan3A_12 : i32 to index
      %get3A_57 = arith.constant 48 : index
      %get3A_58 = tpu.vector_load %arg7[%get3A_56, %get3A_57] {strides = array<i32>} : memref<128x256xf32, #tpu.memory_space<vmem>>, vector<1x16xf32>,
      %get3A_59 = vector.shape_cast %get3A_58 : vector<1x16xf32> to vector<16xf32>
      %sub3A_60 = arith.subf %get3A_55, %get3A_59 : vector<16xf32>
      %swap3A_61 = arith.index_cast %scan3A_12 : i32 to index
      %swap3A_62 = arith.constant 48 : index
      %swap3A_63 = tpu.vector_load %arg7[%swap3A_61, %swap3A_62] {strides = array<i32>} : memref<128x256xf32, #tpu.memory_space<vmem>>, vector<1x16xf32>,
      %swap3A_64 = vector.shape_cast %swap3A_63 : vector<1x16xf32> to vector<16xf32>
      %swap3A_65 = vector.shape_cast %sub3A_60 : vector<16xf32> to vector<1x16xf32>
      tpu.vector_store %arg7[%swap3A_61, %swap3A_62], %swap3A_65 {strides = array<i32>} : memref<128x256xf32, #tpu.memory_space<vmem>>, vector<1x16xf32>,
      %get3A_66 = arith.index_cast %scan3A_12 : i32 to index
      %get3A_67 = arith.constant 64 : index
      %get3A_68 = tpu.vector_load %arg8[%get3A_66, %get3A_67] {strides = array<i32>} : memref<128x256xf32, #tpu.memory_space<vmem>>, vector<1x16xf32>,
      %get3A_69 = vector.shape_cast %get3A_68 : vector<1x16xf32> to vector<16xf32>
      %get3A_70 = arith.index_cast %scan3A_12 : i32 to index
      %get3A_71 = arith.constant 64 : index
      %get3A_72 = tpu.vector_load %arg7[%get3A_70, %get3A_71] {strides = array<i32>} : memref<128x256xf32, #tpu.memory_space<vmem>>, vector<1x16xf32>,
      %get3A_73 = vector.shape_cast %get3A_72 : vector<1x16xf32> to vector<16xf32>
      %sub3A_74 = arith.subf %get3A_69, %get3A_73 : vector<16xf32>
      %swap3A_75 = arith.index_cast %scan3A_12 : i32 to index
      %swap3A_76 = arith.constant 64 : index
      %swap3A_77 = tpu.vector_load %arg7[%swap3A_75, %swap3A_76] {strides = array<i32>} : memref<128x256xf32, #tpu.memory_space<vmem>>, vector<1x16xf32>,
      %swap3A_78 = vector.shape_cast %swap3A_77 : vector<1x16xf32> to vector<16xf32>
      %swap3A_79 = vector.shape_cast %sub3A_74 : vector<16xf32> to vector<1x16xf32>
      tpu.vector_store %arg7[%swap3A_75, %swap3A_76], %swap3A_79 {strides = array<i32>} : memref<128x256xf32, #tpu.memory_space<vmem>>, vector<1x16xf32>,
      %get3A_80 = arith.index_cast %scan3A_12 : i32 to index
      %get3A_81 = arith.constant 80 : index
      %get3A_82 = tpu.vector_load %arg8[%get3A_80, %get3A_81] {strides = array<i32>} : memref<128x256xf32, #tpu.memory_space<vmem>>, vector<1x16xf32>,
      %get3A_83 = vector.shape_cast %get3A_82 : vector<1x16xf32> to vector<16xf32>
      %get3A_84 = arith.index_cast %scan3A_12 : i32 to index
      %get3A_85 = arith.constant 80 : index
      %get3A_86 = tpu.vector_load %arg7[%get3A_84, %get3A_85] {strides = array<i32>} : memref<128x256xf32, #tpu.memory_space<vmem>>, vector<1x16xf32>,
      %get3A_87 = vector.shape_cast %get3A_86 : vector<1x16xf32> to vector<16xf32>
      %sub3A_88 = arith.subf %get3A_83, %get3A_87 : vector<16xf32>
      %swap3A_89 = arith.index_cast %scan3A_12 : i32 to index
      %swap3A_90 = arith.constant 80 : index
      %swap3A_91 = tpu.vector_load %arg7[%swap3A_89, %swap3A_90] {strides = array<i32>} : memref<128x256xf32, #tpu.memory_space<vmem>>, vector<1x16xf32>,
      %swap3A_92 = vector.shape_cast %swap3A_91 : vector<1x16xf32> to vector<16xf32>
      %swap3A_93 = vector.shape_cast %sub3A_88 : vector<16xf32> to vector<1x16xf32>
      tpu.vector_store %arg7[%swap3A_89, %swap3A_90], %swap3A_93 {strides = array<i32>} : memref<128x256xf32, #tpu.memory_space<vmem>>, vector<1x16xf32>,
      %get3A_94 = arith.index_cast %scan3A_12 : i32 to index
      %get3A_95 = arith.constant 96 : index
      %get3A_96 = tpu.vector_load %arg8[%get3A_94, %get3A_95] {strides = array<i32>} : memref<128x256xf32, #tpu.memory_space<vmem>>, vector<1x16xf32>,
      %get3A_97 = vector.shape_cast %get3A_96 : vector<1x16xf32> to vector<16xf32>
      %get3A_98 = arith.index_cast %scan3A_12 : i32 to index
      %get3A_99 = arith.constant 96 : index
      %get3A_100 = tpu.vector_load %arg7[%get3A_98, %get3A_99] {strides = array<i32>} : memref<128x256xf32, #tpu.memory_space<vmem>>, vector<1x16xf32>,
      %get3A_101 = vector.shape_cast %get3A_100 : vector<1x16xf32> to vector<16xf32>
      %sub3A_102 = arith.subf %get3A_97, %get3A_101 : vector<16xf32>
      %swap3A_103 = arith.index_cast %scan3A_12 : i32 to index
      %swap3A_104 = arith.constant 96 : index
      %swap3A_105 = tpu.vector_load %arg7[%swap3A_103, %swap3A_104] {strides = array<i32>} : memref<128x256xf32, #tpu.memory_space<vmem>>, vector<1x16xf32>,
      %swap3A_106 = vector.shape_cast %swap3A_105 : vector<1x16xf32> to vector<16xf32>
      %swap3A_107 = vector.shape_cast %sub3A_102 : vector<16xf32> to vector<1x16xf32>
      tpu.vector_store %arg7[%swap3A_103, %swap3A_104], %swap3A_107 {strides = array<i32>} : memref<128x256xf32, #tpu.memory_space<vmem>>, vector<1x16xf32>,
      %get3A_108 = arith.index_cast %scan3A_12 : i32 to index
      %get3A_109 = arith.constant 112 : index
      %get3A_110 = tpu.vector_load %arg8[%get3A_108, %get3A_109] {strides = array<i32>} : memref<128x256xf32, #tpu.memory_space<vmem>>, vector<1x16xf32>,
      %get3A_111 = vector.shape_cast %get3A_110 : vector<1x16xf32> to vector<16xf32>
      %get3A_112 = arith.index_cast %scan3A_12 : i32 to index
      %get3A_113 = arith.constant 112 : index
      %get3A_114 = tpu.vector_load %arg7[%get3A_112, %get3A_113] {strides = array<i32>} : memref<128x256xf32, #tpu.memory_space<vmem>>, vector<1x16xf32>,
      %get3A_115 = vector.shape_cast %get3A_114 : vector<1x16xf32> to vector<16xf32>
      %sub3A_116 = arith.subf %get3A_111, %get3A_115 : vector<16xf32>
      %swap3A_117 = arith.index_cast %scan3A_12 : i32 to index
      %swap3A_118 = arith.constant 112 : index
      %swap3A_119 = tpu.vector_load %arg7[%swap3A_117, %swap3A_118] {strides = array<i32>} : memref<128x256xf32, #tpu.memory_space<vmem>>, vector<1x16xf32>,
      %swap3A_120 = vector.shape_cast %swap3A_119 : vector<1x16xf32> to vector<16xf32>
      %swap3A_121 = vector.shape_cast %sub3A_116 : vector<16xf32> to vector<1x16xf32>
      tpu.vector_store %arg7[%swap3A_117, %swap3A_118], %swap3A_121 {strides = array<i32>} : memref<128x256xf32, #tpu.memory_space<vmem>>, vector<1x16xf32>,
      %get3A_122 = arith.index_cast %scan3A_12 : i32 to index
      %get3A_123 = arith.constant 128 : index
      %get3A_124 = tpu.vector_load %arg8[%get3A_122, %get3A_123] {strides = array<i32>} : memref<128x256xf32, #tpu.memory_space<vmem>>, vector<1x16xf32>,
      %get3A_125 = vector.shape_cast %get3A_124 : vector<1x16xf32> to vector<16xf32>
      %get3A_126 = arith.index_cast %scan3A_12 : i32 to index
      %get3A_127 = arith.constant 128 : index
      %get3A_128 = tpu.vector_load %arg7[%get3A_126, %get3A_127] {strides = array<i32>} : memref<128x256xf32, #tpu.memory_space<vmem>>, vector<1x16xf32>,
      %get3A_129 = vector.shape_cast %get3A_128 : vector<1x16xf32> to vector<16xf32>
      %sub3A_130 = arith.subf %get3A_125, %get3A_129 : vector<16xf32>
      %swap3A_131 = arith.index_cast %scan3A_12 : i32 to index
      %swap3A_132 = arith.constant 128 : index
      %swap3A_133 = tpu.vector_load %arg7[%swap3A_131, %swap3A_132] {strides = array<i32>} : memref<128x256xf32, #tpu.memory_space<vmem>>, vector<1x16xf32>,
      %swap3A_134 = vector.shape_cast %swap3A_133 : vector<1x16xf32> to vector<16xf32>
      %swap3A_135 = vector.shape_cast %sub3A_130 : vector<16xf32> to vector<1x16xf32>
      tpu.vector_store %arg7[%swap3A_131, %swap3A_132], %swap3A_135 {strides = array<i32>} : memref<128x256xf32, #tpu.memory_space<vmem>>, vector<1x16xf32>,
      %get3A_136 = arith.index_cast %scan3A_12 : i32 to index
      %get3A_137 = arith.constant 144 : index
      %get3A_138 = tpu.vector_load %arg8[%get3A_136, %get3A_137] {strides = array<i32>} : memref<128x256xf32, #tpu.memory_space<vmem>>, vector<1x16xf32>,
      %get3A_139 = vector.shape_cast %get3A_138 : vector<1x16xf32> to vector<16xf32>
      %get3A_140 = arith.index_cast %scan3A_12 : i32 to index
      %get3A_141 = arith.constant 144 : index
      %get3A_142 = tpu.vector_load %arg7[%get3A_140, %get3A_141] {strides = array<i32>} : memref<128x256xf32, #tpu.memory_space<vmem>>, vector<1x16xf32>,
      %get3A_143 = vector.shape_cast %get3A_142 : vector<1x16xf32> to vector<16xf32>
      %sub3A_144 = arith.subf %get3A_139, %get3A_143 : vector<16xf32>
      %swap3A_145 = arith.index_cast %scan3A_12 : i32 to index
      %swap3A_146 = arith.constant 144 : index
      %swap3A_147 = tpu.vector_load %arg7[%swap3A_145, %swap3A_146] {strides = array<i32>} : memref<128x256xf32, #tpu.memory_space<vmem>>, vector<1x16xf32>,
      %swap3A_148 = vector.shape_cast %swap3A_147 : vector<1x16xf32> to vector<16xf32>
      %swap3A_149 = vector.shape_cast %sub3A_144 : vector<16xf32> to vector<1x16xf32>
      tpu.vector_store %arg7[%swap3A_145, %swap3A_146], %swap3A_149 {strides = array<i32>} : memref<128x256xf32, #tpu.memory_space<vmem>>, vector<1x16xf32>,
      %get3A_150 = arith.index_cast %scan3A_12 : i32 to index
      %get3A_151 = arith.constant 160 : index
      %get3A_152 = tpu.vector_load %arg8[%get3A_150, %get3A_151] {strides = array<i32>} : memref<128x256xf32, #tpu.memory_space<vmem>>, vector<1x16xf32>,
      %get3A_153 = vector.shape_cast %get3A_152 : vector<1x16xf32> to vector<16xf32>
      %get3A_154 = arith.index_cast %scan3A_12 : i32 to index
      %get3A_155 = arith.constant 160 : index
      %get3A_156 = tpu.vector_load %arg7[%get3A_154, %get3A_155] {strides = array<i32>} : memref<128x256xf32, #tpu.memory_space<vmem>>, vector<1x16xf32>,
      %get3A_157 = vector.shape_cast %get3A_156 : vector<1x16xf32> to vector<16xf32>
      %sub3A_158 = arith.subf %get3A_153, %get3A_157 : vector<16xf32>
      %swap3A_159 = arith.index_cast %scan3A_12 : i32 to index
      %swap3A_160 = arith.constant 160 : index
      %swap3A_161 = tpu.vector_load %arg7[%swap3A_159, %swap3A_160] {strides = array<i32>} : memref<128x256xf32, #tpu.memory_space<vmem>>, vector<1x16xf32>,
      %swap3A_162 = vector.shape_cast %swap3A_161 : vector<1x16xf32> to vector<16xf32>
      %swap3A_163 = vector.shape_cast %sub3A_158 : vector<16xf32> to vector<1x16xf32>
      tpu.vector_store %arg7[%swap3A_159, %swap3A_160], %swap3A_163 {strides = array<i32>} : memref<128x256xf32, #tpu.memory_space<vmem>>, vector<1x16xf32>,
      %get3A_164 = arith.index_cast %scan3A_12 : i32 to index
      %get3A_165 = arith.constant 176 : index
      %get3A_166 = tpu.vector_load %arg8[%get3A_164, %get3A_165] {strides = array<i32>} : memref<128x256xf32, #tpu.memory_space<vmem>>, vector<1x16xf32>,
      %get3A_167 = vector.shape_cast %get3A_166 : vector<1x16xf32> to vector<16xf32>
      %get3A_168 = arith.index_cast %scan3A_12 : i32 to index
      %get3A_169 = arith.constant 176 : index
      %get3A_170 = tpu.vector_load %arg7[%get3A_168, %get3A_169] {strides = array<i32>} : memref<128x256xf32, #tpu.memory_space<vmem>>, vector<1x16xf32>,
      %get3A_171 = vector.shape_cast %get3A_170 : vector<1x16xf32> to vector<16xf32>
      %sub3A_172 = arith.subf %get3A_167, %get3A_171 : vector<16xf32>
      %swap3A_173 = arith.index_cast %scan3A_12 : i32 to index
      %swap3A_174 = arith.constant 176 : index
      %swap3A_175 = tpu.vector_load %arg7[%swap3A_173, %swap3A_174] {strides = array<i32>} : memref<128x256xf32, #tpu.memory_space<vmem>>, vector<1x16xf32>,
      %swap3A_176 = vector.shape_cast %swap3A_175 : vector<1x16xf32> to vector<16xf32>
      %swap3A_177 = vector.shape_cast %sub3A_172 : vector<16xf32> to vector<1x16xf32>
      tpu.vector_store %arg7[%swap3A_173, %swap3A_174], %swap3A_177 {strides = array<i32>} : memref<128x256xf32, #tpu.memory_space<vmem>>, vector<1x16xf32>,
      %get3A_178 = arith.index_cast %scan3A_12 : i32 to index
      %get3A_179 = arith.constant 192 : index
      %get3A_180 = tpu.vector_load %arg8[%get3A_178, %get3A_179] {strides = array<i32>} : memref<128x256xf32, #tpu.memory_space<vmem>>, vector<1x16xf32>,
      %get3A_181 = vector.shape_cast %get3A_180 : vector<1x16xf32> to vector<16xf32>
      %get3A_182 = arith.index_cast %scan3A_12 : i32 to index
      %get3A_183 = arith.constant 192 : index
      %get3A_184 = tpu.vector_load %arg7[%get3A_182, %get3A_183] {strides = array<i32>} : memref<128x256xf32, #tpu.memory_space<vmem>>, vector<1x16xf32>,
      %get3A_185 = vector.shape_cast %get3A_184 : vector<1x16xf32> to vector<16xf32>
      %sub3A_186 = arith.subf %get3A_181, %get3A_185 : vector<16xf32>
      %swap3A_187 = arith.index_cast %scan3A_12 : i32 to index
      %swap3A_188 = arith.constant 192 : index
      %swap3A_189 = tpu.vector_load %arg7[%swap3A_187, %swap3A_188] {strides = array<i32>} : memref<128x256xf32, #tpu.memory_space<vmem>>, vector<1x16xf32>,
      %swap3A_190 = vector.shape_cast %swap3A_189 : vector<1x16xf32> to vector<16xf32>
      %swap3A_191 = vector.shape_cast %sub3A_186 : vector<16xf32> to vector<1x16xf32>
      tpu.vector_store %arg7[%swap3A_187, %swap3A_188], %swap3A_191 {strides = array<i32>} : memref<128x256xf32, #tpu.memory_space<vmem>>, vector<1x16xf32>,
      %get3A_192 = arith.index_cast %scan3A_12 : i32 to index
      %get3A_193 = arith.constant 208 : index
      %get3A_194 = tpu.vector_load %arg8[%get3A_192, %get3A_193] {strides = array<i32>} : memref<128x256xf32, #tpu.memory_space<vmem>>, vector<1x16xf32>,
      %get3A_195 = vector.shape_cast %get3A_194 : vector<1x16xf32> to vector<16xf32>
      %get3A_196 = arith.index_cast %scan3A_12 : i32 to index
      %get3A_197 = arith.constant 208 : index
      %get3A_198 = tpu.vector_load %arg7[%get3A_196, %get3A_197] {strides = array<i32>} : memref<128x256xf32, #tpu.memory_space<vmem>>, vector<1x16xf32>,
      %get3A_199 = vector.shape_cast %get3A_198 : vector<1x16xf32> to vector<16xf32>
      %sub3A_200 = arith.subf %get3A_195, %get3A_199 : vector<16xf32>
      %swap3A_201 = arith.index_cast %scan3A_12 : i32 to index
      %swap3A_202 = arith.constant 208 : index
      %swap3A_203 = tpu.vector_load %arg7[%swap3A_201, %swap3A_202] {strides = array<i32>} : memref<128x256xf32, #tpu.memory_space<vmem>>, vector<1x16xf32>,
      %swap3A_204 = vector.shape_cast %swap3A_203 : vector<1x16xf32> to vector<16xf32>
      %swap3A_205 = vector.shape_cast %sub3A_200 : vector<16xf32> to vector<1x16xf32>
      tpu.vector_store %arg7[%swap3A_201, %swap3A_202], %swap3A_205 {strides = array<i32>} : memref<128x256xf32, #tpu.memory_space<vmem>>, vector<1x16xf32>,
      %get3A_206 = arith.index_cast %scan3A_12 : i32 to index
      %get3A_207 = arith.constant 224 : index
      %get3A_208 = tpu.vector_load %arg8[%get3A_206, %get3A_207] {strides = array<i32>} : memref<128x256xf32, #tpu.memory_space<vmem>>, vector<1x16xf32>,
      %get3A_209 = vector.shape_cast %get3A_208 : vector<1x16xf32> to vector<16xf32>
      %get3A_210 = arith.index_cast %scan3A_12 : i32 to index
      %get3A_211 = arith.constant 224 : index
      %get3A_212 = tpu.vector_load %arg7[%get3A_210, %get3A_211] {strides = array<i32>} : memref<128x256xf32, #tpu.memory_space<vmem>>, vector<1x16xf32>,
      %get3A_213 = vector.shape_cast %get3A_212 : vector<1x16xf32> to vector<16xf32>
      %sub3A_214 = arith.subf %get3A_209, %get3A_213 : vector<16xf32>
      %swap3A_215 = arith.index_cast %scan3A_12 : i32 to index
      %swap3A_216 = arith.constant 224 : index
      %swap3A_217 = tpu.vector_load %arg7[%swap3A_215, %swap3A_216] {strides = array<i32>} : memref<128x256xf32, #tpu.memory_space<vmem>>, vector<1x16xf32>,
      %swap3A_218 = vector.shape_cast %swap3A_217 : vector<1x16xf32> to vector<16xf32>
      %swap3A_219 = vector.shape_cast %sub3A_214 : vector<16xf32> to vector<1x16xf32>
      tpu.vector_store %arg7[%swap3A_215, %swap3A_216], %swap3A_219 {strides = array<i32>} : memref<128x256xf32, #tpu.memory_space<vmem>>, vector<1x16xf32>,
      %get3A_220 = arith.index_cast %scan3A_12 : i32 to index
      %get3A_221 = arith.constant 240 : index
      %get3A_222 = tpu.vector_load %arg8[%get3A_220, %get3A_221] {strides = array<i32>} : memref<128x256xf32, #tpu.memory_space<vmem>>, vector<1x16xf32>,
      %get3A_223 = vector.shape_cast %get3A_222 : vector<1x16xf32> to vector<16xf32>
      %get3A_224 = arith.index_cast %scan3A_12 : i32 to index
      %get3A_225 = arith.constant 240 : index
      %get3A_226 = tpu.vector_load %arg7[%get3A_224, %get3A_225] {strides = array<i32>} : memref<128x256xf32, #tpu.memory_space<vmem>>, vector<1x16xf32>,
      %get3A_227 = vector.shape_cast %get3A_226 : vector<1x16xf32> to vector<16xf32>
      %sub3A_228 = arith.subf %get3A_223, %get3A_227 : vector<16xf32>
      %swap3A_229 = arith.index_cast %scan3A_12 : i32 to index
      %swap3A_230 = arith.constant 240 : index
      %swap3A_231 = tpu.vector_load %arg7[%swap3A_229, %swap3A_230] {strides = array<i32>} : memref<128x256xf32, #tpu.memory_space<vmem>>, vector<1x16xf32>,
      %swap3A_232 = vector.shape_cast %swap3A_231 : vector<1x16xf32> to vector<16xf32>
      %swap3A_233 = vector.shape_cast %sub3A_228 : vector<16xf32> to vector<1x16xf32>
      tpu.vector_store %arg7[%swap3A_229, %swap3A_230], %swap3A_233 {strides = array<i32>} : memref<128x256xf32, #tpu.memory_space<vmem>>, vector<1x16xf32>,
    }
    %scan3A_11 = arith.constant 128 : i32
    "tpu.region"() ({
      %run_scoped3A = tpu.sem_alloc : memref<!tpu.dma_semaphore, #tpu.memory_space<semaphore_mem>>
      %dma_start3A_12 = arith.constant 0 : i32
      %dma_start3A_13 = tpu.memref_slice %arg5[%mul3A_2, %dma_start3A_12] : memref<4096x256xf32, #tpu.memory_space<hbm>> -> memref<128x256xf32, #tpu.memory_space<hbm>>
      %dma_start3A_14 = arith.constant 0 : i32
      %dma_start3A_15 = tpu.memref_slice %arg5[%mul3A_2, %dma_start3A_14] : memref<4096x256xf32, #tpu.memory_space<hbm>> -> memref<128x256xf32, #tpu.memory_space<hbm>>
      tpu.enqueue_dma source(%arg7 : memref<128x256xf32, #tpu.memory_space<vmem>>) target(%dma_start3A_15 : memref<128x256xf32, #tpu.memory_space<hbm>>) target_semaphore(%run_scoped3A : memref<!tpu.dma_semaphore, #tpu.memory_space<semaphore_mem>>)
      %dma_wait3A_16 = arith.constant 0 : i32
      %dma_wait3A_17 = tpu.memref_slice %arg5[%mul3A_2, %dma_wait3A_16] : memref<4096x256xf32, #tpu.memory_space<hbm>> -> memref<128x256xf32, #tpu.memory_space<hbm>>
      %dma_wait3A_18 = arith.constant 0 : i32
      %dma_wait3A_19 = tpu.memref_slice %arg5[%mul3A_2, %dma_wait3A_18] : memref<4096x256xf32, #tpu.memory_space<hbm>> -> memref<128x256xf32, #tpu.memory_space<hbm>>
      tpu.wait_dma2 semaphore(%run_scoped3A : memref<!tpu.dma_semaphore, #tpu.memory_space<semaphore_mem>>) src(%arg7 : memref<128x256xf32, #tpu.memory_space<vmem>>) dst(%dma_wait3A_19 : memref<128x256xf32, #tpu.memory_space<hbm>>)
      tpu.yield
    }) : () -> ()
    return
  }
}

module attributes {stable_mosaic.version = 14 : i64} {
  func.func @_argmin_body(%arg0: i32, %arg1: i32, %arg2: memref<512x256xf32, #tpu.memory_space<vmem>>, %arg3: memref<512x1xf32, #tpu.memory_space<vmem>>, %arg4: memref<1024x256xf32, #tpu.memory_space<vmem>>, %arg5: memref<1x1024xf32, #tpu.memory_space<vmem>>, %arg6: memref<512x1xi32, #tpu.memory_space<vmem>>, %arg7: memref<512x1xf32, #tpu.memory_space<vmem>>, %arg8: memref<512x1xi32, #tpu.memory_space<vmem>>) attributes {dimension_semantics = [#tpu.dimension_semantics<arbitrary>, #tpu.dimension_semantics<arbitrary>], iteration_bounds = array<i64: 8, 8>, scalar_prefetch = 0 : i64, scratch_operands = 2 : i64, tpu.core_type = #tpu.core_type<tc>, window_params = [{transform_indices = @transform_0, window_bounds = array<i64: 512, 256>}, {transform_indices = @transform_1, window_bounds = array<i64: 512, 1>}, {transform_indices = @transform_2, window_bounds = array<i64: 1024, 256>}, {transform_indices = @transform_3, window_bounds = array<i64: 1, 1024>}, {transform_indices = @transform_4, window_bounds = array<i64: 512, 1>}]} {
    %get3A = arith.constant 0 : index
    %get3A_0 = arith.constant 0 : index
    %get3A_1 = vector.load %arg2[%get3A, %get3A_0] : memref<512x256xf32, #tpu.memory_space<vmem>>, vector<512x256xf32>
    %get3A_2 = arith.constant 0 : index
    %get3A_3 = arith.constant 0 : index
    %get3A_4 = vector.load %arg4[%get3A_2, %get3A_3] : memref<1024x256xf32, #tpu.memory_space<vmem>>, vector<1024x256xf32>
    %dot_general3A = arith.constant dense<0.000000e+00> : vector<512x1024xf32>
    %dot_general3A_5 = tpu.matmul %get3A_1, %get3A_4, %dot_general3A {dimension_numbers = #tpu.dot_dimension_numbers<[1], [1], [0], [0], [0, 0, 1, 0], [], []>, transpose_lhs_hint = false} : vector<512x256xf32>, vector<1024x256xf32>, vector<512x1024xf32> -> vector<512x1024xf32>
    %get3A_6 = arith.constant 0 : index
    %get3A_7 = arith.constant 0 : index
    %get3A_8 = vector.load %arg3[%get3A_6, %get3A_7] : memref<512x1xf32, #tpu.memory_space<vmem>>, vector<512x1xf32>
    %mul3A = arith.constant 2.000000e+00 : f32
    %mul3A_9 = vector.broadcast %mul3A : f32 to vector<512x1024xf32>
    %mul3A_10 = arith.mulf %mul3A_9, %dot_general3A_5 : vector<512x1024xf32>
    %sub3A = vector.broadcast %get3A_8 : vector<512x1xf32> to vector<512x1024xf32>
    %sub3A_11 = arith.subf %sub3A, %mul3A_10 : vector<512x1024xf32>
    %get3A_12 = arith.constant 0 : index
    %get3A_13 = arith.constant 0 : index
    %get3A_14 = vector.load %arg5[%get3A_12, %get3A_13] : memref<1x1024xf32, #tpu.memory_space<vmem>>, vector<1x1024xf32>
    %add3A = vector.broadcast %get3A_14 : vector<1x1024xf32> to vector<512x1024xf32>
    %add3A_15 = arith.addf %sub3A_11, %add3A : vector<512x1024xf32>
    %reduce_min3A = arith.constant dense<0x7F800000> : vector<512xf32>
    %reduce_min3A_16 = vector.multi_reduction <minimumf>, %add3A_15, %reduce_min3A [1] : vector<512x1024xf32> to vector<512xf32>
    %broadcast_in_dim3A = vector.shape_cast %reduce_min3A_16 : vector<512xf32> to vector<512x1xf32>
    %iota3A = tpu.iota {dimensions = array<i32: 1>} : vector<512x1024xi32>
    %eq3A = vector.broadcast %broadcast_in_dim3A : vector<512x1xf32> to vector<512x1024xf32>
    %eq3A_17 = arith.cmpf oeq, %add3A_15, %eq3A : vector<512x1024xf32>
    %jit3A = arith.constant 8192 : i32
    %broadcast_in_dim3A_18 = vector.broadcast %jit3A : i32 to vector<512x1024xi32>
    %select_n3A = arith.select %eq3A_17, %iota3A, %broadcast_in_dim3A_18 : vector<512x1024xi1>, vector<512x1024xi32>
    %reduce_min3A_19 = arith.constant dense<2147483647> : vector<512xi32>
    %reduce_min3A_20 = vector.multi_reduction <minsi>, %select_n3A, %reduce_min3A_19 [1] : vector<512x1024xi32> to vector<512xi32>
    %broadcast_in_dim3A_21 = vector.shape_cast %reduce_min3A_20 : vector<512xi32> to vector<512x1xi32>
    %mul3A_22 = arith.constant 1024 : i32
    %mul3A_23 = arith.muli %arg1, %mul3A_22 : i32
    %add3A_24 = vector.broadcast %mul3A_23 : i32 to vector<512x1xi32>
    %add3A_25 = arith.addi %broadcast_in_dim3A_21, %add3A_24 : vector<512x1xi32>
    %eq3A_26 = arith.constant 0 : i32
    %eq3A_27 = arith.cmpi eq, %arg1, %eq3A_26 : i32
    %convert_element_type3A = arith.extui %eq3A_27 : i1 to i32
    %cond3A = arith.constant 0 : i32
    %cond3A_28 = arith.cmpi ne, %convert_element_type3A, %cond3A : i32
    scf.if %cond3A_28 {
      %swap3A = arith.constant 0 : index
      %swap3A_38 = arith.constant 0 : index
      %swap3A_39 = vector.load %arg7[%swap3A, %swap3A_38] : memref<512x1xf32, #tpu.memory_space<vmem>>, vector<512x1xf32>
      tpu.vector_store %arg7[%swap3A, %swap3A_38], %broadcast_in_dim3A {strides = array<i32>} : memref<512x1xf32, #tpu.memory_space<vmem>>, vector<512x1xf32>,
      %swap3A_40 = arith.constant 0 : index
      %swap3A_41 = arith.constant 0 : index
      %swap3A_42 = vector.load %arg8[%swap3A_40, %swap3A_41] : memref<512x1xi32, #tpu.memory_space<vmem>>, vector<512x1xi32>
      tpu.vector_store %arg8[%swap3A_40, %swap3A_41], %add3A_25 {strides = array<i32>} : memref<512x1xi32, #tpu.memory_space<vmem>>, vector<512x1xi32>,
    } else {
    }
    %gt3A = arith.constant 0 : i32
    %gt3A_29 = arith.cmpi sgt, %arg1, %gt3A : i32
    %convert_element_type3A_30 = arith.extui %gt3A_29 : i1 to i32
    %cond3A_31 = arith.constant 0 : i32
    %cond3A_32 = arith.cmpi ne, %convert_element_type3A_30, %cond3A_31 : i32
    scf.if %cond3A_32 {
      %get3A_38 = arith.constant 0 : index
      %get3A_39 = arith.constant 0 : index
      %get3A_40 = vector.load %arg7[%get3A_38, %get3A_39] : memref<512x1xf32, #tpu.memory_space<vmem>>, vector<512x1xf32>
      %lt3A = arith.cmpf olt, %broadcast_in_dim3A, %get3A_40 : vector<512x1xf32>
      %get3A_41 = arith.constant 0 : index
      %get3A_42 = arith.constant 0 : index
      %get3A_43 = vector.load %arg7[%get3A_41, %get3A_42] : memref<512x1xf32, #tpu.memory_space<vmem>>, vector<512x1xf32>
      %select_n3A_44 = arith.select %lt3A, %broadcast_in_dim3A, %get3A_43 : vector<512x1xi1>, vector<512x1xf32>
      %swap3A = arith.constant 0 : index
      %swap3A_45 = arith.constant 0 : index
      %swap3A_46 = vector.load %arg7[%swap3A, %swap3A_45] : memref<512x1xf32, #tpu.memory_space<vmem>>, vector<512x1xf32>
      tpu.vector_store %arg7[%swap3A, %swap3A_45], %select_n3A_44 {strides = array<i32>} : memref<512x1xf32, #tpu.memory_space<vmem>>, vector<512x1xf32>,
      %get3A_47 = arith.constant 0 : index
      %get3A_48 = arith.constant 0 : index
      %get3A_49 = vector.load %arg8[%get3A_47, %get3A_48] : memref<512x1xi32, #tpu.memory_space<vmem>>, vector<512x1xi32>
      %select_n3A_50 = arith.select %lt3A, %add3A_25, %get3A_49 : vector<512x1xi1>, vector<512x1xi32>
      %swap3A_51 = arith.constant 0 : index
      %swap3A_52 = arith.constant 0 : index
      %swap3A_53 = vector.load %arg8[%swap3A_51, %swap3A_52] : memref<512x1xi32, #tpu.memory_space<vmem>>, vector<512x1xi32>
      tpu.vector_store %arg8[%swap3A_51, %swap3A_52], %select_n3A_50 {strides = array<i32>} : memref<512x1xi32, #tpu.memory_space<vmem>>, vector<512x1xi32>,
    } else {
    }
    %eq3A_33 = arith.constant 7 : i32
    %eq3A_34 = arith.cmpi eq, %arg1, %eq3A_33 : i32
    %convert_element_type3A_35 = arith.extui %eq3A_34 : i1 to i32
    %cond3A_36 = arith.constant 0 : i32
    %cond3A_37 = arith.cmpi ne, %convert_element_type3A_35, %cond3A_36 : i32
    scf.if %cond3A_37 {
      %get3A_38 = arith.constant 0 : index
      %get3A_39 = arith.constant 0 : index
      %get3A_40 = vector.load %arg8[%get3A_38, %get3A_39] : memref<512x1xi32, #tpu.memory_space<vmem>>, vector<512x1xi32>
      %swap3A = arith.constant 0 : index
      %swap3A_41 = arith.constant 0 : index
      %swap3A_42 = vector.load %arg6[%swap3A, %swap3A_41] : memref<512x1xi32, #tpu.memory_space<vmem>>, vector<512x1xi32>
      tpu.vector_store %arg6[%swap3A, %swap3A_41], %get3A_40 {strides = array<i32>} : memref<512x1xi32, #tpu.memory_space<vmem>>, vector<512x1xi32>,
    } else {
    }
    return
  }
  func.func @transform_0(%arg0: i32, %arg1: i32) -> (i32, i32) {
    %c0_i32 = arith.constant 0 : i32
    %c0_i32_0 = arith.constant 0 : i32
    return %arg0, %c0_i32 : i32, i32
  }
  func.func @transform_1(%arg0: i32, %arg1: i32) -> (i32, i32) {
    %c0_i32 = arith.constant 0 : i32
    %c0_i32_0 = arith.constant 0 : i32
    return %arg0, %c0_i32 : i32, i32
  }
  func.func @transform_2(%arg0: i32, %arg1: i32) -> (i32, i32) {
    %c0_i32 = arith.constant 0 : i32
    %c0_i32_0 = arith.constant 0 : i32
    return %arg1, %c0_i32 : i32, i32
  }
  func.func @transform_3(%arg0: i32, %arg1: i32) -> (i32, i32) {
    %c0_i32 = arith.constant 0 : i32
    %c0_i32_0 = arith.constant 0 : i32
    return %c0_i32, %arg1 : i32, i32
  }
  func.func @transform_4(%arg0: i32, %arg1: i32) -> (i32, i32) {
    %c0_i32 = arith.constant 0 : i32
    %c0_i32_0 = arith.constant 0 : i32
    return %arg0, %c0_i32 : i32, i32
  }
}

</mosaic_0001>

<sc_bundles>
// kernel: kernel.10.cloned.1.call-start
scs
__scs_entry_jumppad:
0x0: {  	(pc) =	sbr.rel $0x88, $3  }
0x1: {  	(tag) =	ssettag $0x0;
	lr =	simm.s32 $0x1  }
0x2: {  	[smem:$0x3F9F] =	sst lr;
	_ =	strace $0xD0000000  }
0x3: {  	_ = 	snop  }
0x4: {  	_ = 	snop  }
0x5: {  	_ = 	snop  }
0x6: {  	_ = 	snop  }
0x7: {  	_ = 	snop  }
__scs_overlays_trampoline_lowered:
0x8: {  	[smem:$0x3FAE] =	sst s0  }
0x9: {  	[smem:$0x3FAF] =	sst s1  }
0xa: {  	[smem:$0x3FB0] =	sst s2  }
0xb: {  	[smem:$0x3FB1] =	sst s3  }
0xc: {  	[smem:$0x3FB2] =	sst s4  }
0xd: {  	[smem:$0x3FB3] =	sst s5  }
0xe: {  	[smem:$0x3FB4] =	sst s6  }
0xf: {  	[smem:$0x3FB5] =	sst s7  }
0x10: {  	[smem:$0x3FB6] =	sst s8  }
0x11: {  	[smem:$0x3FB7] =	sst s9;
	s0 =	simm.s32 @!p0 $0x0  }
0x12: {  	s1 =	sld [smem:$0x3F9D];
	s0 =	simm.s32 @p0 $0x1  }
0x13: {  	[smem:$0x3FB8] =	sst s0;
	s0 =	simm.s32 @!p1 $0x0  }
0x14: {  	s2 =	sld [smem:$0x3F9C];
	s0 =	simm.s32 @p1 $0x1  }
0x15: {  	[smem:$0x3FB9] =	sst s0;
	s0 =	simm.s32 @!p2 $0x0  }
0x16: {  	s3 =	sld [smem:$0x3FDB];
	s0 =	simm.s32 @p2 $0x1  }
0x17: {  	s4 =	simm.s32 $0x1BF5;
	[smem:$0x3FBB] =	sst s0  }
0x18: {  	s0 =	sld [smem:$0x3F9E];
	_ =	swait.ge [sflag:s4], $0x0  }
0x19: {  	s7 =	sld [smem:$0x3F9F]  }
0x1a: {  	s8 =	sadd.s32 $0xFFFFE003, lr  }
0x1b: {  	s9 =	sadd.s32 $0xFFFFFEF7, lr;
	s5 =	simm.s32 $0xFFFFFFFF;
	p2 =	slt.u32 s8, $0xFFFFF086  }
0x1c: {  	p1 =	slt.u32 s9, $0xF7A;
	s5 =	simm.s32 @!p2 $0x0  }
0x1d: {  	s5 =	simm.s32 @p1 $0x1;
	p0 =	seq.s32 s7, s2  }
0x1e: {  	s7 =	smul.u32 @!p0 $0xF7A, s2;
	p2 =	seq.s32 @!p0 s5, $0x0  }
0x1f: {  	s9 =	smul.u32 $0xF7A, s1;
	s8 =	simm.s32 @!p0 $0x1BF5;
	p2 =	por !p2, p0  }
0x20: {  	[sflag:s8] =	ssyncset.s32 @!p0 $0xFFFFF086;
	s6 =	sadd.s32 @!p0 s3, s7;
	s7 =	simm.s32 @!p0 $0x108  }
0x21: {  	s3 =	sadd.s32 s3, s9;
	s6 =	sadd.s32 @!p0 $0x88, s6;
	s7 =	simm.s32 @p2 $0x1082  }
0x22: {  	[simem:s7], [sflag:s8] =	dma.local @!p0 [hbm:s6], $0xF7A  }
0x23: {  	s9 =	sor.u32 $0xD0000000, s2;
	s6 =	simm.s32 $0x108;
	_ =	swait.ge @!p0 [sflag:s8], $0x0  }
0x24: {  	s3 =	sadd.s32 $0x88, s3;
	s6 =	simm.s32 @!p1 $0x1082;
	[sflag:s4] =	ssyncset.s32 $0xFFFFF086  }
0x25: {  	[simem:s6], [sflag:s4] =	dma.local [hbm:s3], $0xF7A  }
0x26: {  	[smem:$0x3F9F] =	sst s1;
	(tag) =	ssettag s2;
	_ =	strace s9  }
0x27: {  	s1 =	sld [smem:$0x3FAF]  }
0x28: {  	s2 =	sld [smem:$0x3FB0]  }
0x29: {  	s4 =	sld [smem:$0x3FB2]  }
0x2a: {  	p0 =	seq.s32 s5, $0x0;
	s5 =	sld [smem:$0x3FB3]  }
0x2b: {  	s6 =	sld [smem:$0x3FB4]  }
0x2c: {  	s7 =	sld [smem:$0x3FB5]  }
0x2d: {  	s3 =	simm.s32 $0x108;
	s8 =	sld [smem:$0x3FB6]  }
0x2e: {  	s3 =	simm.s32 @!p0 $0x1082;
	s9 =	sld [smem:$0x3FB7]  }
0x2f: {  	lr =	sadd.s32 s0, s3;
	s0 =	sld [smem:$0x3FAE]  }
0x30: {  	s3 =	sld [smem:$0x3FB1]  }
0x31: {  	[smem:$0x3FBA] =	sst s10  }
0x32: {  	s10 =	sld [smem:$0x3FB8];
	_ =	sdelay $0x3  }
0x33: {  	p0 =	seq.s32 s10, $0x1;
	s10 =	sld [smem:$0x3FBA];
	_ =	sdelay $0x3  }
0x34: {  	[smem:$0x3FBA] =	sst s10  }
0x35: {  	s10 =	sld [smem:$0x3FB9];
	_ =	sdelay $0x3  }
0x36: {  	p1 =	seq.s32 s10, $0x1;
	s10 =	sld [smem:$0x3FBA];
	_ =	sdelay $0x3  }
0x37: {  	[smem:$0x3FBA] =	sst s10  }
0x38: {  	s10 =	sld [smem:$0x3FBB]  }
0x39: {  	_ = 	snop;
	(pc) =	sbr.ind lr, $3  }
0x3a: {  	_ = 	snop  }
0x3b: {  	_ = 	snop  }
0x3c: {  	p2 =	seq.s32 s10, $0x1;
	s10 =	sld [smem:$0x3FBA]  }
0x3d: {  	_ =	shalt  }
0x3e: {  	_ =	shalt  }
0x3f: {  	_ =	shalt  }
0x40: {  	_ =	shalt  }
0x41: {  	_ =	shalt  }
0x42: {  	_ =	shalt  }
0x43: {  	_ =	shalt  }
0x44: {  	_ =	shalt  }
0x45: {  	_ =	shalt  }
0x46: {  	_ =	shalt  }
0x47: {  	_ =	shalt  }
0x48: {  	_ =	shalt  }
0x49: {  	_ =	shalt  }
0x4a: {  	_ =	shalt  }
0x4b: {  	_ =	shalt  }
0x4c: {  	_ =	shalt  }
0x4d: {  	_ =	shalt  }
0x4e: {  	_ =	shalt  }
0x4f: {  	_ =	shalt  }
0x50: {  	_ =	shalt  }
0x51: {  	_ =	shalt  }
0x52: {  	_ =	shalt  }
0x53: {  	_ =	shalt  }
0x54: {  	_ =	shalt  }
0x55: {  	_ =	shalt  }
0x56: {  	_ =	shalt  }
0x57: {  	_ =	shalt  }
0x58: {  	_ =	shalt  }
0x59: {  	_ =	shalt  }
0x5a: {  	_ =	shalt  }
0x5b: {  	_ =	shalt  }
0x5c: {  	_ =	shalt  }
0x5d: {  	_ =	shalt  }
0x5e: {  	_ =	shalt  }
0x5f: {  	_ =	shalt  }
0x60: {  	_ =	shalt  }
0x61: {  	_ =	shalt  }
0x62: {  	_ =	shalt  }
0x63: {  	_ =	shalt  }
0x64: {  	_ =	shalt  }
0x65: {  	_ =	shalt  }
0x66: {  	_ =	shalt  }
0x67: {  	_ =	shalt  }
0x68: {  	_ =	shalt  }
0x69: {  	_ =	shalt  }
0x6a: {  	_ =	shalt  }
0x6b: {  	_ =	shalt  }
0x6c: {  	_ =	shalt  }
0x6d: {  	_ =	shalt  }
0x6e: {  	_ =	shalt  }
0x6f: {  	_ =	shalt  }
0x70: {  	_ =	shalt  }
0x71: {  	_ =	shalt  }
0x72: {  	_ =	shalt  }
0x73: {  	_ =	shalt  }
0x74: {  	_ =	shalt  }
0x75: {  	_ =	shalt  }
0x76: {  	_ =	shalt  }
0x77: {  	_ =	shalt  }
0x78: {  	_ =	shalt  }
0x79: {  	_ =	shalt  }
0x7a: {  	_ =	shalt  }
0x7b: {  	_ =	shalt  }
0x7c: {  	_ =	shalt  }
0x7d: {  	_ =	shalt  }
0x7e: {  	_ =	shalt  }
0x7f: {  	_ =	shalt  }
0x80: {  	_ =	shalt  }
0x81: {  	_ =	shalt  }
0x82: {  	_ =	shalt  }
0x83: {  	_ =	shalt  }
0x84: {  	_ =	shalt  }
0x85: {  	_ =	shalt  }
0x86: {  	_ =	shalt  }
0x87: {  	_ =	shalt  }
.Lfunc_end0:
.L_simem_size_0:
called_computation_lowered:
.L_overlay_start_0:
0x88: {  	s2 =	sld [smem:$0x3FD9]  }
0x89: {  	s3 =	sld [smem:$0x3FFE];
	_ =	sdelay $0x1  }
0x8a: {  	s1 =	srdreg.scid  }
0x8b: {  	s0 =	sand.u32 $0x1, s1  }
0x8c: {  	s17 =	sshll.u32 s0, $0xA;
	s2 =	sadd.s32 s3, s2  }
0x8d: {  	s2 =	sadd.s32 s2, s17  }
0x8e: {  	[smem:$0x3FC6] =	sst s2  }
0x8f: {  	_ = 	snop  }
0x90: {  	s2 =	sld [smem:$0x3FD0];
	(tm) =	ssettm $0x1  }
0x91: {  	s18 =	sld [smem:$0x3FFB];
	_ =	sdelay $0x3  }
0x92: {  	_ =	strace s18  }
0x93: {  	s3 =	sld [smem:$0x3FFC];
	_ =	sdelay $0x3  }
0x94: {  	_ =	strace s3  }
0x95: {  	s3 =	sld [smem:$0x3FFD];
	_ =	sdelay $0x3  }
0x96: {  	_ =	strace s3  }
0x97: {  	_ =	strace $0x8FFFFFFF  }
0x98: {  	s19 =	sld [smem:$0x3FDB];
	_ =	sdelay $0x1  }
0x99: {  	s4 =	simm.s32 $_scs_section_size  }
0x9a: {  	s5 =	simm.s32 $_size__tile_overlayer_lowered;
	s6 =	simm.s32 $_tile_overlayer_lowered  }
0x9b: {  	s22 =	simm.s32 $0x1BFF;
	s21 =	sshll.u32 s6, $0x1;
	s3 =	sadd.s32 s4, s19  }
0x9c: {  	s7 =	simm.s32 $0x0;
	s20 =	sshll.u32 s5, $0x1;
	s5 =	sadd.s32 s21, s3  }
0x9d: {  	[timem:s7], [sflag:s22] =	dma.local [hbm:s5], s20  }
0x9e: {  	_ =	swait.ge [sflag:s22], s20  }
0x9f: {  	s4 =	ssub.s32 $0x0, s20;
	[sflag:s22] =	ssyncset.done $0x0  }
0xa0: {  	[sflag:s22] =	ssyncadd.s32 s4;
	_ =	sdelay $0x1  }
0xa1: {  	s23 =	simm.s32 $0x1B8B  }
0xa2: {  	_ =	swait.ge [sflag:s23], $0x1  }
0xa3: {  	[sflag:s23] =	ssyncset.done $0x0  }
0xa4: {  	s25 =	simm.s32 $0x1B8E;
	s24 =	sld [smem:$0x3FFE];
	[sflag:s23] =	ssyncadd.s32 $0xFFFFFFFF  }
0xa5: {  	s26 =	simm.s32 $execute0_lowered;
	[smem:$0x3FD2] =	sst s25  }
0xa6: {  	s5 =	sshll.u32 s26, $0x1;
	_ =	strace $0x80000046;
	[dreg:$0x1] =	wrdreg $0xFFFFFFFF  }
0xa7: {  	s28 =	simm.s32 $_size_execute0_lowered;
	s3 =	sadd.s32 s3, s5;
	[dreg:$0x0] =	wrdreg $0x0  }
0xa8: {  	s5 =	sshll.u32 s28, $0x1;
	[dreg:$0x2] =	wrdreg s3  }
0xa9: {  	[dreg:$0x3] =	wrdreg s5  }
0xaa: {  	[dreg:$0x4] =	wrdreg $0xC0  }
0xab: {  	_ =	task [dreg:s7], $0x5FFFF  }
0xac: {  	[dreg:$0x1] =	wrdreg $0xFFFFFFFF  }
0xad: {  	[dreg:$0x0] =	wrdreg $0x60  }
0xae: {  	[dreg:$0x2] =	wrdreg s2  }
0xaf: {  	[dreg:$0x3] =	wrdreg s24  }
0xb0: {  	[dreg:$0x4] =	wrdreg $0x9  }
0xb1: {  	_ =	task.clear_ibuf [dreg:s7], $0x5FFFF;
	_ =	strace $0x90000046  }
0xb2: {  	s29 =	simm.s32 $0x9;
	_ =	strace $0x80000048  }
0xb3: {  	_ =	swait.ge [sflag:s29], $0x1  }
0xb4: {  	[sflag:s29] =	ssyncadd.s32 $0xFFFFFFFF  }
0xb5: {  	_ =	strace $0x90000048  }
0xb6: {  	_ =	sfence  }
0xb7: {  	s30 =	sld [smem:$0x0];
	_ =	sdelay $0x2  }
0xb8: {  	s31 =	sshll.u32 s1, $0xD;
	s1 =	sshrl.u32 s1, $0x2  }
0xb9: {  	s3 =	sand.u32 $0x4000, s31;
	s1 =	sadd.s32 s1, s30  }
0xba: {  	s0 =	sor.u32 s3, s0;
	s1 =	sshll.u32 s1, $0x11  }
0xbb: {  	s0 =	sor.u32 s1, s0  }
0xbc: {  	s0 =	sadd.s32 $0x8F2B, s0  }
0xbd: {  	[sflag:s0] =	ssyncadd.remote.s32 $0x1  }
0xbe: {  	_ =	sfence.sel $0xFFFF  }
0xbf: {  	[dreg:$0x0] =	wrdreg $0xFFFFFFFF;
	(pc) =	sbr.abs _section_cstart, $3  }
0xc0: {  	[dreg:$0x1] =	wrdreg $0xFFFFFFFF  }
0xc1: {  	_ =	task.clear_ibuf [dreg:s7], $0x2FFFF;
	_ =	strace $0x9FFFFFFF  }
0xc2: {  	(tm) =	ssettm $0x7FFFFFFF  }
0xc3: {  	_ =	shalt  }
tec
execute0_lowered:
.L_overlay_start_1:
0x0: {  	(tag) =	ssettag $0x1  }
0x1: {  	s5 =	rddreg [dreg:$0x0]  }
0x2: {  	s4 =	rddreg [dreg:$0x1]  }
0x3: {  	s2 =	srdreg.scid;
	s0 =	stileid.u32  }
0x4: {  	s11 =	simm.s32 $0x1080;
	s12 =	simm.s32 $0x1880;
	s13 =	simm.s32 $0x2080  }
0x5: {  	s14 =	simm.s32 $0x2880;
	s15 =	simm.s32 $0x3080;
	s16 =	simm.s32 $0x3880  }
0x6: {  	s17 =	simm.s32 $0x4080;
	s18 =	simm.s32 $0x4880;
	s19 =	simm.s32 $0x5080  }
0x7: {  	s20 =	simm.s32 $0x5880;
	s21 =	simm.s32 $0x6080;
	s22 =	simm.s32 $0x6880  }
0x8: {  	s23 =	simm.s32 $0x7080;
	s24 =	simm.s32 $0x7880;
	s25 =	simm.s32 $0x8080  }
0x9: {  	s26 =	simm.s32 $0x1;
	s28 =	simm.s32 $0x0;
	s3 =	sand.u32 $0x1, s2  }
0xa: {  	s2 =	simm.s32 $0x0;
	s6 =	sshll.u32 s0, $0x8;
	s7 =	sshll.u32 s3, $0x7  }
0xb: {  	[smem:$0x7FF] =	sst s2;
	s8 =	ssub.s32 $0x2, s3;
	s3 =	sadd.s32 $0xC0000, s4  }
0xc: {  	s6 =	sor.u32 s7, s6;
	_ =	strace $0x80000047;
	s9 =	sshrl.u32 s8, $0x1  }
0xd: {  	s7 =	sshrl.u32 s6, $0x3;
	s6 =	sshll.u32 s6, $0x5;
	s8 =	ssub.s32 s8, s9  }
0xe: {  	v2 =	vlaneseq.u32;
	s9 =	simm.s32 $0x80;
	s7 =	sadd.s32 s7, s4;
	s10 =	sadd.s32 s6, s4  }
0xf: {  	vm0 =	vmmov $0xffff;
	v1 =	vshrl.u32 v2, $0x3;
	s5 =	sadd.s32 s5, s6;
	s4 =	sadd.s32 $0x100000, s7;
	s6 =	sadd.s32 $0x100200, s10  }
0x10: {  	v0 =	vand.u32 $0x7, v2;
	v2 =	vor.u32 $0x8, v2;
	v1 =	vmul.u32 $0x8, v1;
	s7 =	smax.u32 s8, $0x1;
	s8 =	simm.s32 $0x2;
	s10 =	simm.s32 $0x880  }
.LBB2_1:
0x11: {  	[tilespmem:s2], [sflag:$0x2] =	stream.linear.gather [hbm4b:s4+s2], $0x80, $0x38;
	[tilespmem:$0x10080] =	vst v63  }
0x12: {  	_ =	swait.ge [sflag:s8], $0x80  }
0x13: {  	[sflag:s8] =	ssyncset.done $0x0  }
0x14: {  	[sflag:s8] =	ssyncadd.s32 $0xFFFFFF80  }
0x15: {  	v3 =	vld [tilespmem:$0x0];
	_ =	sdelay $0x4  }
0x16: {  	v4 =	vshll.u32 v3, $0x1  }
0x17: {  	v3 =	vand.u32 $0x7, v3;
	v4 =	vand.u32 $0xFFFFFFF0, v4  }
0x18: {  	v3 =	vor.u32 v3, v4  }
0x19: {  	v4 =	vperm.xlane v3, v0;
	_ =	sdelay $0x1  }
0x1a: {  	v3 =	vperm.xlane v3, v2;
	v4 =	vadd.s32 v1, v4;
	_ =	sdelay $0x1  }
0x1b: {  	v3 =	vadd.s32 v1, v3;
	_ =	sdelay $0x2  }
0x1c: {  	[tilespmem:s9], [sflag:$0x1] =	stream.indirect_vreg.gather [hbm4b:s3+s2], $0x80, v4, vm0, $0xb8;
	[tilespmem:$0x10080] =	vst v63  }
0x1d: {  	_ = 	snop  }
0x1e: {  	[tilespmem:s10], [sflag:$0x1] =	stream.indirect_vreg.gather [hbm4b:s3+s2], $0x80, v3, vm0, $0xb8;
	[tilespmem:$0x10080] =	vst v63  }
0x1f: {  	v3 =	vld [tilespmem:$0x10];
	_ =	sdelay $0x4  }
0x20: {  	v4 =	vshll.u32 v3, $0x1  }
0x21: {  	v3 =	vand.u32 $0x7, v3;
	v4 =	vand.u32 $0xFFFFFFF0, v4  }
0x22: {  	v3 =	vor.u32 v3, v4  }
0x23: {  	v4 =	vperm.xlane v3, v0;
	_ =	sdelay $0x1  }
0x24: {  	v3 =	vperm.xlane v3, v2;
	v4 =	vadd.s32 v1, v4;
	_ =	sdelay $0x1  }
0x25: {  	v3 =	vadd.s32 v1, v3;
	_ =	sdelay $0x2  }
0x26: {  	[tilespmem:s11], [sflag:$0x1] =	stream.indirect_vreg.gather [hbm4b:s3+s2], $0x80, v4, vm0, $0xb8;
	[tilespmem:$0x10080] =	vst v63  }
0x27: {  	_ = 	snop  }
0x28: {  	[tilespmem:s12], [sflag:$0x1] =	stream.indirect_vreg.gather [hbm4b:s3+s2], $0x80, v3, vm0, $0xb8;
	[tilespmem:$0x10080] =	vst v63  }
0x29: {  	v3 =	vld [tilespmem:$0x20];
	_ =	sdelay $0x4  }
0x2a: {  	v4 =	vshll.u32 v3, $0x1  }
0x2b: {  	v3 =	vand.u32 $0x7, v3;
	v4 =	vand.u32 $0xFFFFFFF0, v4  }
0x2c: {  	v3 =	vor.u32 v3, v4  }
0x2d: {  	v4 =	vperm.xlane v3, v0;
	_ =	sdelay $0x1  }
0x2e: {  	v3 =	vperm.xlane v3, v2;
	v4 =	vadd.s32 v1, v4;
	_ =	sdelay $0x1  }
0x2f: {  	v3 =	vadd.s32 v1, v3;
	_ =	sdelay $0x2  }
0x30: {  	[tilespmem:s13], [sflag:$0x1] =	stream.indirect_vreg.gather [hbm4b:s3+s2], $0x80, v4, vm0, $0xb8;
	[tilespmem:$0x10080] =	vst v63  }
0x31: {  	_ = 	snop  }
0x32: {  	[tilespmem:s14], [sflag:$0x1] =	stream.indirect_vreg.gather [hbm4b:s3+s2], $0x80, v3, vm0, $0xb8;
	[tilespmem:$0x10080] =	vst v63  }
0x33: {  	v3 =	vld [tilespmem:$0x30];
	_ =	sdelay $0x4  }
0x34: {  	v4 =	vshll.u32 v3, $0x1  }
0x35: {  	v3 =	vand.u32 $0x7, v3;
	v4 =	vand.u32 $0xFFFFFFF0, v4  }
0x36: {  	v3 =	vor.u32 v3, v4  }
0x37: {  	v4 =	vperm.xlane v3, v0;
	_ =	sdelay $0x1  }
0x38: {  	v3 =	vperm.xlane v3, v2;
	v4 =	vadd.s32 v1, v4;
	_ =	sdelay $0x1  }
0x39: {  	v3 =	vadd.s32 v1, v3;
	_ =	sdelay $0x2  }
0x3a: {  	[tilespmem:s15], [sflag:$0x1] =	stream.indirect_vreg.gather [hbm4b:s3+s2], $0x80, v4, vm0, $0xb8;
	[tilespmem:$0x10080] =	vst v63  }
0x3b: {  	_ = 	snop  }
0x3c: {  	[tilespmem:s16], [sflag:$0x1] =	stream.indirect_vreg.gather [hbm4b:s3+s2], $0x80, v3, vm0, $0xb8;
	[tilespmem:$0x10080] =	vst v63  }
0x3d: {  	v3 =	vld [tilespmem:$0x40];
	_ =	sdelay $0x4  }
0x3e: {  	v4 =	vshll.u32 v3, $0x1  }
0x3f: {  	v3 =	vand.u32 $0x7, v3;
	v4 =	vand.u32 $0xFFFFFFF0, v4  }
0x40: {  	v3 =	vor.u32 v3, v4  }
0x41: {  	v4 =	vperm.xlane v3, v0;
	_ =	sdelay $0x1  }
0x42: {  	v3 =	vperm.xlane v3, v2;
	v4 =	vadd.s32 v1, v4;
	_ =	sdelay $0x1  }
0x43: {  	v3 =	vadd.s32 v1, v3;
	_ =	sdelay $0x2  }
0x44: {  	[tilespmem:s17], [sflag:$0x1] =	stream.indirect_vreg.gather [hbm4b:s3+s2], $0x80, v4, vm0, $0xb8;
	[tilespmem:$0x10080] =	vst v63  }
0x45: {  	_ = 	snop  }
0x46: {  	[tilespmem:s18], [sflag:$0x1] =	stream.indirect_vreg.gather [hbm4b:s3+s2], $0x80, v3, vm0, $0xb8;
	[tilespmem:$0x10080] =	vst v63  }
0x47: {  	v3 =	vld [tilespmem:$0x50];
	_ =	sdelay $0x4  }
0x48: {  	v4 =	vshll.u32 v3, $0x1  }
0x49: {  	v3 =	vand.u32 $0x7, v3;
	v4 =	vand.u32 $0xFFFFFFF0, v4  }
0x4a: {  	v3 =	vor.u32 v3, v4  }
0x4b: {  	v4 =	vperm.xlane v3, v0;
	_ =	sdelay $0x1  }
0x4c: {  	v3 =	vperm.xlane v3, v2;
	v4 =	vadd.s32 v1, v4;
	_ =	sdelay $0x1  }
0x4d: {  	v3 =	vadd.s32 v1, v3;
	_ =	sdelay $0x2  }
0x4e: {  	[tilespmem:s19], [sflag:$0x1] =	stream.indirect_vreg.gather [hbm4b:s3+s2], $0x80, v4, vm0, $0xb8;
	[tilespmem:$0x10080] =	vst v63  }
0x4f: {  	_ = 	snop  }
0x50: {  	[tilespmem:s20], [sflag:$0x1] =	stream.indirect_vreg.gather [hbm4b:s3+s2], $0x80, v3, vm0, $0xb8;
	[tilespmem:$0x10080] =	vst v63  }
0x51: {  	v3 =	vld [tilespmem:$0x60];
	_ =	sdelay $0x4  }
0x52: {  	v4 =	vshll.u32 v3, $0x1  }
0x53: {  	v3 =	vand.u32 $0x7, v3;
	v4 =	vand.u32 $0xFFFFFFF0, v4  }
0x54: {  	v3 =	vor.u32 v3, v4  }
0x55: {  	v4 =	vperm.xlane v3, v0;
	_ =	sdelay $0x1  }
0x56: {  	v3 =	vperm.xlane v3, v2;
	v4 =	vadd.s32 v1, v4;
	_ =	sdelay $0x1  }
0x57: {  	v3 =	vadd.s32 v1, v3;
	_ =	sdelay $0x2  }
0x58: {  	[tilespmem:s21], [sflag:$0x1] =	stream.indirect_vreg.gather [hbm4b:s3+s2], $0x80, v4, vm0, $0xb8;
	[tilespmem:$0x10080] =	vst v63  }
0x59: {  	_ = 	snop  }
0x5a: {  	[tilespmem:s22], [sflag:$0x1] =	stream.indirect_vreg.gather [hbm4b:s3+s2], $0x80, v3, vm0, $0xb8;
	[tilespmem:$0x10080] =	vst v63  }
0x5b: {  	v3 =	vld [tilespmem:$0x70];
	_ =	sdelay $0x4  }
0x5c: {  	v4 =	vshll.u32 v3, $0x1  }
0x5d: {  	v3 =	vand.u32 $0x7, v3;
	v4 =	vand.u32 $0xFFFFFFF0, v4  }
0x5e: {  	v3 =	vor.u32 v3, v4  }
0x5f: {  	v4 =	vperm.xlane v3, v0;
	_ =	sdelay $0x1  }
0x60: {  	v3 =	vperm.xlane v3, v2;
	v4 =	vadd.s32 v1, v4;
	_ =	sdelay $0x1  }
0x61: {  	v3 =	vadd.s32 v1, v3;
	_ =	sdelay $0x2  }
0x62: {  	[tilespmem:s23], [sflag:$0x1] =	stream.indirect_vreg.gather [hbm4b:s3+s2], $0x80, v4, vm0, $0xb8;
	[tilespmem:$0x10080] =	vst v63  }
0x63: {  	_ = 	snop  }
0x64: {  	[tilespmem:s24], [sflag:$0x1] =	stream.indirect_vreg.gather [hbm4b:s3+s2], $0x80, v3, vm0, $0xb8;
	[tilespmem:$0x10080] =	vst v63  }
0x65: {  	_ = 	snop  }
0x66: {  	[tilespmem:s25], [sflag:$0x2] =	stream.linear.gather [hbm4b:s5+s2], $0x8000, $0x38;
	[tilespmem:$0x10080] =	vst v63  }
0x67: {  	_ =	swait.ge [sflag:s8], $0x8000  }
0x68: {  	[sflag:s8] =	ssyncset.done $0x0  }
0x69: {  	[sflag:s8] =	ssyncadd.s32 $0xFFFF8000  }
0x6a: {  	_ =	swait.ge [sflag:s26], $0x8000  }
0x6b: {  	s29 =	sand.u32 $0x7800, s2;
	s30 =	sand.u32 $0x380, s2;
	[sflag:s26] =	ssyncset.done $0x0  }
0x6c: {  	s29 =	sor.u32 s30, s29;
	[sflag:s26] =	ssyncadd.s32 $0xFFFF8000  }
0x6d: {  	v10 =	vld [tilespmem:s29+$0x8080]  }
0x6e: {  	v11 =	vld [tilespmem:s29+$0x8090]  }
0x6f: {  	v12 =	vld [tilespmem:s29+$0x80A0]  }
0x70: {  	v13 =	vld [tilespmem:s29+$0x80B0]  }
0x71: {  	v14 =	vld [tilespmem:s29+$0x80C0]  }
0x72: {  	v15 =	vld [tilespmem:s29+$0x80D0]  }
0x73: {  	v16 =	vld [tilespmem:s29+$0x80E0]  }
0x74: {  	v17 =	vld [tilespmem:s29+$0x80F0]  }
0x75: {  	v18 =	vld [tilespmem:s29+$0x8480]  }
0x76: {  	v9 =	vld [tilespmem:s29+$0x8490]  }
0x77: {  	v8 =	vld [tilespmem:s29+$0x84A0]  }
0x78: {  	v7 =	vld [tilespmem:s29+$0x84B0]  }
0x79: {  	v6 =	vld [tilespmem:s29+$0x84C0]  }
0x7a: {  	v5 =	vld [tilespmem:s29+$0x84D0]  }
0x7b: {  	v4 =	vld [tilespmem:s29+$0x84E0]  }
0x7c: {  	v3 =	vld [tilespmem:s29+$0x84F0]  }
0x7d: {  	v19 =	vld [tilespmem:s29+$0x80]  }
0x7e: {  	v20 =	vld [tilespmem:s29+$0x90]  }
0x7f: {  	v21 =	vld [tilespmem:s29+$0xA0]  }
0x80: {  	v22 =	vld [tilespmem:s29+$0xB0]  }
0x81: {  	v23 =	vld [tilespmem:s29+$0xC0]  }
0x82: {  	v10 =	vsub.f32 v10, v19;
	v19 =	vld [tilespmem:s29+$0xD0]  }
0x83: {  	v61 =	vld [tilespmem:s29+$0xE0];
	v11 =	vsub.f32 v11, v20  }
0x84: {  	v62 =	vld [tilespmem:s29+$0xF0];
	[tilespmem:s29+$0x80] =	vst v10;
	v10 =	vsub.f32 v12, v21  }
0x85: {  	v63 =	vld [tilespmem:s29+$0x480];
	[tilespmem:s29+$0x90] =	vst v11;
	v11 =	vsub.f32 v13, v22  }
0x86: {  	v13 =	vld [tilespmem:s29+$0x490];
	[tilespmem:s29+$0xA0] =	vst v10;
	v10 =	vsub.f32 v14, v23  }
0x87: {  	v12 =	vld [tilespmem:s29+$0x4A0];
	[tilespmem:s29+$0xB0] =	vst v11;
	v11 =	vsub.f32 v15, v19  }
0x88: {  	v14 =	vsub.f32 v16, v61;
	[tilespmem:s29+$0xC0] =	vst v10;
	v10 =	vld [tilespmem:s29+$0x4B0]  }
0x89: {  	v16 =	vsub.f32 v17, v62;
	[tilespmem:s29+$0xD0] =	vst v11;
	v11 =	vld [tilespmem:s29+$0x4C0]  }
0x8a: {  	s31 =	simm.s32 $0x100;
	s30 =	simm.s32 $0x80;
	v15 =	vsub.f32 v18, v63;
	[tilespmem:s29+$0xE0] =	vst v14;
	v14 =	vld [tilespmem:s29+$0x4D0]  }
.LBB2_2:
0x8b: {  	s0 =	sand.u32 $0x7800, s31;
	s1 =	sand.u32 $0x380, s30;
	p0 =	sne.s32 s31, $0x7F00;
	[tilespmem:s29+$0xF0] =	vst v16;
	v9 =	vsub.f32 v9, v13;
	v13 =	vld [tilespmem:s29+$0x4E0]  }
0x8c: {  	s0 =	sor.u32 s1, s0;
	[tilespmem:s29+$0x480] =	vst v15;
	v8 =	vsub.f32 v8, v12;
	v12 =	vld [tilespmem:s29+$0x4F0]  }
0x8d: {  	v15 =	vld [tilespmem:s0+$0x8080];
	[tilespmem:s29+$0x490] =	vst v9;
	v7 =	vsub.f32 v7, v10  }
0x8e: {  	v10 =	vld [tilespmem:s0+$0x8090];
	[tilespmem:s29+$0x4A0] =	vst v8;
	v6 =	vsub.f32 v6, v11  }
0x8f: {  	v11 =	vld [tilespmem:s0+$0x80A0];
	[tilespmem:s29+$0x4B0] =	vst v7;
	v5 =	vsub.f32 v5, v14  }
0x90: {  	v14 =	vld [tilespmem:s0+$0x80B0];
	[tilespmem:s29+$0x4C0] =	vst v6;
	v4 =	vsub.f32 v4, v13  }
0x91: {  	v13 =	vld [tilespmem:s0+$0x80C0];
	[tilespmem:s29+$0x4D0] =	vst v5;
	v3 =	vsub.f32 v3, v12  }
0x92: {  	v12 =	vld [tilespmem:s0+$0x80D0];
	[tilespmem:s29+$0x4E0] =	vst v4  }
0x93: {  	v16 =	vld [tilespmem:s0+$0x80E0];
	[tilespmem:s29+$0x4F0] =	vst v3;
	s29 =	smov.u32 s0  }
0x94: {  	v17 =	vld [tilespmem:s29+$0x80F0]  }
0x95: {  	v18 =	vld [tilespmem:s29+$0x8480]  }
0x96: {  	v9 =	vld [tilespmem:s29+$0x8490]  }
0x97: {  	v8 =	vld [tilespmem:s29+$0x84A0]  }
0x98: {  	v7 =	vld [tilespmem:s29+$0x84B0]  }
0x99: {  	v6 =	vld [tilespmem:s29+$0x84C0]  }
0x9a: {  	v5 =	vld [tilespmem:s29+$0x84D0]  }
0x9b: {  	v4 =	vld [tilespmem:s29+$0x84E0]  }
0x9c: {  	v3 =	vld [tilespmem:s29+$0x84F0]  }
0x9d: {  	v19 =	vld [tilespmem:s29+$0x80]  }
0x9e: {  	v20 =	vld [tilespmem:s29+$0x90]  }
0x9f: {  	v21 =	vld [tilespmem:s29+$0xA0]  }
0xa0: {  	v22 =	vld [tilespmem:s29+$0xB0]  }
0xa1: {  	v23 =	vld [tilespmem:s29+$0xC0]  }
0xa2: {  	v15 =	vsub.f32 v15, v19;
	v19 =	vld [tilespmem:s29+$0xD0]  }
0xa3: {  	v10 =	vsub.f32 v10, v20;
	v20 =	vld [tilespmem:s29+$0xE0]  }
0xa4: {  	[tilespmem:s29+$0x80] =	vst v15;
	v11 =	vsub.f32 v11, v21;
	v15 =	vld [tilespmem:s29+$0xF0]  }
0xa5: {  	[tilespmem:s29+$0x90] =	vst v10;
	v10 =	vsub.f32 v14, v22;
	v14 =	vld [tilespmem:s29+$0x480]  }
.Ltmp0:
0xa6: {  	[tilespmem:s29+$0xA0] =	vst v11;
	v11 =	vsub.f32 v13, v23;
	v13 =	vld [tilespmem:s29+$0x490];
	(pc) =	sbr.rel @p0 .LBB2_2-.Ltmp0, $4  }
0xa7: {  	[tilespmem:s29+$0xB0] =	vst v10;
	v19 =	vsub.f32 v12, v19;
	v12 =	vld [tilespmem:s29+$0x4A0]  }
0xa8: {  	[tilespmem:s29+$0xC0] =	vst v11;
	v20 =	vsub.f32 v16, v20;
	v10 =	vld [tilespmem:s29+$0x4B0]  }
0xa9: {  	[tilespmem:s29+$0xD0] =	vst v19;
	v16 =	vsub.f32 v17, v15;
	v11 =	vld [tilespmem:s29+$0x4C0]  }
0xaa: {  	s30 =	sadd.s32 $0x80, s30;
	s31 =	sadd.s32 $0x100, s31;
	[tilespmem:s29+$0xE0] =	vst v20;
	v15 =	vsub.f32 v18, v14;
	v14 =	vld [tilespmem:s29+$0x4D0]  }
0xab: {  	[tilespmem:s29+$0xF0] =	vst v16;
	v9 =	vsub.f32 v9, v13;
	v62 =	vld [tilespmem:s29+$0x4E0]  }
0xac: {  	v63 =	vld [tilespmem:s29+$0x4F0];
	[tilespmem:s29+$0x480] =	vst v15;
	v8 =	vsub.f32 v8, v12  }
0xad: {  	[tilespmem:s29+$0x490] =	vst v9;
	v7 =	vsub.f32 v7, v10  }
0xae: {  	[tilespmem:s29+$0x4A0] =	vst v8;
	v6 =	vsub.f32 v6, v11  }
0xaf: {  	[tilespmem:s29+$0x4B0] =	vst v7;
	v5 =	vsub.f32 v5, v14  }
0xb0: {  	[tilespmem:s29+$0x4C0] =	vst v6;
	v4 =	vsub.f32 v4, v62  }
0xb1: {  	s28 =	sadd.s32 $0x1, s28;
	v3 =	vsub.f32 v3, v63;
	[tilespmem:s29+$0x4D0] =	vst v5  }
0xb2: {  	p0 =	sne.s32 s28, s7;
	[tilespmem:s29+$0x4E0] =	vst v4  }
.Ltmp1:
0xb3: {  	[tilespmem:s29+$0x4F0] =	vst v3;
	(pc) =	sbr.rel @p0 .LBB2_1-.Ltmp1, $4  }
0xb4: {  	[hbm4b:s6+s2] =	stream.linear.scatter [tilespmem:s9], [sflag:$0x2], $0x8000, $0x38;
	[tilespmem:$0x10080] =	vst v63  }
0xb5: {  	_ =	swait.ge [sflag:s8], $0x8000  }
0xb6: {  	[sflag:s8] =	ssyncset.done $0x0  }
0xb7: {  	[sflag:s8] =	ssyncadd.s32 $0xFFFF8000  }
0xb8: {  	_ =	sfence.sel $0x180000  }
0xb9: {  	[bflag:$0x0] =	sbarrier.arrive $0xFFFF  }
0xba: {  	_ =	strace $0x90000047  }
0xbb: {  	s0 =	stileid.u32;
	[bflag:$0x2] =	sbarrier.arrive $0xFFFF  }
0xbc: {  	p0 =	sne.s32 s0, $0x0;
	s0 =	rddreg [dreg:$0x2]  }
0xbd: {  	s0 =	sadd.s32 @!p0 $0x100000, s0  }
0xbe: {  	[sflag:s0] =	ssyncadd.tile.s32 @!p0 $0x1;
	_ =	shalt  }
.Lfunc_end2:
_tile_overlayer_lowered:
.L_overlay_start_2:
0xbf: {  	(tag) =	ssettag $0x2  }
0xc0: {  	s0 =	rddreg [dreg:$0x0];
	s2 =	stileid.u32  }
0xc1: {  	s1 =	rddreg [dreg:$0x1];
	p0 =	sne.s32 s2, $0x0  }
0xc2: {  	s3 =	rddreg [dreg:$0x2];
	[bflag:$0x3] =	sbarrier.arrive $0xFFFF;
	s2 =	simm.s32 @!p0 $0x1C02  }
0xc3: {  	[timem:s3], [sflag:s2] =	dma.local @!p0 [hbm:s0], s1  }
0xc4: {  	s0 =	simm.s32 @!p0 $0x2  }
0xc5: {  	_ =	swait.ge @!p0 [sflag:s0], s1  }
0xc6: {  	s1 =	ssub.s32 @!p0 $0x0, s1;
	[sflag:s0] =	ssyncset.done @!p0 $0x0  }
0xc7: {  	[sflag:s0] =	ssyncadd.s32 @!p0 s1  }
0xc8: {  	[bflag:$0x3] =	sbarrier.arrive $0xFFFF  }
0xc9: {  	_ =	shalt  }

// kernel: kernel.13.cloned.1.call-start
scs
__scs_entry_jumppad:
0x0: {  	(pc) =	sbr.rel $0x88, $3  }
0x1: {  	(tag) =	ssettag $0x0;
	lr =	simm.s32 $0x1  }
0x2: {  	[smem:$0x3F9F] =	sst lr;
	_ =	strace $0xD0000000  }
0x3: {  	_ = 	snop  }
0x4: {  	_ = 	snop  }
0x5: {  	_ = 	snop  }
0x6: {  	_ = 	snop  }
0x7: {  	_ = 	snop  }
__scs_overlays_trampoline_lowered:
0x8: {  	[smem:$0x3FAE] =	sst s0  }
0x9: {  	[smem:$0x3FAF] =	sst s1  }
0xa: {  	[smem:$0x3FB0] =	sst s2  }
0xb: {  	[smem:$0x3FB1] =	sst s3  }
0xc: {  	[smem:$0x3FB2] =	sst s4  }
0xd: {  	[smem:$0x3FB3] =	sst s5  }
0xe: {  	[smem:$0x3FB4] =	sst s6  }
0xf: {  	[smem:$0x3FB5] =	sst s7  }
0x10: {  	[smem:$0x3FB6] =	sst s8  }
0x11: {  	[smem:$0x3FB7] =	sst s9;
	s0 =	simm.s32 @!p0 $0x0  }
0x12: {  	s1 =	sld [smem:$0x3F9D];
	s0 =	simm.s32 @p0 $0x1  }
0x13: {  	[smem:$0x3FB8] =	sst s0;
	s0 =	simm.s32 @!p1 $0x0  }
0x14: {  	s2 =	sld [smem:$0x3F9C];
	s0 =	simm.s32 @p1 $0x1  }
0x15: {  	[smem:$0x3FB9] =	sst s0;
	s0 =	simm.s32 @!p2 $0x0  }
0x16: {  	s3 =	sld [smem:$0x3FDB];
	s0 =	simm.s32 @p2 $0x1  }
0x17: {  	s4 =	simm.s32 $0x1BF5;
	[smem:$0x3FBB] =	sst s0  }
0x18: {  	s0 =	sld [smem:$0x3F9E];
	_ =	swait.ge [sflag:s4], $0x0  }
0x19: {  	s7 =	sld [smem:$0x3F9F]  }
0x1a: {  	s8 =	sadd.s32 $0xFFFFE003, lr  }
0x1b: {  	s9 =	sadd.s32 $0xFFFFFEF7, lr;
	s5 =	simm.s32 $0xFFFFFFFF;
	p2 =	slt.u32 s8, $0xFFFFF086  }
0x1c: {  	p1 =	slt.u32 s9, $0xF7A;
	s5 =	simm.s32 @!p2 $0x0  }
0x1d: {  	s5 =	simm.s32 @p1 $0x1;
	p0 =	seq.s32 s7, s2  }
0x1e: {  	s7 =	smul.u32 @!p0 $0xF7A, s2;
	p2 =	seq.s32 @!p0 s5, $0x0  }
0x1f: {  	s9 =	smul.u32 $0xF7A, s1;
	s8 =	simm.s32 @!p0 $0x1BF5;
	p2 =	por !p2, p0  }
0x20: {  	[sflag:s8] =	ssyncset.s32 @!p0 $0xFFFFF086;
	s6 =	sadd.s32 @!p0 s3, s7;
	s7 =	simm.s32 @!p0 $0x108  }
0x21: {  	s3 =	sadd.s32 s3, s9;
	s6 =	sadd.s32 @!p0 $0x88, s6;
	s7 =	simm.s32 @p2 $0x1082  }
0x22: {  	[simem:s7], [sflag:s8] =	dma.local @!p0 [hbm:s6], $0xF7A  }
0x23: {  	s9 =	sor.u32 $0xD0000000, s2;
	s6 =	simm.s32 $0x108;
	_ =	swait.ge @!p0 [sflag:s8], $0x0  }
0x24: {  	s3 =	sadd.s32 $0x88, s3;
	s6 =	simm.s32 @!p1 $0x1082;
	[sflag:s4] =	ssyncset.s32 $0xFFFFF086  }
0x25: {  	[simem:s6], [sflag:s4] =	dma.local [hbm:s3], $0xF7A  }
0x26: {  	[smem:$0x3F9F] =	sst s1;
	(tag) =	ssettag s2;
	_ =	strace s9  }
0x27: {  	s1 =	sld [smem:$0x3FAF]  }
0x28: {  	s2 =	sld [smem:$0x3FB0]  }
0x29: {  	s4 =	sld [smem:$0x3FB2]  }
0x2a: {  	p0 =	seq.s32 s5, $0x0;
	s5 =	sld [smem:$0x3FB3]  }
0x2b: {  	s6 =	sld [smem:$0x3FB4]  }
0x2c: {  	s7 =	sld [smem:$0x3FB5]  }
0x2d: {  	s3 =	simm.s32 $0x108;
	s8 =	sld [smem:$0x3FB6]  }
0x2e: {  	s3 =	simm.s32 @!p0 $0x1082;
	s9 =	sld [smem:$0x3FB7]  }
0x2f: {  	lr =	sadd.s32 s0, s3;
	s0 =	sld [smem:$0x3FAE]  }
0x30: {  	s3 =	sld [smem:$0x3FB1]  }
0x31: {  	[smem:$0x3FBA] =	sst s10  }
0x32: {  	s10 =	sld [smem:$0x3FB8];
	_ =	sdelay $0x3  }
0x33: {  	p0 =	seq.s32 s10, $0x1;
	s10 =	sld [smem:$0x3FBA];
	_ =	sdelay $0x3  }
0x34: {  	[smem:$0x3FBA] =	sst s10  }
0x35: {  	s10 =	sld [smem:$0x3FB9];
	_ =	sdelay $0x3  }
0x36: {  	p1 =	seq.s32 s10, $0x1;
	s10 =	sld [smem:$0x3FBA];
	_ =	sdelay $0x3  }
0x37: {  	[smem:$0x3FBA] =	sst s10  }
0x38: {  	s10 =	sld [smem:$0x3FBB]  }
0x39: {  	_ = 	snop;
	(pc) =	sbr.ind lr, $3  }
0x3a: {  	_ = 	snop  }
0x3b: {  	_ = 	snop  }
0x3c: {  	p2 =	seq.s32 s10, $0x1;
	s10 =	sld [smem:$0x3FBA]  }
0x3d: {  	_ =	shalt  }
0x3e: {  	_ =	shalt  }
0x3f: {  	_ =	shalt  }
0x40: {  	_ =	shalt  }
0x41: {  	_ =	shalt  }
0x42: {  	_ =	shalt  }
0x43: {  	_ =	shalt  }
0x44: {  	_ =	shalt  }
0x45: {  	_ =	shalt  }
0x46: {  	_ =	shalt  }
0x47: {  	_ =	shalt  }
0x48: {  	_ =	shalt  }
0x49: {  	_ =	shalt  }
0x4a: {  	_ =	shalt  }
0x4b: {  	_ =	shalt  }
0x4c: {  	_ =	shalt  }
0x4d: {  	_ =	shalt  }
0x4e: {  	_ =	shalt  }
0x4f: {  	_ =	shalt  }
0x50: {  	_ =	shalt  }
0x51: {  	_ =	shalt  }
0x52: {  	_ =	shalt  }
0x53: {  	_ =	shalt  }
0x54: {  	_ =	shalt  }
0x55: {  	_ =	shalt  }
0x56: {  	_ =	shalt  }
0x57: {  	_ =	shalt  }
0x58: {  	_ =	shalt  }
0x59: {  	_ =	shalt  }
0x5a: {  	_ =	shalt  }
0x5b: {  	_ =	shalt  }
0x5c: {  	_ =	shalt  }
0x5d: {  	_ =	shalt  }
0x5e: {  	_ =	shalt  }
0x5f: {  	_ =	shalt  }
0x60: {  	_ =	shalt  }
0x61: {  	_ =	shalt  }
0x62: {  	_ =	shalt  }
0x63: {  	_ =	shalt  }
0x64: {  	_ =	shalt  }
0x65: {  	_ =	shalt  }
0x66: {  	_ =	shalt  }
0x67: {  	_ =	shalt  }
0x68: {  	_ =	shalt  }
0x69: {  	_ =	shalt  }
0x6a: {  	_ =	shalt  }
0x6b: {  	_ =	shalt  }
0x6c: {  	_ =	shalt  }
0x6d: {  	_ =	shalt  }
0x6e: {  	_ =	shalt  }
0x6f: {  	_ =	shalt  }
0x70: {  	_ =	shalt  }
0x71: {  	_ =	shalt  }
0x72: {  	_ =	shalt  }
0x73: {  	_ =	shalt  }
0x74: {  	_ =	shalt  }
0x75: {  	_ =	shalt  }
0x76: {  	_ =	shalt  }
0x77: {  	_ =	shalt  }
0x78: {  	_ =	shalt  }
0x79: {  	_ =	shalt  }
0x7a: {  	_ =	shalt  }
0x7b: {  	_ =	shalt  }
0x7c: {  	_ =	shalt  }
0x7d: {  	_ =	shalt  }
0x7e: {  	_ =	shalt  }
0x7f: {  	_ =	shalt  }
0x80: {  	_ =	shalt  }
0x81: {  	_ =	shalt  }
0x82: {  	_ =	shalt  }
0x83: {  	_ =	shalt  }
0x84: {  	_ =	shalt  }
0x85: {  	_ =	shalt  }
0x86: {  	_ =	shalt  }
0x87: {  	_ =	shalt  }
.Lfunc_end0:
.L_simem_size_0:
called_computation.1_lowered:
.L_overlay_start_0:
0x88: {  	s2 =	sld [smem:$0x3FD9]  }
0x89: {  	s3 =	sld [smem:$0x3FFE];
	_ =	sdelay $0x1  }
0x8a: {  	s1 =	srdreg.scid  }
0x8b: {  	s0 =	sand.u32 $0x1, s1  }
0x8c: {  	s16 =	sshll.u32 s0, $0xA;
	s2 =	sadd.s32 s3, s2  }
0x8d: {  	s2 =	sadd.s32 s2, s16  }
0x8e: {  	[smem:$0x3FC6] =	sst s2  }
0x8f: {  	_ = 	snop  }
0x90: {  	(tm) =	ssettm $0x1  }
0x91: {  	s17 =	sld [smem:$0x3FFB];
	_ =	sdelay $0x3  }
0x92: {  	_ =	strace s17  }
0x93: {  	s2 =	sld [smem:$0x3FFC];
	_ =	sdelay $0x3  }
0x94: {  	_ =	strace s2  }
0x95: {  	s2 =	sld [smem:$0x3FFD];
	_ =	sdelay $0x3  }
0x96: {  	_ =	strace s2  }
0x97: {  	_ =	strace $0x8FFFFFFF  }
0x98: {  	s18 =	sld [smem:$0x3FDB];
	_ =	sdelay $0x1  }
0x99: {  	s19 =	simm.s32 $_scs_section_size  }
0x9a: {  	s4 =	simm.s32 $_size__tile_overlayer_lowered;
	s5 =	simm.s32 $_tile_overlayer_lowered  }
0x9b: {  	s22 =	simm.s32 $0x1BFF;
	s21 =	sshll.u32 s5, $0x1;
	s2 =	sadd.s32 s19, s18  }
0x9c: {  	s6 =	simm.s32 $0x0;
	s20 =	sshll.u32 s4, $0x1;
	s4 =	sadd.s32 s21, s2  }
0x9d: {  	[timem:s6], [sflag:s22] =	dma.local [hbm:s4], s20  }
0x9e: {  	_ =	swait.ge [sflag:s22], s20  }
0x9f: {  	s3 =	ssub.s32 $0x0, s20;
	[sflag:s22] =	ssyncset.done $0x0  }
0xa0: {  	[sflag:s22] =	ssyncadd.s32 s3;
	_ =	sdelay $0x1  }
0xa1: {  	s23 =	simm.s32 $0x1B8B  }
0xa2: {  	_ =	swait.ge [sflag:s23], $0x1  }
0xa3: {  	[sflag:s23] =	ssyncset.done $0x0  }
0xa4: {  	s25 =	simm.s32 $0x1B8E;
	s24 =	sld [smem:$0x3FFE];
	[sflag:s23] =	ssyncadd.s32 $0xFFFFFFFF  }
0xa5: {  	s26 =	simm.s32 $execute0_lowered;
	[smem:$0x3FD2] =	sst s25  }
0xa6: {  	s4 =	sshll.u32 s26, $0x1;
	_ =	strace $0x80000049;
	[dreg:$0x1] =	wrdreg $0xFFFFFFFF  }
0xa7: {  	s28 =	simm.s32 $_size_execute0_lowered;
	s2 =	sadd.s32 s2, s4;
	[dreg:$0x0] =	wrdreg $0x0  }
0xa8: {  	s4 =	sshll.u32 s28, $0x1;
	[dreg:$0x2] =	wrdreg s2  }
0xa9: {  	[dreg:$0x3] =	wrdreg s4  }
0xaa: {  	[dreg:$0x4] =	wrdreg $0xC0  }
0xab: {  	_ =	task [dreg:s6], $0x5FFFF  }
0xac: {  	[dreg:$0x1] =	wrdreg $0xFFFFFFFF  }
0xad: {  	[dreg:$0x0] =	wrdreg $0x60  }
0xae: {  	[dreg:$0x2] =	wrdreg s24  }
0xaf: {  	[dreg:$0x3] =	wrdreg $0x9  }
0xb0: {  	_ =	task.clear_ibuf [dreg:s6], $0x4FFFF;
	_ =	strace $0x90000049  }
0xb1: {  	s29 =	simm.s32 $0x9;
	_ =	strace $0x8000004B  }
0xb2: {  	_ =	swait.ge [sflag:s29], $0x1  }
0xb3: {  	[sflag:s29] =	ssyncadd.s32 $0xFFFFFFFF  }
0xb4: {  	_ =	strace $0x9000004B  }
0xb5: {  	_ =	sfence  }
0xb6: {  	s30 =	sld [smem:$0x0];
	_ =	sdelay $0x2  }
0xb7: {  	s31 =	sshll.u32 s1, $0xD;
	s1 =	sshrl.u32 s1, $0x2  }
0xb8: {  	s3 =	sand.u32 $0x4000, s31;
	s1 =	sadd.s32 s1, s30  }
0xb9: {  	s0 =	sor.u32 s3, s0;
	s1 =	sshll.u32 s1, $0x11  }
0xba: {  	s0 =	sor.u32 s1, s0  }
0xbb: {  	s0 =	sadd.s32 $0x8F2B, s0  }
0xbc: {  	[sflag:s0] =	ssyncadd.remote.s32 $0x1  }
0xbd: {  	_ =	sfence.sel $0xFFFF  }
0xbe: {  	[dreg:$0x0] =	wrdreg $0xFFFFFFFF;
	(pc) =	sbr.abs _section_cstart, $3  }
0xbf: {  	[dreg:$0x1] =	wrdreg $0xFFFFFFFF  }
0xc0: {  	_ =	task.clear_ibuf [dreg:s6], $0x2FFFF;
	_ =	strace $0x9FFFFFFF  }
0xc1: {  	(tm) =	ssettm $0x7FFFFFFF  }
tec
execute0_lowered:
.L_overlay_start_1:
0x0: {  	(tag) =	ssettag $0x1  }
0x1: {  	s2 =	rddreg [dreg:$0x0];
	s4 =	srdreg.scid  }
0x2: {  	s3 =	simm.s32 $0x0;
	s0 =	stileid.u32;
	s9 =	simm.s32 $0x80  }
0x3: {  	s10 =	simm.s32 $0x880;
	s11 =	simm.s32 $0x1080;
	s12 =	simm.s32 $0x1880  }
0x4: {  	s13 =	simm.s32 $0x2080;
	s14 =	simm.s32 $0x2880;
	s15 =	simm.s32 $0x3080  }
0x5: {  	s16 =	simm.s32 $0x3880;
	s17 =	simm.s32 $0x4080;
	s18 =	simm.s32 $0x4880  }
0x6: {  	s19 =	simm.s32 $0x5080;
	s20 =	simm.s32 $0x5880;
	s21 =	simm.s32 $0x6080  }
0x7: {  	s22 =	simm.s32 $0x6880;
	s23 =	simm.s32 $0x7080;
	s24 =	simm.s32 $0x7880  }
0x8: {  	s25 =	simm.s32 $0x8080;
	s26 =	simm.s32 $0x1;
	s4 =	sand.u32 $0x1, s4  }
0x9: {  	s28 =	simm.s32 $0x0;
	s5 =	sshll.u32 s0, $0x8;
	s6 =	sshll.u32 s4, $0x7  }
0xa: {  	[smem:$0x7FF] =	sst s3;
	s4 =	ssub.s32 $0x2, s4;
	s5 =	sor.u32 s6, s5  }
0xb: {  	_ =	strace $0x8000004A;
	s7 =	sshrl.u32 s4, $0x1;
	s6 =	sshrl.u32 s5, $0x3  }
0xc: {  	v2 =	vlaneseq.u32;
	s5 =	sshll.u32 s5, $0x5;
	s7 =	ssub.s32 s4, s7;
	s6 =	sadd.s32 s6, s2  }
0xd: {  	vm0 =	vmmov $0xffff;
	v1 =	vshrl.u32 v2, $0x3;
	s8 =	sadd.s32 s5, s2;
	s7 =	smax.u32 s7, $0x1;
	s4 =	sadd.s32 $0xC0000, s6  }
0xe: {  	v0 =	vand.u32 $0x7, v2;
	v2 =	vor.u32 $0x8, v2;
	v1 =	vmul.u32 $0x8, v1;
	s5 =	sadd.s32 $0x100200, s8;
	s6 =	sadd.s32 $0xC0200, s8;
	s8 =	simm.s32 $0x2  }
.LBB2_1:
0xf: {  	[tilespmem:s3], [sflag:$0x2] =	stream.linear.gather [hbm4b:s4+s3], $0x80, $0x38;
	[tilespmem:$0x10080] =	vst v63  }
0x10: {  	_ =	swait.ge [sflag:s8], $0x80  }
0x11: {  	[sflag:s8] =	ssyncset.done $0x0  }
0x12: {  	[sflag:s8] =	ssyncadd.s32 $0xFFFFFF80  }
0x13: {  	v3 =	vld [tilespmem:$0x0];
	_ =	sdelay $0x4  }
0x14: {  	v4 =	vshll.u32 v3, $0x1  }
0x15: {  	v3 =	vand.u32 $0x7, v3;
	v4 =	vand.u32 $0xFFFFFFF0, v4  }
0x16: {  	v3 =	vor.u32 v3, v4  }
0x17: {  	v4 =	vperm.xlane v3, v0;
	_ =	sdelay $0x1  }
0x18: {  	v3 =	vperm.xlane v3, v2;
	v4 =	vadd.s32 v1, v4;
	_ =	sdelay $0x1  }
0x19: {  	v3 =	vadd.s32 v1, v3;
	_ =	sdelay $0x2  }
0x1a: {  	[tilespmem:s9], [sflag:$0x1] =	stream.indirect_vreg.gather [hbm4b:s2+s3], $0x80, v4, vm0, $0xb8;
	[tilespmem:$0x10080] =	vst v63  }
0x1b: {  	_ = 	snop  }
0x1c: {  	[tilespmem:s10], [sflag:$0x1] =	stream.indirect_vreg.gather [hbm4b:s2+s3], $0x80, v3, vm0, $0xb8;
	[tilespmem:$0x10080] =	vst v63  }
0x1d: {  	v3 =	vld [tilespmem:$0x10];
	_ =	sdelay $0x4  }
0x1e: {  	v4 =	vshll.u32 v3, $0x1  }
0x1f: {  	v3 =	vand.u32 $0x7, v3;
	v4 =	vand.u32 $0xFFFFFFF0, v4  }
0x20: {  	v3 =	vor.u32 v3, v4  }
0x21: {  	v4 =	vperm.xlane v3, v0;
	_ =	sdelay $0x1  }
0x22: {  	v3 =	vperm.xlane v3, v2;
	v4 =	vadd.s32 v1, v4;
	_ =	sdelay $0x1  }
0x23: {  	v3 =	vadd.s32 v1, v3;
	_ =	sdelay $0x2  }
0x24: {  	[tilespmem:s11], [sflag:$0x1] =	stream.indirect_vreg.gather [hbm4b:s2+s3], $0x80, v4, vm0, $0xb8;
	[tilespmem:$0x10080] =	vst v63  }
0x25: {  	_ = 	snop  }
0x26: {  	[tilespmem:s12], [sflag:$0x1] =	stream.indirect_vreg.gather [hbm4b:s2+s3], $0x80, v3, vm0, $0xb8;
	[tilespmem:$0x10080] =	vst v63  }
0x27: {  	v3 =	vld [tilespmem:$0x20];
	_ =	sdelay $0x4  }
0x28: {  	v4 =	vshll.u32 v3, $0x1  }
0x29: {  	v3 =	vand.u32 $0x7, v3;
	v4 =	vand.u32 $0xFFFFFFF0, v4  }
0x2a: {  	v3 =	vor.u32 v3, v4  }
0x2b: {  	v4 =	vperm.xlane v3, v0;
	_ =	sdelay $0x1  }
0x2c: {  	v3 =	vperm.xlane v3, v2;
	v4 =	vadd.s32 v1, v4;
	_ =	sdelay $0x1  }
0x2d: {  	v3 =	vadd.s32 v1, v3;
	_ =	sdelay $0x2  }
0x2e: {  	[tilespmem:s13], [sflag:$0x1] =	stream.indirect_vreg.gather [hbm4b:s2+s3], $0x80, v4, vm0, $0xb8;
	[tilespmem:$0x10080] =	vst v63  }
0x2f: {  	_ = 	snop  }
0x30: {  	[tilespmem:s14], [sflag:$0x1] =	stream.indirect_vreg.gather [hbm4b:s2+s3], $0x80, v3, vm0, $0xb8;
	[tilespmem:$0x10080] =	vst v63  }
0x31: {  	v3 =	vld [tilespmem:$0x30];
	_ =	sdelay $0x4  }
0x32: {  	v4 =	vshll.u32 v3, $0x1  }
0x33: {  	v3 =	vand.u32 $0x7, v3;
	v4 =	vand.u32 $0xFFFFFFF0, v4  }
0x34: {  	v3 =	vor.u32 v3, v4  }
0x35: {  	v4 =	vperm.xlane v3, v0;
	_ =	sdelay $0x1  }
0x36: {  	v3 =	vperm.xlane v3, v2;
	v4 =	vadd.s32 v1, v4;
	_ =	sdelay $0x1  }
0x37: {  	v3 =	vadd.s32 v1, v3;
	_ =	sdelay $0x2  }
0x38: {  	[tilespmem:s15], [sflag:$0x1] =	stream.indirect_vreg.gather [hbm4b:s2+s3], $0x80, v4, vm0, $0xb8;
	[tilespmem:$0x10080] =	vst v63  }
0x39: {  	_ = 	snop  }
0x3a: {  	[tilespmem:s16], [sflag:$0x1] =	stream.indirect_vreg.gather [hbm4b:s2+s3], $0x80, v3, vm0, $0xb8;
	[tilespmem:$0x10080] =	vst v63  }
0x3b: {  	v3 =	vld [tilespmem:$0x40];
	_ =	sdelay $0x4  }
0x3c: {  	v4 =	vshll.u32 v3, $0x1  }
0x3d: {  	v3 =	vand.u32 $0x7, v3;
	v4 =	vand.u32 $0xFFFFFFF0, v4  }
0x3e: {  	v3 =	vor.u32 v3, v4  }
0x3f: {  	v4 =	vperm.xlane v3, v0;
	_ =	sdelay $0x1  }
0x40: {  	v3 =	vperm.xlane v3, v2;
	v4 =	vadd.s32 v1, v4;
	_ =	sdelay $0x1  }
0x41: {  	v3 =	vadd.s32 v1, v3;
	_ =	sdelay $0x2  }
0x42: {  	[tilespmem:s17], [sflag:$0x1] =	stream.indirect_vreg.gather [hbm4b:s2+s3], $0x80, v4, vm0, $0xb8;
	[tilespmem:$0x10080] =	vst v63  }
0x43: {  	_ = 	snop  }
0x44: {  	[tilespmem:s18], [sflag:$0x1] =	stream.indirect_vreg.gather [hbm4b:s2+s3], $0x80, v3, vm0, $0xb8;
	[tilespmem:$0x10080] =	vst v63  }
0x45: {  	v3 =	vld [tilespmem:$0x50];
	_ =	sdelay $0x4  }
0x46: {  	v4 =	vshll.u32 v3, $0x1  }
0x47: {  	v3 =	vand.u32 $0x7, v3;
	v4 =	vand.u32 $0xFFFFFFF0, v4  }
0x48: {  	v3 =	vor.u32 v3, v4  }
0x49: {  	v4 =	vperm.xlane v3, v0;
	_ =	sdelay $0x1  }
0x4a: {  	v3 =	vperm.xlane v3, v2;
	v4 =	vadd.s32 v1, v4;
	_ =	sdelay $0x1  }
0x4b: {  	v3 =	vadd.s32 v1, v3;
	_ =	sdelay $0x2  }
0x4c: {  	[tilespmem:s19], [sflag:$0x1] =	stream.indirect_vreg.gather [hbm4b:s2+s3], $0x80, v4, vm0, $0xb8;
	[tilespmem:$0x10080] =	vst v63  }
0x4d: {  	_ = 	snop  }
0x4e: {  	[tilespmem:s20], [sflag:$0x1] =	stream.indirect_vreg.gather [hbm4b:s2+s3], $0x80, v3, vm0, $0xb8;
	[tilespmem:$0x10080] =	vst v63  }
0x4f: {  	v3 =	vld [tilespmem:$0x60];
	_ =	sdelay $0x4  }
0x50: {  	v4 =	vshll.u32 v3, $0x1  }
0x51: {  	v3 =	vand.u32 $0x7, v3;
	v4 =	vand.u32 $0xFFFFFFF0, v4  }
0x52: {  	v3 =	vor.u32 v3, v4  }
0x53: {  	v4 =	vperm.xlane v3, v0;
	_ =	sdelay $0x1  }
0x54: {  	v3 =	vperm.xlane v3, v2;
	v4 =	vadd.s32 v1, v4;
	_ =	sdelay $0x1  }
0x55: {  	v3 =	vadd.s32 v1, v3;
	_ =	sdelay $0x2  }
0x56: {  	[tilespmem:s21], [sflag:$0x1] =	stream.indirect_vreg.gather [hbm4b:s2+s3], $0x80, v4, vm0, $0xb8;
	[tilespmem:$0x10080] =	vst v63  }
0x57: {  	_ = 	snop  }
0x58: {  	[tilespmem:s22], [sflag:$0x1] =	stream.indirect_vreg.gather [hbm4b:s2+s3], $0x80, v3, vm0, $0xb8;
	[tilespmem:$0x10080] =	vst v63  }
0x59: {  	v3 =	vld [tilespmem:$0x70];
	_ =	sdelay $0x4  }
0x5a: {  	v4 =	vshll.u32 v3, $0x1  }
0x5b: {  	v3 =	vand.u32 $0x7, v3;
	v4 =	vand.u32 $0xFFFFFFF0, v4  }
0x5c: {  	v3 =	vor.u32 v3, v4  }
0x5d: {  	v4 =	vperm.xlane v3, v0;
	_ =	sdelay $0x1  }
0x5e: {  	v3 =	vperm.xlane v3, v2;
	v4 =	vadd.s32 v1, v4;
	_ =	sdelay $0x1  }
0x5f: {  	v3 =	vadd.s32 v1, v3;
	_ =	sdelay $0x2  }
0x60: {  	[tilespmem:s23], [sflag:$0x1] =	stream.indirect_vreg.gather [hbm4b:s2+s3], $0x80, v4, vm0, $0xb8;
	[tilespmem:$0x10080] =	vst v63  }
0x61: {  	_ = 	snop  }
0x62: {  	[tilespmem:s24], [sflag:$0x1] =	stream.indirect_vreg.gather [hbm4b:s2+s3], $0x80, v3, vm0, $0xb8;
	[tilespmem:$0x10080] =	vst v63  }
0x63: {  	_ = 	snop  }
0x64: {  	[tilespmem:s25], [sflag:$0x2] =	stream.linear.gather [hbm4b:s5+s3], $0x8000, $0x38;
	[tilespmem:$0x10080] =	vst v63  }
0x65: {  	_ =	swait.ge [sflag:s8], $0x8000  }
0x66: {  	[sflag:s8] =	ssyncset.done $0x0  }
0x67: {  	[sflag:s8] =	ssyncadd.s32 $0xFFFF8000  }
0x68: {  	_ =	swait.ge [sflag:s26], $0x8000  }
0x69: {  	s29 =	sand.u32 $0x7800, s3;
	s30 =	sand.u32 $0x380, s3;
	[sflag:s26] =	ssyncset.done $0x0  }
0x6a: {  	s29 =	sor.u32 s30, s29;
	[sflag:s26] =	ssyncadd.s32 $0xFFFF8000  }
0x6b: {  	v10 =	vld [tilespmem:s29+$0x8080]  }
0x6c: {  	v11 =	vld [tilespmem:s29+$0x8090]  }
0x6d: {  	v12 =	vld [tilespmem:s29+$0x80A0]  }
0x6e: {  	v13 =	vld [tilespmem:s29+$0x80B0]  }
0x6f: {  	v14 =	vld [tilespmem:s29+$0x80C0]  }
0x70: {  	v15 =	vld [tilespmem:s29+$0x80D0]  }
0x71: {  	v16 =	vld [tilespmem:s29+$0x80E0]  }
0x72: {  	v17 =	vld [tilespmem:s29+$0x80F0]  }
0x73: {  	v18 =	vld [tilespmem:s29+$0x8480]  }
0x74: {  	v9 =	vld [tilespmem:s29+$0x8490]  }
0x75: {  	v8 =	vld [tilespmem:s29+$0x84A0]  }
0x76: {  	v7 =	vld [tilespmem:s29+$0x84B0]  }
0x77: {  	v6 =	vld [tilespmem:s29+$0x84C0]  }
0x78: {  	v5 =	vld [tilespmem:s29+$0x84D0]  }
0x79: {  	v4 =	vld [tilespmem:s29+$0x84E0]  }
0x7a: {  	v3 =	vld [tilespmem:s29+$0x84F0]  }
0x7b: {  	v19 =	vld [tilespmem:s29+$0x80]  }
0x7c: {  	v20 =	vld [tilespmem:s29+$0x90]  }
0x7d: {  	v21 =	vld [tilespmem:s29+$0xA0]  }
0x7e: {  	v22 =	vld [tilespmem:s29+$0xB0]  }
0x7f: {  	v23 =	vld [tilespmem:s29+$0xC0]  }
0x80: {  	v10 =	vsub.f32 v10, v19;
	v19 =	vld [tilespmem:s29+$0xD0]  }
0x81: {  	v61 =	vld [tilespmem:s29+$0xE0];
	v11 =	vsub.f32 v11, v20  }
0x82: {  	v62 =	vld [tilespmem:s29+$0xF0];
	[tilespmem:s29+$0x80] =	vst v10;
	v10 =	vsub.f32 v12, v21  }
0x83: {  	v63 =	vld [tilespmem:s29+$0x480];
	[tilespmem:s29+$0x90] =	vst v11;
	v11 =	vsub.f32 v13, v22  }
0x84: {  	v13 =	vld [tilespmem:s29+$0x490];
	[tilespmem:s29+$0xA0] =	vst v10;
	v10 =	vsub.f32 v14, v23  }
0x85: {  	v12 =	vld [tilespmem:s29+$0x4A0];
	[tilespmem:s29+$0xB0] =	vst v11;
	v11 =	vsub.f32 v15, v19  }
0x86: {  	v14 =	vsub.f32 v16, v61;
	[tilespmem:s29+$0xC0] =	vst v10;
	v10 =	vld [tilespmem:s29+$0x4B0]  }
0x87: {  	v16 =	vsub.f32 v17, v62;
	[tilespmem:s29+$0xD0] =	vst v11;
	v11 =	vld [tilespmem:s29+$0x4C0]  }
0x88: {  	s31 =	simm.s32 $0x100;
	s30 =	simm.s32 $0x80;
	v15 =	vsub.f32 v18, v63;
	[tilespmem:s29+$0xE0] =	vst v14;
	v14 =	vld [tilespmem:s29+$0x4D0]  }
.LBB2_2:
0x89: {  	s0 =	sand.u32 $0x7800, s31;
	s1 =	sand.u32 $0x380, s30;
	p0 =	sne.s32 s31, $0x7F00;
	[tilespmem:s29+$0xF0] =	vst v16;
	v9 =	vsub.f32 v9, v13;
	v13 =	vld [tilespmem:s29+$0x4E0]  }
0x8a: {  	s0 =	sor.u32 s1, s0;
	[tilespmem:s29+$0x480] =	vst v15;
	v8 =	vsub.f32 v8, v12;
	v12 =	vld [tilespmem:s29+$0x4F0]  }
0x8b: {  	v15 =	vld [tilespmem:s0+$0x8080];
	[tilespmem:s29+$0x490] =	vst v9;
	v7 =	vsub.f32 v7, v10  }
0x8c: {  	v10 =	vld [tilespmem:s0+$0x8090];
	[tilespmem:s29+$0x4A0] =	vst v8;
	v6 =	vsub.f32 v6, v11  }
0x8d: {  	v11 =	vld [tilespmem:s0+$0x80A0];
	[tilespmem:s29+$0x4B0] =	vst v7;
	v5 =	vsub.f32 v5, v14  }
0x8e: {  	v14 =	vld [tilespmem:s0+$0x80B0];
	[tilespmem:s29+$0x4C0] =	vst v6;
	v4 =	vsub.f32 v4, v13  }
0x8f: {  	v13 =	vld [tilespmem:s0+$0x80C0];
	[tilespmem:s29+$0x4D0] =	vst v5;
	v3 =	vsub.f32 v3, v12  }
0x90: {  	v12 =	vld [tilespmem:s0+$0x80D0];
	[tilespmem:s29+$0x4E0] =	vst v4  }
0x91: {  	v16 =	vld [tilespmem:s0+$0x80E0];
	[tilespmem:s29+$0x4F0] =	vst v3;
	s29 =	smov.u32 s0  }
0x92: {  	v17 =	vld [tilespmem:s29+$0x80F0]  }
0x93: {  	v18 =	vld [tilespmem:s29+$0x8480]  }
0x94: {  	v9 =	vld [tilespmem:s29+$0x8490]  }
0x95: {  	v8 =	vld [tilespmem:s29+$0x84A0]  }
0x96: {  	v7 =	vld [tilespmem:s29+$0x84B0]  }
0x97: {  	v6 =	vld [tilespmem:s29+$0x84C0]  }
0x98: {  	v5 =	vld [tilespmem:s29+$0x84D0]  }
0x99: {  	v4 =	vld [tilespmem:s29+$0x84E0]  }
0x9a: {  	v3 =	vld [tilespmem:s29+$0x84F0]  }
0x9b: {  	v19 =	vld [tilespmem:s29+$0x80]  }
0x9c: {  	v20 =	vld [tilespmem:s29+$0x90]  }
0x9d: {  	v21 =	vld [tilespmem:s29+$0xA0]  }
0x9e: {  	v22 =	vld [tilespmem:s29+$0xB0]  }
0x9f: {  	v23 =	vld [tilespmem:s29+$0xC0]  }
0xa0: {  	v15 =	vsub.f32 v15, v19;
	v19 =	vld [tilespmem:s29+$0xD0]  }
0xa1: {  	v10 =	vsub.f32 v10, v20;
	v20 =	vld [tilespmem:s29+$0xE0]  }
0xa2: {  	[tilespmem:s29+$0x80] =	vst v15;
	v11 =	vsub.f32 v11, v21;
	v15 =	vld [tilespmem:s29+$0xF0]  }
0xa3: {  	[tilespmem:s29+$0x90] =	vst v10;
	v10 =	vsub.f32 v14, v22;
	v14 =	vld [tilespmem:s29+$0x480]  }
.Ltmp0:
0xa4: {  	[tilespmem:s29+$0xA0] =	vst v11;
	v11 =	vsub.f32 v13, v23;
	v13 =	vld [tilespmem:s29+$0x490];
	(pc) =	sbr.rel @p0 .LBB2_2-.Ltmp0, $4  }
0xa5: {  	[tilespmem:s29+$0xB0] =	vst v10;
	v19 =	vsub.f32 v12, v19;
	v12 =	vld [tilespmem:s29+$0x4A0]  }
0xa6: {  	[tilespmem:s29+$0xC0] =	vst v11;
	v20 =	vsub.f32 v16, v20;
	v10 =	vld [tilespmem:s29+$0x4B0]  }
0xa7: {  	[tilespmem:s29+$0xD0] =	vst v19;
	v16 =	vsub.f32 v17, v15;
	v11 =	vld [tilespmem:s29+$0x4C0]  }
0xa8: {  	s30 =	sadd.s32 $0x80, s30;
	s31 =	sadd.s32 $0x100, s31;
	[tilespmem:s29+$0xE0] =	vst v20;
	v15 =	vsub.f32 v18, v14;
	v14 =	vld [tilespmem:s29+$0x4D0]  }
0xa9: {  	[tilespmem:s29+$0xF0] =	vst v16;
	v9 =	vsub.f32 v9, v13;
	v62 =	vld [tilespmem:s29+$0x4E0]  }
0xaa: {  	v63 =	vld [tilespmem:s29+$0x4F0];
	[tilespmem:s29+$0x480] =	vst v15;
	v8 =	vsub.f32 v8, v12  }
0xab: {  	[tilespmem:s29+$0x490] =	vst v9;
	v7 =	vsub.f32 v7, v10  }
0xac: {  	[tilespmem:s29+$0x4A0] =	vst v8;
	v6 =	vsub.f32 v6, v11  }
0xad: {  	[tilespmem:s29+$0x4B0] =	vst v7;
	v5 =	vsub.f32 v5, v14  }
0xae: {  	[tilespmem:s29+$0x4C0] =	vst v6;
	v4 =	vsub.f32 v4, v62  }
0xaf: {  	s28 =	sadd.s32 $0x1, s28;
	v3 =	vsub.f32 v3, v63;
	[tilespmem:s29+$0x4D0] =	vst v5  }
0xb0: {  	p0 =	sne.s32 s28, s7;
	[tilespmem:s29+$0x4E0] =	vst v4  }
.Ltmp1:
0xb1: {  	[tilespmem:s29+$0x4F0] =	vst v3;
	(pc) =	sbr.rel @p0 .LBB2_1-.Ltmp1, $4  }
0xb2: {  	[hbm4b:s6+s3] =	stream.linear.scatter [tilespmem:s9], [sflag:$0x2], $0x8000, $0x38;
	[tilespmem:$0x10080] =	vst v63  }
0xb3: {  	_ =	swait.ge [sflag:s8], $0x8000  }
0xb4: {  	[sflag:s8] =	ssyncset.done $0x0  }
0xb5: {  	[sflag:s8] =	ssyncadd.s32 $0xFFFF8000  }
0xb6: {  	_ =	sfence.sel $0x180000  }
0xb7: {  	[bflag:$0x0] =	sbarrier.arrive $0xFFFF  }
0xb8: {  	_ =	strace $0x9000004A  }
0xb9: {  	s0 =	stileid.u32;
	[bflag:$0x2] =	sbarrier.arrive $0xFFFF  }
0xba: {  	p0 =	sne.s32 s0, $0x0;
	s0 =	rddreg [dreg:$0x1]  }
0xbb: {  	s0 =	sadd.s32 @!p0 $0x100000, s0  }
0xbc: {  	[sflag:s0] =	ssyncadd.tile.s32 @!p0 $0x1;
	_ =	shalt  }
.Lfunc_end2:
_tile_overlayer_lowered:
.L_overlay_start_2:
0xbd: {  	(tag) =	ssettag $0x2  }
0xbe: {  	s0 =	rddreg [dreg:$0x0];
	s2 =	stileid.u32  }
0xbf: {  	s1 =	rddreg [dreg:$0x1];
	p0 =	sne.s32 s2, $0x0  }
0xc0: {  	s3 =	rddreg [dreg:$0x2];
	[bflag:$0x3] =	sbarrier.arrive $0xFFFF;
	s2 =	simm.s32 @!p0 $0x1C02  }
0xc1: {  	[timem:s3], [sflag:s2] =	dma.local @!p0 [hbm:s0], s1  }
0xc2: {  	s0 =	simm.s32 @!p0 $0x2  }
0xc3: {  	_ =	swait.ge @!p0 [sflag:s0], s1  }
0xc4: {  	s1 =	ssub.s32 @!p0 $0x0, s1;
	[sflag:s0] =	ssyncset.done @!p0 $0x0  }
0xc5: {  	[sflag:s0] =	ssyncadd.s32 @!p0 s1  }
0xc6: {  	[bflag:$0x3] =	sbarrier.arrive $0xFFFF  }
0xc7: {  	_ =	shalt  }

// kernel: kernel.16.cloned.1.call-start
scs
__scs_entry_jumppad:
0x0: {  	(pc) =	sbr.rel $0x88, $3  }
0x1: {  	(tag) =	ssettag $0x0;
	lr =	simm.s32 $0x1  }
0x2: {  	[smem:$0x3F9F] =	sst lr;
	_ =	strace $0xD0000000  }
0x3: {  	_ = 	snop  }
0x4: {  	_ = 	snop  }
0x5: {  	_ = 	snop  }
0x6: {  	_ = 	snop  }
0x7: {  	_ = 	snop  }
__scs_overlays_trampoline_lowered:
0x8: {  	[smem:$0x3FAE] =	sst s0  }
0x9: {  	[smem:$0x3FAF] =	sst s1  }
0xa: {  	[smem:$0x3FB0] =	sst s2  }
0xb: {  	[smem:$0x3FB1] =	sst s3  }
0xc: {  	[smem:$0x3FB2] =	sst s4  }
0xd: {  	[smem:$0x3FB3] =	sst s5  }
0xe: {  	[smem:$0x3FB4] =	sst s6  }
0xf: {  	[smem:$0x3FB5] =	sst s7  }
0x10: {  	[smem:$0x3FB6] =	sst s8  }
0x11: {  	[smem:$0x3FB7] =	sst s9;
	s0 =	simm.s32 @!p0 $0x0  }
0x12: {  	s1 =	sld [smem:$0x3F9D];
	s0 =	simm.s32 @p0 $0x1  }
0x13: {  	[smem:$0x3FB8] =	sst s0;
	s0 =	simm.s32 @!p1 $0x0  }
0x14: {  	s2 =	sld [smem:$0x3F9C];
	s0 =	simm.s32 @p1 $0x1  }
0x15: {  	[smem:$0x3FB9] =	sst s0;
	s0 =	simm.s32 @!p2 $0x0  }
0x16: {  	s3 =	sld [smem:$0x3FDB];
	s0 =	simm.s32 @p2 $0x1  }
0x17: {  	s4 =	simm.s32 $0x1BF5;
	[smem:$0x3FBB] =	sst s0  }
0x18: {  	s0 =	sld [smem:$0x3F9E];
	_ =	swait.ge [sflag:s4], $0x0  }
0x19: {  	s7 =	sld [smem:$0x3F9F]  }
0x1a: {  	s8 =	sadd.s32 $0xFFFFE003, lr  }
0x1b: {  	s9 =	sadd.s32 $0xFFFFFEF7, lr;
	s5 =	simm.s32 $0xFFFFFFFF;
	p2 =	slt.u32 s8, $0xFFFFF086  }
0x1c: {  	p1 =	slt.u32 s9, $0xF7A;
	s5 =	simm.s32 @!p2 $0x0  }
0x1d: {  	s5 =	simm.s32 @p1 $0x1;
	p0 =	seq.s32 s7, s2  }
0x1e: {  	s7 =	smul.u32 @!p0 $0xF7A, s2;
	p2 =	seq.s32 @!p0 s5, $0x0  }
0x1f: {  	s9 =	smul.u32 $0xF7A, s1;
	s8 =	simm.s32 @!p0 $0x1BF5;
	p2 =	por !p2, p0  }
0x20: {  	[sflag:s8] =	ssyncset.s32 @!p0 $0xFFFFF086;
	s6 =	sadd.s32 @!p0 s3, s7;
	s7 =	simm.s32 @!p0 $0x108  }
0x21: {  	s3 =	sadd.s32 s3, s9;
	s6 =	sadd.s32 @!p0 $0x88, s6;
	s7 =	simm.s32 @p2 $0x1082  }
0x22: {  	[simem:s7], [sflag:s8] =	dma.local @!p0 [hbm:s6], $0xF7A  }
0x23: {  	s9 =	sor.u32 $0xD0000000, s2;
	s6 =	simm.s32 $0x108;
	_ =	swait.ge @!p0 [sflag:s8], $0x0  }
0x24: {  	s3 =	sadd.s32 $0x88, s3;
	s6 =	simm.s32 @!p1 $0x1082;
	[sflag:s4] =	ssyncset.s32 $0xFFFFF086  }
0x25: {  	[simem:s6], [sflag:s4] =	dma.local [hbm:s3], $0xF7A  }
0x26: {  	[smem:$0x3F9F] =	sst s1;
	(tag) =	ssettag s2;
	_ =	strace s9  }
0x27: {  	s1 =	sld [smem:$0x3FAF]  }
0x28: {  	s2 =	sld [smem:$0x3FB0]  }
0x29: {  	s4 =	sld [smem:$0x3FB2]  }
0x2a: {  	p0 =	seq.s32 s5, $0x0;
	s5 =	sld [smem:$0x3FB3]  }
0x2b: {  	s6 =	sld [smem:$0x3FB4]  }
0x2c: {  	s7 =	sld [smem:$0x3FB5]  }
0x2d: {  	s3 =	simm.s32 $0x108;
	s8 =	sld [smem:$0x3FB6]  }
0x2e: {  	s3 =	simm.s32 @!p0 $0x1082;
	s9 =	sld [smem:$0x3FB7]  }
0x2f: {  	lr =	sadd.s32 s0, s3;
	s0 =	sld [smem:$0x3FAE]  }
0x30: {  	s3 =	sld [smem:$0x3FB1]  }
0x31: {  	[smem:$0x3FBA] =	sst s10  }
0x32: {  	s10 =	sld [smem:$0x3FB8];
	_ =	sdelay $0x3  }
0x33: {  	p0 =	seq.s32 s10, $0x1;
	s10 =	sld [smem:$0x3FBA];
	_ =	sdelay $0x3  }
0x34: {  	[smem:$0x3FBA] =	sst s10  }
0x35: {  	s10 =	sld [smem:$0x3FB9];
	_ =	sdelay $0x3  }
0x36: {  	p1 =	seq.s32 s10, $0x1;
	s10 =	sld [smem:$0x3FBA];
	_ =	sdelay $0x3  }
0x37: {  	[smem:$0x3FBA] =	sst s10  }
0x38: {  	s10 =	sld [smem:$0x3FBB]  }
0x39: {  	_ = 	snop;
	(pc) =	sbr.ind lr, $3  }
0x3a: {  	_ = 	snop  }
0x3b: {  	_ = 	snop  }
0x3c: {  	p2 =	seq.s32 s10, $0x1;
	s10 =	sld [smem:$0x3FBA]  }
0x3d: {  	_ =	shalt  }
0x3e: {  	_ =	shalt  }
0x3f: {  	_ =	shalt  }
0x40: {  	_ =	shalt  }
0x41: {  	_ =	shalt  }
0x42: {  	_ =	shalt  }
0x43: {  	_ =	shalt  }
0x44: {  	_ =	shalt  }
0x45: {  	_ =	shalt  }
0x46: {  	_ =	shalt  }
0x47: {  	_ =	shalt  }
0x48: {  	_ =	shalt  }
0x49: {  	_ =	shalt  }
0x4a: {  	_ =	shalt  }
0x4b: {  	_ =	shalt  }
0x4c: {  	_ =	shalt  }
0x4d: {  	_ =	shalt  }
0x4e: {  	_ =	shalt  }
0x4f: {  	_ =	shalt  }
0x50: {  	_ =	shalt  }
0x51: {  	_ =	shalt  }
0x52: {  	_ =	shalt  }
0x53: {  	_ =	shalt  }
0x54: {  	_ =	shalt  }
0x55: {  	_ =	shalt  }
0x56: {  	_ =	shalt  }
0x57: {  	_ =	shalt  }
0x58: {  	_ =	shalt  }
0x59: {  	_ =	shalt  }
0x5a: {  	_ =	shalt  }
0x5b: {  	_ =	shalt  }
0x5c: {  	_ =	shalt  }
0x5d: {  	_ =	shalt  }
0x5e: {  	_ =	shalt  }
0x5f: {  	_ =	shalt  }
0x60: {  	_ =	shalt  }
0x61: {  	_ =	shalt  }
0x62: {  	_ =	shalt  }
0x63: {  	_ =	shalt  }
0x64: {  	_ =	shalt  }
0x65: {  	_ =	shalt  }
0x66: {  	_ =	shalt  }
0x67: {  	_ =	shalt  }
0x68: {  	_ =	shalt  }
0x69: {  	_ =	shalt  }
0x6a: {  	_ =	shalt  }
0x6b: {  	_ =	shalt  }
0x6c: {  	_ =	shalt  }
0x6d: {  	_ =	shalt  }
0x6e: {  	_ =	shalt  }
0x6f: {  	_ =	shalt  }
0x70: {  	_ =	shalt  }
0x71: {  	_ =	shalt  }
0x72: {  	_ =	shalt  }
0x73: {  	_ =	shalt  }
0x74: {  	_ =	shalt  }
0x75: {  	_ =	shalt  }
0x76: {  	_ =	shalt  }
0x77: {  	_ =	shalt  }
0x78: {  	_ =	shalt  }
0x79: {  	_ =	shalt  }
0x7a: {  	_ =	shalt  }
0x7b: {  	_ =	shalt  }
0x7c: {  	_ =	shalt  }
0x7d: {  	_ =	shalt  }
0x7e: {  	_ =	shalt  }
0x7f: {  	_ =	shalt  }
0x80: {  	_ =	shalt  }
0x81: {  	_ =	shalt  }
0x82: {  	_ =	shalt  }
0x83: {  	_ =	shalt  }
0x84: {  	_ =	shalt  }
0x85: {  	_ =	shalt  }
0x86: {  	_ =	shalt  }
0x87: {  	_ =	shalt  }
.Lfunc_end0:
.L_simem_size_0:
called_computation.2_lowered:
.L_overlay_start_0:
0x88: {  	s2 =	sld [smem:$0x3FD9]  }
0x89: {  	s3 =	sld [smem:$0x3FFE];
	_ =	sdelay $0x1  }
0x8a: {  	s1 =	srdreg.scid  }
0x8b: {  	s0 =	sand.u32 $0x1, s1  }
0x8c: {  	s16 =	sshll.u32 s0, $0xA;
	s2 =	sadd.s32 s3, s2  }
0x8d: {  	s2 =	sadd.s32 s2, s16  }
0x8e: {  	[smem:$0x3FC6] =	sst s2  }
0x8f: {  	_ = 	snop  }
0x90: {  	(tm) =	ssettm $0x1  }
0x91: {  	s17 =	sld [smem:$0x3FFB];
	_ =	sdelay $0x3  }
0x92: {  	_ =	strace s17  }
0x93: {  	s2 =	sld [smem:$0x3FFC];
	_ =	sdelay $0x3  }
0x94: {  	_ =	strace s2  }
0x95: {  	s2 =	sld [smem:$0x3FFD];
	_ =	sdelay $0x3  }
0x96: {  	_ =	strace s2  }
0x97: {  	_ =	strace $0x8FFFFFFF  }
0x98: {  	s18 =	sld [smem:$0x3FDB];
	_ =	sdelay $0x1  }
0x99: {  	s19 =	simm.s32 $_scs_section_size  }
0x9a: {  	s4 =	simm.s32 $_size__tile_overlayer_lowered;
	s5 =	simm.s32 $_tile_overlayer_lowered  }
0x9b: {  	s22 =	simm.s32 $0x1BFF;
	s21 =	sshll.u32 s5, $0x1;
	s2 =	sadd.s32 s19, s18  }
0x9c: {  	s6 =	simm.s32 $0x0;
	s20 =	sshll.u32 s4, $0x1;
	s4 =	sadd.s32 s21, s2  }
0x9d: {  	[timem:s6], [sflag:s22] =	dma.local [hbm:s4], s20  }
0x9e: {  	_ =	swait.ge [sflag:s22], s20  }
0x9f: {  	s3 =	ssub.s32 $0x0, s20;
	[sflag:s22] =	ssyncset.done $0x0  }
0xa0: {  	[sflag:s22] =	ssyncadd.s32 s3;
	_ =	sdelay $0x1  }
0xa1: {  	s23 =	simm.s32 $0x1B8B  }
0xa2: {  	_ =	swait.ge [sflag:s23], $0x1  }
0xa3: {  	[sflag:s23] =	ssyncset.done $0x0  }
0xa4: {  	s25 =	simm.s32 $0x1B8E;
	s24 =	sld [smem:$0x3FFE];
	[sflag:s23] =	ssyncadd.s32 $0xFFFFFFFF  }
0xa5: {  	s26 =	simm.s32 $execute0_lowered;
	[smem:$0x3FD2] =	sst s25  }
0xa6: {  	s4 =	sshll.u32 s26, $0x1;
	_ =	strace $0x8000004C;
	[dreg:$0x1] =	wrdreg $0xFFFFFFFF  }
0xa7: {  	s28 =	simm.s32 $_size_execute0_lowered;
	s2 =	sadd.s32 s2, s4;
	[dreg:$0x0] =	wrdreg $0x0  }
0xa8: {  	s4 =	sshll.u32 s28, $0x1;
	[dreg:$0x2] =	wrdreg s2  }
0xa9: {  	[dreg:$0x3] =	wrdreg s4  }
0xaa: {  	[dreg:$0x4] =	wrdreg $0xC0  }
0xab: {  	_ =	task [dreg:s6], $0x5FFFF  }
0xac: {  	[dreg:$0x1] =	wrdreg $0xFFFFFFFF  }
0xad: {  	[dreg:$0x0] =	wrdreg $0x60  }
0xae: {  	[dreg:$0x2] =	wrdreg s24  }
0xaf: {  	[dreg:$0x3] =	wrdreg $0x9  }
0xb0: {  	_ =	task.clear_ibuf [dreg:s6], $0x4FFFF;
	_ =	strace $0x9000004C  }
0xb1: {  	s29 =	simm.s32 $0x9;
	_ =	strace $0x8000004E  }
0xb2: {  	_ =	swait.ge [sflag:s29], $0x1  }
0xb3: {  	[sflag:s29] =	ssyncadd.s32 $0xFFFFFFFF  }
0xb4: {  	_ =	strace $0x9000004E  }
0xb5: {  	_ =	sfence  }
0xb6: {  	s30 =	sld [smem:$0x0];
	_ =	sdelay $0x2  }
0xb7: {  	s31 =	sshll.u32 s1, $0xD;
	s1 =	sshrl.u32 s1, $0x2  }
0xb8: {  	s3 =	sand.u32 $0x4000, s31;
	s1 =	sadd.s32 s1, s30  }
0xb9: {  	s0 =	sor.u32 s3, s0;
	s1 =	sshll.u32 s1, $0x11  }
0xba: {  	s0 =	sor.u32 s1, s0  }
0xbb: {  	s0 =	sadd.s32 $0x8F2B, s0  }
0xbc: {  	[sflag:s0] =	ssyncadd.remote.s32 $0x1  }
0xbd: {  	_ =	sfence.sel $0xFFFF  }
0xbe: {  	[dreg:$0x0] =	wrdreg $0xFFFFFFFF;
	(pc) =	sbr.abs _section_cstart, $3  }
0xbf: {  	[dreg:$0x1] =	wrdreg $0xFFFFFFFF  }
0xc0: {  	_ =	task.clear_ibuf [dreg:s6], $0x2FFFF;
	_ =	strace $0x9FFFFFFF  }
0xc1: {  	(tm) =	ssettm $0x7FFFFFFF  }
tec
execute0_lowered:
.L_overlay_start_1:
0x0: {  	(tag) =	ssettag $0x1  }
0x1: {  	s4 =	rddreg [dreg:$0x0];
	s2 =	srdreg.scid  }
0x2: {  	s0 =	stileid.u32;
	s9 =	simm.s32 $0x80;
	s10 =	simm.s32 $0x880  }
0x3: {  	s11 =	simm.s32 $0x1080;
	s12 =	simm.s32 $0x1880;
	s13 =	simm.s32 $0x2080  }
0x4: {  	s14 =	simm.s32 $0x2880;
	s15 =	simm.s32 $0x3080;
	s16 =	simm.s32 $0x3880  }
0x5: {  	s17 =	simm.s32 $0x4080;
	s18 =	simm.s32 $0x4880;
	s19 =	simm.s32 $0x5080  }
0x6: {  	s20 =	simm.s32 $0x5880;
	s21 =	simm.s32 $0x6080;
	s22 =	simm.s32 $0x6880  }
0x7: {  	s23 =	simm.s32 $0x7080;
	s24 =	simm.s32 $0x7880;
	s25 =	simm.s32 $0x8080  }
0x8: {  	s26 =	simm.s32 $0x1;
	s28 =	simm.s32 $0x0;
	s3 =	sand.u32 $0x1, s2  }
0x9: {  	s2 =	simm.s32 $0x0;
	s5 =	sshll.u32 s0, $0x8;
	s6 =	sshll.u32 s3, $0x7  }
0xa: {  	[smem:$0x7FF] =	sst s2;
	s7 =	ssub.s32 $0x2, s3;
	s3 =	sadd.s32 $0x40000, s4  }
0xb: {  	s5 =	sor.u32 s6, s5;
	_ =	strace $0x8000004D;
	s8 =	sshrl.u32 s7, $0x1  }
0xc: {  	v2 =	vlaneseq.u32;
	s6 =	sshrl.u32 s5, $0x3;
	s5 =	sshll.u32 s5, $0x5;
	s7 =	ssub.s32 s7, s8  }
0xd: {  	vm0 =	vmmov $0xffff;
	v1 =	vshrl.u32 v2, $0x3;
	s8 =	simm.s32 $0x2;
	s6 =	sadd.s32 s6, s4;
	s4 =	sadd.s32 s4, s5  }
0xe: {  	v0 =	vand.u32 $0x7, v2;
	v2 =	vor.u32 $0x8, v2;
	v1 =	vmul.u32 $0x8, v1;
	s7 =	smax.u32 s7, $0x1;
	s5 =	sadd.s32 $0xC0000, s6;
	s6 =	sadd.s32 $0xC0200, s4  }
.LBB2_1:
0xf: {  	[tilespmem:s2], [sflag:$0x2] =	stream.linear.gather [hbm4b:s5+s2], $0x80, $0x38;
	[tilespmem:$0x10080] =	vst v63  }
0x10: {  	_ =	swait.ge [sflag:s8], $0x80  }
0x11: {  	[sflag:s8] =	ssyncset.done $0x0  }
0x12: {  	[sflag:s8] =	ssyncadd.s32 $0xFFFFFF80  }
0x13: {  	v3 =	vld [tilespmem:$0x0];
	_ =	sdelay $0x4  }
0x14: {  	v4 =	vshll.u32 v3, $0x1  }
0x15: {  	v3 =	vand.u32 $0x7, v3;
	v4 =	vand.u32 $0xFFFFFFF0, v4  }
0x16: {  	v3 =	vor.u32 v3, v4  }
0x17: {  	v4 =	vperm.xlane v3, v0;
	_ =	sdelay $0x1  }
0x18: {  	v3 =	vperm.xlane v3, v2;
	v4 =	vadd.s32 v1, v4;
	_ =	sdelay $0x1  }
0x19: {  	v3 =	vadd.s32 v1, v3;
	_ =	sdelay $0x2  }
0x1a: {  	[tilespmem:s9], [sflag:$0x1] =	stream.indirect_vreg.gather [hbm4b:s3+s2], $0x80, v4, vm0, $0xb8;
	[tilespmem:$0x10080] =	vst v63  }
0x1b: {  	_ = 	snop  }
0x1c: {  	[tilespmem:s10], [sflag:$0x1] =	stream.indirect_vreg.gather [hbm4b:s3+s2], $0x80, v3, vm0, $0xb8;
	[tilespmem:$0x10080] =	vst v63  }
0x1d: {  	v3 =	vld [tilespmem:$0x10];
	_ =	sdelay $0x4  }
0x1e: {  	v4 =	vshll.u32 v3, $0x1  }
0x1f: {  	v3 =	vand.u32 $0x7, v3;
	v4 =	vand.u32 $0xFFFFFFF0, v4  }
0x20: {  	v3 =	vor.u32 v3, v4  }
0x21: {  	v4 =	vperm.xlane v3, v0;
	_ =	sdelay $0x1  }
0x22: {  	v3 =	vperm.xlane v3, v2;
	v4 =	vadd.s32 v1, v4;
	_ =	sdelay $0x1  }
0x23: {  	v3 =	vadd.s32 v1, v3;
	_ =	sdelay $0x2  }
0x24: {  	[tilespmem:s11], [sflag:$0x1] =	stream.indirect_vreg.gather [hbm4b:s3+s2], $0x80, v4, vm0, $0xb8;
	[tilespmem:$0x10080] =	vst v63  }
0x25: {  	_ = 	snop  }
0x26: {  	[tilespmem:s12], [sflag:$0x1] =	stream.indirect_vreg.gather [hbm4b:s3+s2], $0x80, v3, vm0, $0xb8;
	[tilespmem:$0x10080] =	vst v63  }
0x27: {  	v3 =	vld [tilespmem:$0x20];
	_ =	sdelay $0x4  }
0x28: {  	v4 =	vshll.u32 v3, $0x1  }
0x29: {  	v3 =	vand.u32 $0x7, v3;
	v4 =	vand.u32 $0xFFFFFFF0, v4  }
0x2a: {  	v3 =	vor.u32 v3, v4  }
0x2b: {  	v4 =	vperm.xlane v3, v0;
	_ =	sdelay $0x1  }
0x2c: {  	v3 =	vperm.xlane v3, v2;
	v4 =	vadd.s32 v1, v4;
	_ =	sdelay $0x1  }
0x2d: {  	v3 =	vadd.s32 v1, v3;
	_ =	sdelay $0x2  }
0x2e: {  	[tilespmem:s13], [sflag:$0x1] =	stream.indirect_vreg.gather [hbm4b:s3+s2], $0x80, v4, vm0, $0xb8;
	[tilespmem:$0x10080] =	vst v63  }
0x2f: {  	_ = 	snop  }
0x30: {  	[tilespmem:s14], [sflag:$0x1] =	stream.indirect_vreg.gather [hbm4b:s3+s2], $0x80, v3, vm0, $0xb8;
	[tilespmem:$0x10080] =	vst v63  }
0x31: {  	v3 =	vld [tilespmem:$0x30];
	_ =	sdelay $0x4  }
0x32: {  	v4 =	vshll.u32 v3, $0x1  }
0x33: {  	v3 =	vand.u32 $0x7, v3;
	v4 =	vand.u32 $0xFFFFFFF0, v4  }
0x34: {  	v3 =	vor.u32 v3, v4  }
0x35: {  	v4 =	vperm.xlane v3, v0;
	_ =	sdelay $0x1  }
0x36: {  	v3 =	vperm.xlane v3, v2;
	v4 =	vadd.s32 v1, v4;
	_ =	sdelay $0x1  }
0x37: {  	v3 =	vadd.s32 v1, v3;
	_ =	sdelay $0x2  }
0x38: {  	[tilespmem:s15], [sflag:$0x1] =	stream.indirect_vreg.gather [hbm4b:s3+s2], $0x80, v4, vm0, $0xb8;
	[tilespmem:$0x10080] =	vst v63  }
0x39: {  	_ = 	snop  }
0x3a: {  	[tilespmem:s16], [sflag:$0x1] =	stream.indirect_vreg.gather [hbm4b:s3+s2], $0x80, v3, vm0, $0xb8;
	[tilespmem:$0x10080] =	vst v63  }
0x3b: {  	v3 =	vld [tilespmem:$0x40];
	_ =	sdelay $0x4  }
0x3c: {  	v4 =	vshll.u32 v3, $0x1  }
0x3d: {  	v3 =	vand.u32 $0x7, v3;
	v4 =	vand.u32 $0xFFFFFFF0, v4  }
0x3e: {  	v3 =	vor.u32 v3, v4  }
0x3f: {  	v4 =	vperm.xlane v3, v0;
	_ =	sdelay $0x1  }
0x40: {  	v3 =	vperm.xlane v3, v2;
	v4 =	vadd.s32 v1, v4;
	_ =	sdelay $0x1  }
0x41: {  	v3 =	vadd.s32 v1, v3;
	_ =	sdelay $0x2  }
0x42: {  	[tilespmem:s17], [sflag:$0x1] =	stream.indirect_vreg.gather [hbm4b:s3+s2], $0x80, v4, vm0, $0xb8;
	[tilespmem:$0x10080] =	vst v63  }
0x43: {  	_ = 	snop  }
0x44: {  	[tilespmem:s18], [sflag:$0x1] =	stream.indirect_vreg.gather [hbm4b:s3+s2], $0x80, v3, vm0, $0xb8;
	[tilespmem:$0x10080] =	vst v63  }
0x45: {  	v3 =	vld [tilespmem:$0x50];
	_ =	sdelay $0x4  }
0x46: {  	v4 =	vshll.u32 v3, $0x1  }
0x47: {  	v3 =	vand.u32 $0x7, v3;
	v4 =	vand.u32 $0xFFFFFFF0, v4  }
0x48: {  	v3 =	vor.u32 v3, v4  }
0x49: {  	v4 =	vperm.xlane v3, v0;
	_ =	sdelay $0x1  }
0x4a: {  	v3 =	vperm.xlane v3, v2;
	v4 =	vadd.s32 v1, v4;
	_ =	sdelay $0x1  }
0x4b: {  	v3 =	vadd.s32 v1, v3;
	_ =	sdelay $0x2  }
0x4c: {  	[tilespmem:s19], [sflag:$0x1] =	stream.indirect_vreg.gather [hbm4b:s3+s2], $0x80, v4, vm0, $0xb8;
	[tilespmem:$0x10080] =	vst v63  }
0x4d: {  	_ = 	snop  }
0x4e: {  	[tilespmem:s20], [sflag:$0x1] =	stream.indirect_vreg.gather [hbm4b:s3+s2], $0x80, v3, vm0, $0xb8;
	[tilespmem:$0x10080] =	vst v63  }
0x4f: {  	v3 =	vld [tilespmem:$0x60];
	_ =	sdelay $0x4  }
0x50: {  	v4 =	vshll.u32 v3, $0x1  }
0x51: {  	v3 =	vand.u32 $0x7, v3;
	v4 =	vand.u32 $0xFFFFFFF0, v4  }
0x52: {  	v3 =	vor.u32 v3, v4  }
0x53: {  	v4 =	vperm.xlane v3, v0;
	_ =	sdelay $0x1  }
0x54: {  	v3 =	vperm.xlane v3, v2;
	v4 =	vadd.s32 v1, v4;
	_ =	sdelay $0x1  }
0x55: {  	v3 =	vadd.s32 v1, v3;
	_ =	sdelay $0x2  }
0x56: {  	[tilespmem:s21], [sflag:$0x1] =	stream.indirect_vreg.gather [hbm4b:s3+s2], $0x80, v4, vm0, $0xb8;
	[tilespmem:$0x10080] =	vst v63  }
0x57: {  	_ = 	snop  }
0x58: {  	[tilespmem:s22], [sflag:$0x1] =	stream.indirect_vreg.gather [hbm4b:s3+s2], $0x80, v3, vm0, $0xb8;
	[tilespmem:$0x10080] =	vst v63  }
0x59: {  	v3 =	vld [tilespmem:$0x70];
	_ =	sdelay $0x4  }
0x5a: {  	v4 =	vshll.u32 v3, $0x1  }
0x5b: {  	v3 =	vand.u32 $0x7, v3;
	v4 =	vand.u32 $0xFFFFFFF0, v4  }
0x5c: {  	v3 =	vor.u32 v3, v4  }
0x5d: {  	v4 =	vperm.xlane v3, v0;
	_ =	sdelay $0x1  }
0x5e: {  	v3 =	vperm.xlane v3, v2;
	v4 =	vadd.s32 v1, v4;
	_ =	sdelay $0x1  }
0x5f: {  	v3 =	vadd.s32 v1, v3;
	_ =	sdelay $0x2  }
0x60: {  	[tilespmem:s23], [sflag:$0x1] =	stream.indirect_vreg.gather [hbm4b:s3+s2], $0x80, v4, vm0, $0xb8;
	[tilespmem:$0x10080] =	vst v63  }
0x61: {  	_ = 	snop  }
0x62: {  	[tilespmem:s24], [sflag:$0x1] =	stream.indirect_vreg.gather [hbm4b:s3+s2], $0x80, v3, vm0, $0xb8;
	[tilespmem:$0x10080] =	vst v63  }
0x63: {  	_ = 	snop  }
0x64: {  	[tilespmem:s25], [sflag:$0x2] =	stream.linear.gather [hbm4b:s6+s2], $0x8000, $0x38;
	[tilespmem:$0x10080] =	vst v63  }
0x65: {  	_ =	swait.ge [sflag:s8], $0x8000  }
0x66: {  	[sflag:s8] =	ssyncset.done $0x0  }
0x67: {  	[sflag:s8] =	ssyncadd.s32 $0xFFFF8000  }
0x68: {  	_ =	swait.ge [sflag:s26], $0x8000  }
0x69: {  	s29 =	sand.u32 $0x7800, s2;
	s30 =	sand.u32 $0x380, s2;
	[sflag:s26] =	ssyncset.done $0x0  }
0x6a: {  	s29 =	sor.u32 s30, s29;
	[sflag:s26] =	ssyncadd.s32 $0xFFFF8000  }
0x6b: {  	v10 =	vld [tilespmem:s29+$0x8080]  }
0x6c: {  	v11 =	vld [tilespmem:s29+$0x8090]  }
0x6d: {  	v12 =	vld [tilespmem:s29+$0x80A0]  }
0x6e: {  	v13 =	vld [tilespmem:s29+$0x80B0]  }
0x6f: {  	v14 =	vld [tilespmem:s29+$0x80C0]  }
0x70: {  	v15 =	vld [tilespmem:s29+$0x80D0]  }
0x71: {  	v16 =	vld [tilespmem:s29+$0x80E0]  }
0x72: {  	v17 =	vld [tilespmem:s29+$0x80F0]  }
0x73: {  	v18 =	vld [tilespmem:s29+$0x8480]  }
0x74: {  	v9 =	vld [tilespmem:s29+$0x8490]  }
0x75: {  	v8 =	vld [tilespmem:s29+$0x84A0]  }
0x76: {  	v7 =	vld [tilespmem:s29+$0x84B0]  }
0x77: {  	v6 =	vld [tilespmem:s29+$0x84C0]  }
0x78: {  	v5 =	vld [tilespmem:s29+$0x84D0]  }
0x79: {  	v4 =	vld [tilespmem:s29+$0x84E0]  }
0x7a: {  	v3 =	vld [tilespmem:s29+$0x84F0]  }
0x7b: {  	v19 =	vld [tilespmem:s29+$0x80]  }
0x7c: {  	v20 =	vld [tilespmem:s29+$0x90]  }
0x7d: {  	v21 =	vld [tilespmem:s29+$0xA0]  }
0x7e: {  	v22 =	vld [tilespmem:s29+$0xB0]  }
0x7f: {  	v23 =	vld [tilespmem:s29+$0xC0]  }
0x80: {  	v10 =	vsub.f32 v10, v19;
	v19 =	vld [tilespmem:s29+$0xD0]  }
0x81: {  	v61 =	vld [tilespmem:s29+$0xE0];
	v11 =	vsub.f32 v11, v20  }
0x82: {  	v62 =	vld [tilespmem:s29+$0xF0];
	[tilespmem:s29+$0x80] =	vst v10;
	v10 =	vsub.f32 v12, v21  }
0x83: {  	v63 =	vld [tilespmem:s29+$0x480];
	[tilespmem:s29+$0x90] =	vst v11;
	v11 =	vsub.f32 v13, v22  }
0x84: {  	v13 =	vld [tilespmem:s29+$0x490];
	[tilespmem:s29+$0xA0] =	vst v10;
	v10 =	vsub.f32 v14, v23  }
0x85: {  	v12 =	vld [tilespmem:s29+$0x4A0];
	[tilespmem:s29+$0xB0] =	vst v11;
	v11 =	vsub.f32 v15, v19  }
0x86: {  	v14 =	vsub.f32 v16, v61;
	[tilespmem:s29+$0xC0] =	vst v10;
	v10 =	vld [tilespmem:s29+$0x4B0]  }
0x87: {  	v16 =	vsub.f32 v17, v62;
	[tilespmem:s29+$0xD0] =	vst v11;
	v11 =	vld [tilespmem:s29+$0x4C0]  }
0x88: {  	s31 =	simm.s32 $0x100;
	s30 =	simm.s32 $0x80;
	v15 =	vsub.f32 v18, v63;
	[tilespmem:s29+$0xE0] =	vst v14;
	v14 =	vld [tilespmem:s29+$0x4D0]  }
.LBB2_2:
0x89: {  	s0 =	sand.u32 $0x7800, s31;
	s1 =	sand.u32 $0x380, s30;
	p0 =	sne.s32 s31, $0x7F00;
	[tilespmem:s29+$0xF0] =	vst v16;
	v9 =	vsub.f32 v9, v13;
	v13 =	vld [tilespmem:s29+$0x4E0]  }
0x8a: {  	s0 =	sor.u32 s1, s0;
	[tilespmem:s29+$0x480] =	vst v15;
	v8 =	vsub.f32 v8, v12;
	v12 =	vld [tilespmem:s29+$0x4F0]  }
0x8b: {  	v15 =	vld [tilespmem:s0+$0x8080];
	[tilespmem:s29+$0x490] =	vst v9;
	v7 =	vsub.f32 v7, v10  }
0x8c: {  	v10 =	vld [tilespmem:s0+$0x8090];
	[tilespmem:s29+$0x4A0] =	vst v8;
	v6 =	vsub.f32 v6, v11  }
0x8d: {  	v11 =	vld [tilespmem:s0+$0x80A0];
	[tilespmem:s29+$0x4B0] =	vst v7;
	v5 =	vsub.f32 v5, v14  }
0x8e: {  	v14 =	vld [tilespmem:s0+$0x80B0];
	[tilespmem:s29+$0x4C0] =	vst v6;
	v4 =	vsub.f32 v4, v13  }
0x8f: {  	v13 =	vld [tilespmem:s0+$0x80C0];
	[tilespmem:s29+$0x4D0] =	vst v5;
	v3 =	vsub.f32 v3, v12  }
0x90: {  	v12 =	vld [tilespmem:s0+$0x80D0];
	[tilespmem:s29+$0x4E0] =	vst v4  }
0x91: {  	v16 =	vld [tilespmem:s0+$0x80E0];
	[tilespmem:s29+$0x4F0] =	vst v3;
	s29 =	smov.u32 s0  }
0x92: {  	v17 =	vld [tilespmem:s29+$0x80F0]  }
0x93: {  	v18 =	vld [tilespmem:s29+$0x8480]  }
0x94: {  	v9 =	vld [tilespmem:s29+$0x8490]  }
0x95: {  	v8 =	vld [tilespmem:s29+$0x84A0]  }
0x96: {  	v7 =	vld [tilespmem:s29+$0x84B0]  }
0x97: {  	v6 =	vld [tilespmem:s29+$0x84C0]  }
0x98: {  	v5 =	vld [tilespmem:s29+$0x84D0]  }
0x99: {  	v4 =	vld [tilespmem:s29+$0x84E0]  }
0x9a: {  	v3 =	vld [tilespmem:s29+$0x84F0]  }
0x9b: {  	v19 =	vld [tilespmem:s29+$0x80]  }
0x9c: {  	v20 =	vld [tilespmem:s29+$0x90]  }
0x9d: {  	v21 =	vld [tilespmem:s29+$0xA0]  }
0x9e: {  	v22 =	vld [tilespmem:s29+$0xB0]  }
0x9f: {  	v23 =	vld [tilespmem:s29+$0xC0]  }
0xa0: {  	v15 =	vsub.f32 v15, v19;
	v19 =	vld [tilespmem:s29+$0xD0]  }
0xa1: {  	v10 =	vsub.f32 v10, v20;
	v20 =	vld [tilespmem:s29+$0xE0]  }
0xa2: {  	[tilespmem:s29+$0x80] =	vst v15;
	v11 =	vsub.f32 v11, v21;
	v15 =	vld [tilespmem:s29+$0xF0]  }
0xa3: {  	[tilespmem:s29+$0x90] =	vst v10;
	v10 =	vsub.f32 v14, v22;
	v14 =	vld [tilespmem:s29+$0x480]  }
.Ltmp0:
0xa4: {  	[tilespmem:s29+$0xA0] =	vst v11;
	v11 =	vsub.f32 v13, v23;
	v13 =	vld [tilespmem:s29+$0x490];
	(pc) =	sbr.rel @p0 .LBB2_2-.Ltmp0, $4  }
0xa5: {  	[tilespmem:s29+$0xB0] =	vst v10;
	v19 =	vsub.f32 v12, v19;
	v12 =	vld [tilespmem:s29+$0x4A0]  }
0xa6: {  	[tilespmem:s29+$0xC0] =	vst v11;
	v20 =	vsub.f32 v16, v20;
	v10 =	vld [tilespmem:s29+$0x4B0]  }
0xa7: {  	[tilespmem:s29+$0xD0] =	vst v19;
	v16 =	vsub.f32 v17, v15;
	v11 =	vld [tilespmem:s29+$0x4C0]  }
0xa8: {  	s30 =	sadd.s32 $0x80, s30;
	s31 =	sadd.s32 $0x100, s31;
	[tilespmem:s29+$0xE0] =	vst v20;
	v15 =	vsub.f32 v18, v14;
	v14 =	vld [tilespmem:s29+$0x4D0]  }
0xa9: {  	[tilespmem:s29+$0xF0] =	vst v16;
	v9 =	vsub.f32 v9, v13;
	v62 =	vld [tilespmem:s29+$0x4E0]  }
0xaa: {  	v63 =	vld [tilespmem:s29+$0x4F0];
	[tilespmem:s29+$0x480] =	vst v15;
	v8 =	vsub.f32 v8, v12  }
0xab: {  	[tilespmem:s29+$0x490] =	vst v9;
	v7 =	vsub.f32 v7, v10  }
0xac: {  	[tilespmem:s29+$0x4A0] =	vst v8;
	v6 =	vsub.f32 v6, v11  }
0xad: {  	[tilespmem:s29+$0x4B0] =	vst v7;
	v5 =	vsub.f32 v5, v14  }
0xae: {  	[tilespmem:s29+$0x4C0] =	vst v6;
	v4 =	vsub.f32 v4, v62  }
0xaf: {  	s28 =	sadd.s32 $0x1, s28;
	v3 =	vsub.f32 v3, v63;
	[tilespmem:s29+$0x4D0] =	vst v5  }
0xb0: {  	p0 =	sne.s32 s28, s7;
	[tilespmem:s29+$0x4E0] =	vst v4  }
.Ltmp1:
0xb1: {  	[tilespmem:s29+$0x4F0] =	vst v3;
	(pc) =	sbr.rel @p0 .LBB2_1-.Ltmp1, $4  }
0xb2: {  	[hbm4b:s4+s2] =	stream.linear.scatter [tilespmem:s9], [sflag:$0x2], $0x8000, $0x38;
	[tilespmem:$0x10080] =	vst v63  }
0xb3: {  	_ =	swait.ge [sflag:s8], $0x8000  }
0xb4: {  	[sflag:s8] =	ssyncset.done $0x0  }
0xb5: {  	[sflag:s8] =	ssyncadd.s32 $0xFFFF8000  }
0xb6: {  	_ =	sfence.sel $0x180000  }
0xb7: {  	[bflag:$0x0] =	sbarrier.arrive $0xFFFF  }
0xb8: {  	_ =	strace $0x9000004D  }
0xb9: {  	s0 =	stileid.u32;
	[bflag:$0x2] =	sbarrier.arrive $0xFFFF  }
0xba: {  	p0 =	sne.s32 s0, $0x0;
	s0 =	rddreg [dreg:$0x1]  }
0xbb: {  	s0 =	sadd.s32 @!p0 $0x100000, s0  }
0xbc: {  	[sflag:s0] =	ssyncadd.tile.s32 @!p0 $0x1;
	_ =	shalt  }
.Lfunc_end2:
_tile_overlayer_lowered:
.L_overlay_start_2:
0xbd: {  	(tag) =	ssettag $0x2  }
0xbe: {  	s0 =	rddreg [dreg:$0x0];
	s2 =	stileid.u32  }
0xbf: {  	s1 =	rddreg [dreg:$0x1];
	p0 =	sne.s32 s2, $0x0  }
0xc0: {  	s3 =	rddreg [dreg:$0x2];
	[bflag:$0x3] =	sbarrier.arrive $0xFFFF;
	s2 =	simm.s32 @!p0 $0x1C02  }
0xc1: {  	[timem:s3], [sflag:s2] =	dma.local @!p0 [hbm:s0], s1  }
0xc2: {  	s0 =	simm.s32 @!p0 $0x2  }
0xc3: {  	_ =	swait.ge @!p0 [sflag:s0], s1  }
0xc4: {  	s1 =	ssub.s32 @!p0 $0x0, s1;
	[sflag:s0] =	ssyncset.done @!p0 $0x0  }
0xc5: {  	[sflag:s0] =	ssyncadd.s32 @!p0 s1  }
0xc6: {  	[bflag:$0x3] =	sbarrier.arrive $0xFFFF  }
0xc7: {  	_ =	shalt  }

// kernel: kernel.19.cloned.1.call-start
scs
__scs_entry_jumppad:
0x0: {  	(pc) =	sbr.rel $0x88, $3  }
0x1: {  	(tag) =	ssettag $0x0;
	lr =	simm.s32 $0x1  }
0x2: {  	[smem:$0x3F9F] =	sst lr;
	_ =	strace $0xD0000000  }
0x3: {  	_ = 	snop  }
0x4: {  	_ = 	snop  }
0x5: {  	_ = 	snop  }
0x6: {  	_ = 	snop  }
0x7: {  	_ = 	snop  }
__scs_overlays_trampoline_lowered:
0x8: {  	[smem:$0x3FAE] =	sst s0  }
0x9: {  	[smem:$0x3FAF] =	sst s1  }
0xa: {  	[smem:$0x3FB0] =	sst s2  }
0xb: {  	[smem:$0x3FB1] =	sst s3  }
0xc: {  	[smem:$0x3FB2] =	sst s4  }
0xd: {  	[smem:$0x3FB3] =	sst s5  }
0xe: {  	[smem:$0x3FB4] =	sst s6  }
0xf: {  	[smem:$0x3FB5] =	sst s7  }
0x10: {  	[smem:$0x3FB6] =	sst s8  }
0x11: {  	[smem:$0x3FB7] =	sst s9;
	s0 =	simm.s32 @!p0 $0x0  }
0x12: {  	s1 =	sld [smem:$0x3F9D];
	s0 =	simm.s32 @p0 $0x1  }
0x13: {  	[smem:$0x3FB8] =	sst s0;
	s0 =	simm.s32 @!p1 $0x0  }
0x14: {  	s2 =	sld [smem:$0x3F9C];
	s0 =	simm.s32 @p1 $0x1  }
0x15: {  	[smem:$0x3FB9] =	sst s0;
	s0 =	simm.s32 @!p2 $0x0  }
0x16: {  	s3 =	sld [smem:$0x3FDB];
	s0 =	simm.s32 @p2 $0x1  }
0x17: {  	s4 =	simm.s32 $0x1BF5;
	[smem:$0x3FBB] =	sst s0  }
0x18: {  	s0 =	sld [smem:$0x3F9E];
	_ =	swait.ge [sflag:s4], $0x0  }
0x19: {  	s7 =	sld [smem:$0x3F9F]  }
0x1a: {  	s8 =	sadd.s32 $0xFFFFE003, lr  }
0x1b: {  	s9 =	sadd.s32 $0xFFFFFEF7, lr;
	s5 =	simm.s32 $0xFFFFFFFF;
	p2 =	slt.u32 s8, $0xFFFFF086  }
0x1c: {  	p1 =	slt.u32 s9, $0xF7A;
	s5 =	simm.s32 @!p2 $0x0  }
0x1d: {  	s5 =	simm.s32 @p1 $0x1;
	p0 =	seq.s32 s7, s2  }
0x1e: {  	s7 =	smul.u32 @!p0 $0xF7A, s2;
	p2 =	seq.s32 @!p0 s5, $0x0  }
0x1f: {  	s9 =	smul.u32 $0xF7A, s1;
	s8 =	simm.s32 @!p0 $0x1BF5;
	p2 =	por !p2, p0  }
0x20: {  	[sflag:s8] =	ssyncset.s32 @!p0 $0xFFFFF086;
	s6 =	sadd.s32 @!p0 s3, s7;
	s7 =	simm.s32 @!p0 $0x108  }
0x21: {  	s3 =	sadd.s32 s3, s9;
	s6 =	sadd.s32 @!p0 $0x88, s6;
	s7 =	simm.s32 @p2 $0x1082  }
0x22: {  	[simem:s7], [sflag:s8] =	dma.local @!p0 [hbm:s6], $0xF7A  }
0x23: {  	s9 =	sor.u32 $0xD0000000, s2;
	s6 =	simm.s32 $0x108;
	_ =	swait.ge @!p0 [sflag:s8], $0x0  }
0x24: {  	s3 =	sadd.s32 $0x88, s3;
	s6 =	simm.s32 @!p1 $0x1082;
	[sflag:s4] =	ssyncset.s32 $0xFFFFF086  }
0x25: {  	[simem:s6], [sflag:s4] =	dma.local [hbm:s3], $0xF7A  }
0x26: {  	[smem:$0x3F9F] =	sst s1;
	(tag) =	ssettag s2;
	_ =	strace s9  }
0x27: {  	s1 =	sld [smem:$0x3FAF]  }
0x28: {  	s2 =	sld [smem:$0x3FB0]  }
0x29: {  	s4 =	sld [smem:$0x3FB2]  }
0x2a: {  	p0 =	seq.s32 s5, $0x0;
	s5 =	sld [smem:$0x3FB3]  }
0x2b: {  	s6 =	sld [smem:$0x3FB4]  }
0x2c: {  	s7 =	sld [smem:$0x3FB5]  }
0x2d: {  	s3 =	simm.s32 $0x108;
	s8 =	sld [smem:$0x3FB6]  }
0x2e: {  	s3 =	simm.s32 @!p0 $0x1082;
	s9 =	sld [smem:$0x3FB7]  }
0x2f: {  	lr =	sadd.s32 s0, s3;
	s0 =	sld [smem:$0x3FAE]  }
0x30: {  	s3 =	sld [smem:$0x3FB1]  }
0x31: {  	[smem:$0x3FBA] =	sst s10  }
0x32: {  	s10 =	sld [smem:$0x3FB8];
	_ =	sdelay $0x3  }
0x33: {  	p0 =	seq.s32 s10, $0x1;
	s10 =	sld [smem:$0x3FBA];
	_ =	sdelay $0x3  }
0x34: {  	[smem:$0x3FBA] =	sst s10  }
0x35: {  	s10 =	sld [smem:$0x3FB9];
	_ =	sdelay $0x3  }
0x36: {  	p1 =	seq.s32 s10, $0x1;
	s10 =	sld [smem:$0x3FBA];
	_ =	sdelay $0x3  }
0x37: {  	[smem:$0x3FBA] =	sst s10  }
0x38: {  	s10 =	sld [smem:$0x3FBB]  }
0x39: {  	_ = 	snop;
	(pc) =	sbr.ind lr, $3  }
0x3a: {  	_ = 	snop  }
0x3b: {  	_ = 	snop  }
0x3c: {  	p2 =	seq.s32 s10, $0x1;
	s10 =	sld [smem:$0x3FBA]  }
0x3d: {  	_ =	shalt  }
0x3e: {  	_ =	shalt  }
0x3f: {  	_ =	shalt  }
0x40: {  	_ =	shalt  }
0x41: {  	_ =	shalt  }
0x42: {  	_ =	shalt  }
0x43: {  	_ =	shalt  }
0x44: {  	_ =	shalt  }
0x45: {  	_ =	shalt  }
0x46: {  	_ =	shalt  }
0x47: {  	_ =	shalt  }
0x48: {  	_ =	shalt  }
0x49: {  	_ =	shalt  }
0x4a: {  	_ =	shalt  }
0x4b: {  	_ =	shalt  }
0x4c: {  	_ =	shalt  }
0x4d: {  	_ =	shalt  }
0x4e: {  	_ =	shalt  }
0x4f: {  	_ =	shalt  }
0x50: {  	_ =	shalt  }
0x51: {  	_ =	shalt  }
0x52: {  	_ =	shalt  }
0x53: {  	_ =	shalt  }
0x54: {  	_ =	shalt  }
0x55: {  	_ =	shalt  }
0x56: {  	_ =	shalt  }
0x57: {  	_ =	shalt  }
0x58: {  	_ =	shalt  }
0x59: {  	_ =	shalt  }
0x5a: {  	_ =	shalt  }
0x5b: {  	_ =	shalt  }
0x5c: {  	_ =	shalt  }
0x5d: {  	_ =	shalt  }
0x5e: {  	_ =	shalt  }
0x5f: {  	_ =	shalt  }
0x60: {  	_ =	shalt  }
0x61: {  	_ =	shalt  }
0x62: {  	_ =	shalt  }
0x63: {  	_ =	shalt  }
0x64: {  	_ =	shalt  }
0x65: {  	_ =	shalt  }
0x66: {  	_ =	shalt  }
0x67: {  	_ =	shalt  }
0x68: {  	_ =	shalt  }
0x69: {  	_ =	shalt  }
0x6a: {  	_ =	shalt  }
0x6b: {  	_ =	shalt  }
0x6c: {  	_ =	shalt  }
0x6d: {  	_ =	shalt  }
0x6e: {  	_ =	shalt  }
0x6f: {  	_ =	shalt  }
0x70: {  	_ =	shalt  }
0x71: {  	_ =	shalt  }
0x72: {  	_ =	shalt  }
0x73: {  	_ =	shalt  }
0x74: {  	_ =	shalt  }
0x75: {  	_ =	shalt  }
0x76: {  	_ =	shalt  }
0x77: {  	_ =	shalt  }
0x78: {  	_ =	shalt  }
0x79: {  	_ =	shalt  }
0x7a: {  	_ =	shalt  }
0x7b: {  	_ =	shalt  }
0x7c: {  	_ =	shalt  }
0x7d: {  	_ =	shalt  }
0x7e: {  	_ =	shalt  }
0x7f: {  	_ =	shalt  }
0x80: {  	_ =	shalt  }
0x81: {  	_ =	shalt  }
0x82: {  	_ =	shalt  }
0x83: {  	_ =	shalt  }
0x84: {  	_ =	shalt  }
0x85: {  	_ =	shalt  }
0x86: {  	_ =	shalt  }
0x87: {  	_ =	shalt  }
.Lfunc_end0:
.L_simem_size_0:
called_computation.3_lowered:
.L_overlay_start_0:
0x88: {  	s2 =	sld [smem:$0x3FD9]  }
0x89: {  	s3 =	sld [smem:$0x3FFE];
	_ =	sdelay $0x1  }
0x8a: {  	s1 =	srdreg.scid  }
0x8b: {  	s0 =	sand.u32 $0x1, s1  }
0x8c: {  	s17 =	sshll.u32 s0, $0xA;
	s2 =	sadd.s32 s3, s2  }
0x8d: {  	s2 =	sadd.s32 s2, s17  }
0x8e: {  	[smem:$0x3FC6] =	sst s2  }
0x8f: {  	_ = 	snop  }
0x90: {  	s2 =	sld [smem:$0x3FD0];
	(tm) =	ssettm $0x1  }
0x91: {  	s18 =	sld [smem:$0x3FFB];
	_ =	sdelay $0x3  }
0x92: {  	_ =	strace s18  }
0x93: {  	s3 =	sld [smem:$0x3FFC];
	_ =	sdelay $0x3  }
0x94: {  	_ =	strace s3  }
0x95: {  	s3 =	sld [smem:$0x3FFD];
	_ =	sdelay $0x3  }
0x96: {  	_ =	strace s3  }
0x97: {  	_ =	strace $0x8FFFFFFF  }
0x98: {  	s19 =	sld [smem:$0x3FDB];
	_ =	sdelay $0x1  }
0x99: {  	s4 =	simm.s32 $_scs_section_size  }
0x9a: {  	s5 =	simm.s32 $_size__tile_overlayer_lowered;
	s6 =	simm.s32 $_tile_overlayer_lowered  }
0x9b: {  	s22 =	simm.s32 $0x1BFF;
	s21 =	sshll.u32 s6, $0x1;
	s3 =	sadd.s32 s4, s19  }
0x9c: {  	s7 =	simm.s32 $0x0;
	s20 =	sshll.u32 s5, $0x1;
	s5 =	sadd.s32 s21, s3  }
0x9d: {  	[timem:s7], [sflag:s22] =	dma.local [hbm:s5], s20  }
0x9e: {  	_ =	swait.ge [sflag:s22], s20  }
0x9f: {  	s4 =	ssub.s32 $0x0, s20;
	[sflag:s22] =	ssyncset.done $0x0  }
0xa0: {  	[sflag:s22] =	ssyncadd.s32 s4;
	_ =	sdelay $0x1  }
0xa1: {  	s23 =	simm.s32 $0x1B8B  }
0xa2: {  	_ =	swait.ge [sflag:s23], $0x1  }
0xa3: {  	[sflag:s23] =	ssyncset.done $0x0  }
0xa4: {  	s25 =	simm.s32 $0x1B8E;
	s24 =	sld [smem:$0x3FFE];
	[sflag:s23] =	ssyncadd.s32 $0xFFFFFFFF  }
0xa5: {  	s26 =	simm.s32 $execute0_lowered;
	[smem:$0x3FD2] =	sst s25  }
0xa6: {  	s5 =	sshll.u32 s26, $0x1;
	_ =	strace $0x8000004F;
	[dreg:$0x1] =	wrdreg $0xFFFFFFFF  }
0xa7: {  	s28 =	simm.s32 $_size_execute0_lowered;
	s3 =	sadd.s32 s3, s5;
	[dreg:$0x0] =	wrdreg $0x0  }
0xa8: {  	s5 =	sshll.u32 s28, $0x1;
	[dreg:$0x2] =	wrdreg s3  }
0xa9: {  	[dreg:$0x3] =	wrdreg s5  }
0xaa: {  	[dreg:$0x4] =	wrdreg $0xC0  }
0xab: {  	_ =	task [dreg:s7], $0x5FFFF  }
0xac: {  	[dreg:$0x1] =	wrdreg $0xFFFFFFFF  }
0xad: {  	[dreg:$0x0] =	wrdreg $0x60  }
0xae: {  	[dreg:$0x2] =	wrdreg s24  }
0xaf: {  	[dreg:$0x3] =	wrdreg s2  }
0xb0: {  	[dreg:$0x4] =	wrdreg $0x9  }
0xb1: {  	_ =	task.clear_ibuf [dreg:s7], $0x5FFFF;
	_ =	strace $0x9000004F  }
0xb2: {  	s29 =	simm.s32 $0x9;
	_ =	strace $0x80000051  }
0xb3: {  	_ =	swait.ge [sflag:s29], $0x1  }
0xb4: {  	[sflag:s29] =	ssyncadd.s32 $0xFFFFFFFF  }
0xb5: {  	_ =	strace $0x90000051  }
0xb6: {  	_ =	sfence  }
0xb7: {  	s30 =	sld [smem:$0x0];
	_ =	sdelay $0x2  }
0xb8: {  	s31 =	sshll.u32 s1, $0xD;
	s1 =	sshrl.u32 s1, $0x2  }
0xb9: {  	s3 =	sand.u32 $0x4000, s31;
	s1 =	sadd.s32 s1, s30  }
0xba: {  	s0 =	sor.u32 s3, s0;
	s1 =	sshll.u32 s1, $0x11  }
0xbb: {  	s0 =	sor.u32 s1, s0  }
0xbc: {  	s0 =	sadd.s32 $0x8F2B, s0  }
0xbd: {  	[sflag:s0] =	ssyncadd.remote.s32 $0x1  }
0xbe: {  	_ =	sfence.sel $0xFFFF  }
0xbf: {  	[dreg:$0x0] =	wrdreg $0xFFFFFFFF;
	(pc) =	sbr.abs _section_cstart, $3  }
0xc0: {  	[dreg:$0x1] =	wrdreg $0xFFFFFFFF  }
0xc1: {  	_ =	task.clear_ibuf [dreg:s7], $0x2FFFF;
	_ =	strace $0x9FFFFFFF  }
0xc2: {  	(tm) =	ssettm $0x7FFFFFFF  }
0xc3: {  	_ =	shalt  }
tec
execute0_lowered:
.L_overlay_start_1:
0x0: {  	(tag) =	ssettag $0x1  }
0x1: {  	s0 =	srdreg.scid  }
0x2: {  	s1 =	rddreg [dreg:$0x0];
	s2 =	stileid.u32  }
0x3: {  	s6 =	rddreg [dreg:$0x1];
	s9 =	simm.s32 $0x2;
	s10 =	simm.s32 $0x80  }
0x4: {  	s13 =	simm.s32 $0x1880;
	s14 =	simm.s32 $0x2080;
	s15 =	simm.s32 $0x2880  }
0x5: {  	s16 =	simm.s32 $0x3080;
	s17 =	simm.s32 $0x3880;
	s18 =	simm.s32 $0x4080  }
0x6: {  	s19 =	simm.s32 $0x4880;
	s20 =	simm.s32 $0x5080;
	s21 =	simm.s32 $0x5880  }
0x7: {  	s22 =	simm.s32 $0x6080;
	s23 =	simm.s32 $0x6880;
	s24 =	simm.s32 $0x7080  }
0x8: {  	s25 =	simm.s32 $0x7880;
	s26 =	simm.s32 $0x8080;
	s28 =	simm.s32 $0x10080  }
0x9: {  	s29 =	simm.s32 $0x1;
	s30 =	simm.s32 $0x0;
	s0 =	sand.u32 $0x1, s0  }
0xa: {  	s3 =	sshll.u32 s2, $0x8;
	s2 =	simm.s32 $0x0;
	s4 =	sshll.u32 s0, $0x7  }
0xb: {  	[smem:$0x7FF] =	sst s2;
	s0 =	ssub.s32 $0x2, s0;
	s4 =	sor.u32 s4, s3  }
0xc: {  	_ =	strace $0x80000050;
	s7 =	sshrl.u32 s0, $0x1;
	s3 =	sshrl.u32 s4, $0x3  }
0xd: {  	v2 =	vlaneseq.u32;
	s8 =	sshll.u32 s4, $0x5;
	s0 =	ssub.s32 s0, s7;
	s5 =	sadd.s32 s3, s1  }
0xe: {  	vm0 =	vmmov $0xffff;
	v1 =	vshrl.u32 v2, $0x3;
	s3 =	sadd.s32 $0x80000, s1;
	s4 =	sadd.s32 $0x20000, s5;
	s5 =	sadd.s32 s1, s8  }
0xf: {  	v0 =	vand.u32 $0x7, v2;
	v2 =	vor.u32 $0x8, v2;
	v1 =	vmul.u32 $0x8, v1;
	s6 =	sadd.s32 s6, s8;
	s8 =	smax.u32 s0, $0x1;
	s7 =	sadd.s32 $0x20200, s5  }
.LBB2_1:
0x10: {  	[tilespmem:s2], [sflag:$0x2] =	stream.linear.gather [hbm4b:s4+s2], $0x80, $0x38;
	[tilespmem:$0x18080] =	vst v63  }
0x11: {  	_ =	swait.ge [sflag:s9], $0x80  }
0x12: {  	[sflag:s9] =	ssyncset.done $0x0  }
0x13: {  	[sflag:s9] =	ssyncadd.s32 $0xFFFFFF80  }
0x14: {  	v3 =	vld [tilespmem:$0x0];
	_ =	sdelay $0x4  }
0x15: {  	v4 =	vshll.u32 v3, $0x1  }
0x16: {  	v3 =	vand.u32 $0x7, v3;
	v4 =	vand.u32 $0xFFFFFFF0, v4  }
0x17: {  	v3 =	vor.u32 v3, v4  }
0x18: {  	v4 =	vperm.xlane v3, v0;
	_ =	sdelay $0x1  }
0x19: {  	v3 =	vperm.xlane v3, v2;
	v4 =	vadd.s32 v1, v4;
	_ =	sdelay $0x1  }
0x1a: {  	v3 =	vadd.s32 v1, v3;
	_ =	sdelay $0x2  }
0x1b: {  	[tilespmem:s10], [sflag:$0x1] =	stream.indirect_vreg.gather [hbm4b:s3+s2], $0x80, v4, vm0, $0xb8;
	[tilespmem:$0x18080] =	vst v63  }
0x1c: {  	s0 =	simm.s32 $0x880  }
0x1d: {  	[tilespmem:s0], [sflag:$0x1] =	stream.indirect_vreg.gather [hbm4b:s3+s2], $0x80, v3, vm0, $0xb8;
	[tilespmem:$0x18080] =	vst v63  }
0x1e: {  	v3 =	vld [tilespmem:$0x10];
	_ =	sdelay $0x4  }
0x1f: {  	v4 =	vshll.u32 v3, $0x1  }
0x20: {  	v3 =	vand.u32 $0x7, v3;
	v4 =	vand.u32 $0xFFFFFFF0, v4  }
0x21: {  	v3 =	vor.u32 v3, v4  }
0x22: {  	v4 =	vperm.xlane v3, v0;
	_ =	sdelay $0x1  }
0x23: {  	v3 =	vperm.xlane v3, v2;
	v4 =	vadd.s32 v1, v4;
	_ =	sdelay $0x1  }
0x24: {  	v3 =	vadd.s32 v1, v3;
	_ =	sdelay $0x1  }
0x25: {  	s11 =	simm.s32 $0x1080  }
0x26: {  	[tilespmem:s11], [sflag:$0x1] =	stream.indirect_vreg.gather [hbm4b:s3+s2], $0x80, v4, vm0, $0xb8;
	[tilespmem:$0x18080] =	vst v63  }
0x27: {  	_ = 	snop  }
0x28: {  	[tilespmem:s13], [sflag:$0x1] =	stream.indirect_vreg.gather [hbm4b:s3+s2], $0x80, v3, vm0, $0xb8;
	[tilespmem:$0x18080] =	vst v63  }
0x29: {  	v3 =	vld [tilespmem:$0x20];
	_ =	sdelay $0x4  }
0x2a: {  	v4 =	vshll.u32 v3, $0x1  }
0x2b: {  	v3 =	vand.u32 $0x7, v3;
	v4 =	vand.u32 $0xFFFFFFF0, v4  }
0x2c: {  	v3 =	vor.u32 v3, v4  }
0x2d: {  	v4 =	vperm.xlane v3, v0;
	_ =	sdelay $0x1  }
0x2e: {  	v3 =	vperm.xlane v3, v2;
	v4 =	vadd.s32 v1, v4;
	_ =	sdelay $0x1  }
0x2f: {  	v3 =	vadd.s32 v1, v3;
	_ =	sdelay $0x2  }
0x30: {  	[tilespmem:s14], [sflag:$0x1] =	stream.indirect_vreg.gather [hbm4b:s3+s2], $0x80, v4, vm0, $0xb8;
	[tilespmem:$0x18080] =	vst v63  }
0x31: {  	_ = 	snop  }
0x32: {  	[tilespmem:s15], [sflag:$0x1] =	stream.indirect_vreg.gather [hbm4b:s3+s2], $0x80, v3, vm0, $0xb8;
	[tilespmem:$0x18080] =	vst v63  }
0x33: {  	v3 =	vld [tilespmem:$0x30];
	_ =	sdelay $0x4  }
0x34: {  	v4 =	vshll.u32 v3, $0x1  }
0x35: {  	v3 =	vand.u32 $0x7, v3;
	v4 =	vand.u32 $0xFFFFFFF0, v4  }
0x36: {  	v3 =	vor.u32 v3, v4  }
0x37: {  	v4 =	vperm.xlane v3, v0;
	_ =	sdelay $0x1  }
0x38: {  	v3 =	vperm.xlane v3, v2;
	v4 =	vadd.s32 v1, v4;
	_ =	sdelay $0x1  }
0x39: {  	v3 =	vadd.s32 v1, v3;
	_ =	sdelay $0x2  }
0x3a: {  	[tilespmem:s16], [sflag:$0x1] =	stream.indirect_vreg.gather [hbm4b:s3+s2], $0x80, v4, vm0, $0xb8;
	[tilespmem:$0x18080] =	vst v63  }
0x3b: {  	_ = 	snop  }
0x3c: {  	[tilespmem:s17], [sflag:$0x1] =	stream.indirect_vreg.gather [hbm4b:s3+s2], $0x80, v3, vm0, $0xb8;
	[tilespmem:$0x18080] =	vst v63  }
0x3d: {  	v3 =	vld [tilespmem:$0x40];
	_ =	sdelay $0x4  }
0x3e: {  	v4 =	vshll.u32 v3, $0x1  }
0x3f: {  	v3 =	vand.u32 $0x7, v3;
	v4 =	vand.u32 $0xFFFFFFF0, v4  }
0x40: {  	v3 =	vor.u32 v3, v4  }
0x41: {  	v4 =	vperm.xlane v3, v0;
	_ =	sdelay $0x1  }
0x42: {  	v3 =	vperm.xlane v3, v2;
	v4 =	vadd.s32 v1, v4;
	_ =	sdelay $0x1  }
0x43: {  	v3 =	vadd.s32 v1, v3;
	_ =	sdelay $0x2  }
0x44: {  	[tilespmem:s18], [sflag:$0x1] =	stream.indirect_vreg.gather [hbm4b:s3+s2], $0x80, v4, vm0, $0xb8;
	[tilespmem:$0x18080] =	vst v63  }
0x45: {  	_ = 	snop  }
0x46: {  	[tilespmem:s19], [sflag:$0x1] =	stream.indirect_vreg.gather [hbm4b:s3+s2], $0x80, v3, vm0, $0xb8;
	[tilespmem:$0x18080] =	vst v63  }
0x47: {  	v3 =	vld [tilespmem:$0x50];
	_ =	sdelay $0x4  }
0x48: {  	v4 =	vshll.u32 v3, $0x1  }
0x49: {  	v3 =	vand.u32 $0x7, v3;
	v4 =	vand.u32 $0xFFFFFFF0, v4  }
0x4a: {  	v3 =	vor.u32 v3, v4  }
0x4b: {  	v4 =	vperm.xlane v3, v0;
	_ =	sdelay $0x1  }
0x4c: {  	v3 =	vperm.xlane v3, v2;
	v4 =	vadd.s32 v1, v4;
	_ =	sdelay $0x1  }
0x4d: {  	v3 =	vadd.s32 v1, v3;
	_ =	sdelay $0x2  }
0x4e: {  	[tilespmem:s20], [sflag:$0x1] =	stream.indirect_vreg.gather [hbm4b:s3+s2], $0x80, v4, vm0, $0xb8;
	[tilespmem:$0x18080] =	vst v63  }
0x4f: {  	_ = 	snop  }
0x50: {  	[tilespmem:s21], [sflag:$0x1] =	stream.indirect_vreg.gather [hbm4b:s3+s2], $0x80, v3, vm0, $0xb8;
	[tilespmem:$0x18080] =	vst v63  }
0x51: {  	v3 =	vld [tilespmem:$0x60];
	_ =	sdelay $0x4  }
0x52: {  	v4 =	vshll.u32 v3, $0x1  }
0x53: {  	v3 =	vand.u32 $0x7, v3;
	v4 =	vand.u32 $0xFFFFFFF0, v4  }
0x54: {  	v3 =	vor.u32 v3, v4  }
0x55: {  	v4 =	vperm.xlane v3, v0;
	_ =	sdelay $0x1  }
0x56: {  	v3 =	vperm.xlane v3, v2;
	v4 =	vadd.s32 v1, v4;
	_ =	sdelay $0x1  }
0x57: {  	v3 =	vadd.s32 v1, v3;
	_ =	sdelay $0x2  }
0x58: {  	[tilespmem:s22], [sflag:$0x1] =	stream.indirect_vreg.gather [hbm4b:s3+s2], $0x80, v4, vm0, $0xb8;
	[tilespmem:$0x18080] =	vst v63  }
0x59: {  	_ = 	snop  }
0x5a: {  	[tilespmem:s23], [sflag:$0x1] =	stream.indirect_vreg.gather [hbm4b:s3+s2], $0x80, v3, vm0, $0xb8;
	[tilespmem:$0x18080] =	vst v63  }
0x5b: {  	v3 =	vld [tilespmem:$0x70];
	_ =	sdelay $0x4  }
0x5c: {  	v4 =	vshll.u32 v3, $0x1  }
0x5d: {  	v3 =	vand.u32 $0x7, v3;
	v4 =	vand.u32 $0xFFFFFFF0, v4  }
0x5e: {  	v3 =	vor.u32 v3, v4  }
0x5f: {  	v4 =	vperm.xlane v3, v0;
	_ =	sdelay $0x1  }
0x60: {  	v3 =	vperm.xlane v3, v2;
	v4 =	vadd.s32 v1, v4;
	_ =	sdelay $0x1  }
0x61: {  	v3 =	vadd.s32 v1, v3;
	_ =	sdelay $0x2  }
0x62: {  	[tilespmem:s24], [sflag:$0x1] =	stream.indirect_vreg.gather [hbm4b:s3+s2], $0x80, v4, vm0, $0xb8;
	[tilespmem:$0x18080] =	vst v63  }
0x63: {  	_ = 	snop  }
0x64: {  	[tilespmem:s25], [sflag:$0x1] =	stream.indirect_vreg.gather [hbm4b:s3+s2], $0x80, v3, vm0, $0xb8;
	[tilespmem:$0x18080] =	vst v63  }
0x65: {  	_ = 	snop  }
0x66: {  	[tilespmem:s26], [sflag:$0x2] =	stream.linear.gather [hbm4b:s5+s2], $0x8000, $0x38;
	[tilespmem:$0x18080] =	vst v63  }
0x67: {  	_ =	swait.ge [sflag:s9], $0x8000  }
0x68: {  	[sflag:s9] =	ssyncset.done $0x0  }
0x69: {  	[sflag:s9] =	ssyncadd.s32 $0xFFFF8000  }
0x6a: {  	[tilespmem:s28], [sflag:$0x2] =	stream.linear.gather [hbm4b:s6+s2], $0x8000, $0x38;
	[tilespmem:$0x18080] =	vst v63  }
0x6b: {  	_ =	swait.ge [sflag:s9], $0x8000  }
0x6c: {  	[sflag:s9] =	ssyncset.done $0x0  }
0x6d: {  	[sflag:s9] =	ssyncadd.s32 $0xFFFF8000  }
0x6e: {  	_ =	swait.ge [sflag:s29], $0x8000  }
0x6f: {  	s12 =	sand.u32 $0x7800, s2;
	s1 =	sand.u32 $0x380, s2;
	[sflag:s29] =	ssyncset.done $0x0  }
0x70: {  	s31 =	sor.u32 s1, s12;
	[sflag:s29] =	ssyncadd.s32 $0xFFFF8000  }
0x71: {  	v17 =	vld [tilespmem:s31+$0x10080]  }
0x72: {  	v18 =	vld [tilespmem:s31+$0x8080]  }
0x73: {  	v19 =	vld [tilespmem:s31+$0x10090]  }
0x74: {  	v20 =	vld [tilespmem:s31+$0x8090]  }
0x75: {  	v21 =	vld [tilespmem:s31+$0x100A0]  }
0x76: {  	v22 =	vld [tilespmem:s31+$0x80A0]  }
0x77: {  	v23 =	vld [tilespmem:s31+$0x100B0]  }
0x78: {  	v24 =	vld [tilespmem:s31+$0x80B0]  }
0x79: {  	v25 =	vld [tilespmem:s31+$0x100C0]  }
0x7a: {  	v26 =	vld [tilespmem:s31+$0x80C0]  }
0x7b: {  	v27 =	vld [tilespmem:s31+$0x100D0]  }
0x7c: {  	v28 =	vld [tilespmem:s31+$0x80D0]  }
0x7d: {  	v29 =	vld [tilespmem:s31+$0x100E0]  }
0x7e: {  	v30 =	vld [tilespmem:s31+$0x80E0]  }
0x7f: {  	v31 =	vld [tilespmem:s31+$0x100F0]  }
0x80: {  	v32 =	vld [tilespmem:s31+$0x80F0]  }
0x81: {  	v33 =	vld [tilespmem:s31+$0x10480]  }
0x82: {  	v34 =	vld [tilespmem:s31+$0x8480]  }
0x83: {  	v14 =	vld [tilespmem:s31+$0x10490]  }
0x84: {  	v16 =	vld [tilespmem:s31+$0x8490]  }
0x85: {  	v13 =	vld [tilespmem:s31+$0x104A0]  }
0x86: {  	v15 =	vld [tilespmem:s31+$0x84A0]  }
0x87: {  	v11 =	vld [tilespmem:s31+$0x104B0]  }
0x88: {  	v12 =	vld [tilespmem:s31+$0x84B0]  }
0x89: {  	v9 =	vld [tilespmem:s31+$0x104C0]  }
0x8a: {  	v10 =	vld [tilespmem:s31+$0x84C0]  }
0x8b: {  	v6 =	vld [tilespmem:s31+$0x104D0]  }
0x8c: {  	v8 =	vld [tilespmem:s31+$0x84D0]  }
0x8d: {  	v4 =	vld [tilespmem:s31+$0x104E0]  }
0x8e: {  	v7 =	vld [tilespmem:s31+$0x84E0]  }
0x8f: {  	v3 =	vld [tilespmem:s31+$0x104F0]  }
0x90: {  	v5 =	vld [tilespmem:s31+$0x84F0]  }
0x91: {  	v35 =	vld [tilespmem:s31+$0x80]  }
0x92: {  	v36 =	vld [tilespmem:s31+$0x90]  }
0x93: {  	v37 =	vld [tilespmem:s31+$0xA0]  }
0x94: {  	v17 =	vsub.f32 v17, v18;
	v18 =	vld [tilespmem:s31+$0xB0]  }
0x95: {  	v38 =	vld [tilespmem:s31+$0xC0];
	v19 =	vsub.f32 v19, v20  }
0x96: {  	v20 =	vsub.f32 v21, v22;
	v22 =	vld [tilespmem:s31+$0xD0];
	v17 =	vadd.f32 v35, v17  }
0x97: {  	v21 =	vsub.f32 v23, v24;
	v24 =	vld [tilespmem:s31+$0xE0];
	v19 =	vadd.f32 v36, v19  }
0x98: {  	v23 =	vsub.f32 v25, v26;
	[tilespmem:s31+$0x80] =	vst v17;
	v17 =	vadd.f32 v37, v20;
	v20 =	vld [tilespmem:s31+$0xF0]  }
0x99: {  	v25 =	vsub.f32 v27, v28;
	[tilespmem:s31+$0x90] =	vst v19;
	v18 =	vadd.f32 v18, v21;
	v21 =	vld [tilespmem:s31+$0x480]  }
0x9a: {  	v26 =	vsub.f32 v29, v30;
	v19 =	vld [tilespmem:s31+$0x490];
	[tilespmem:s31+$0xA0] =	vst v17;
	v17 =	vadd.f32 v38, v23  }
0x9b: {  	v22 =	vadd.f32 v22, v25;
	v23 =	vsub.f32 v31, v32;
	[tilespmem:s31+$0xB0] =	vst v18;
	v18 =	vld [tilespmem:s31+$0x4A0]  }
0x9c: {  	s1 =	simm.s32 $0x100;
	s0 =	simm.s32 $0x0;
	v24 =	vadd.f32 v24, v26;
	v25 =	vsub.f32 v33, v34;
	[tilespmem:s31+$0xC0] =	vst v17;
	v17 =	vld [tilespmem:s31+$0x4B0]  }
.LBB2_2:
0x9d: {  	p0 =	sne.s32 s1, $0x7F00;
	[tilespmem:s31+$0xD0] =	vst v22;
	v20 =	vadd.f32 v20, v23;
	v14 =	vsub.f32 v14, v16;
	v16 =	vld [tilespmem:s31+$0x4C0]  }
0x9e: {  	v13 =	vsub.f32 v13, v15;
	s0 =	sadd.s32 $0x80, s0;
	[tilespmem:s31+$0xE0] =	vst v24;
	v21 =	vadd.f32 v21, v25;
	v15 =	vld [tilespmem:s31+$0x4D0]  }
0x9f: {  	s11 =	sand.u32 $0x7800, s1;
	v11 =	vsub.f32 v11, v12;
	s12 =	sand.u32 $0x380, s0;
	[tilespmem:s31+$0xF0] =	vst v20;
	v14 =	vadd.f32 v19, v14;
	v12 =	vld [tilespmem:s31+$0x4E0]  }
0xa0: {  	v9 =	vsub.f32 v9, v10;
	s11 =	sor.u32 s12, s11;
	[tilespmem:s31+$0x480] =	vst v21;
	v13 =	vadd.f32 v18, v13;
	v10 =	vld [tilespmem:s31+$0x4F0]  }
0xa1: {  	v6 =	vsub.f32 v6, v8;
	v18 =	vld [tilespmem:s11+$0x10080];
	[tilespmem:s31+$0x490] =	vst v14;
	v11 =	vadd.f32 v17, v11  }
0xa2: {  	v4 =	vsub.f32 v4, v7;
	v17 =	vld [tilespmem:s11+$0x8080];
	[tilespmem:s31+$0x4A0] =	vst v13;
	v8 =	vadd.f32 v16, v9  }
0xa3: {  	v3 =	vsub.f32 v3, v5;
	v19 =	vld [tilespmem:s11+$0x10090];
	[tilespmem:s31+$0x4B0] =	vst v11;
	v6 =	vadd.f32 v15, v6  }
0xa4: {  	v20 =	vld [tilespmem:s11+$0x8090];
	[tilespmem:s31+$0x4C0] =	vst v8;
	v4 =	vadd.f32 v12, v4  }
0xa5: {  	v21 =	vld [tilespmem:s11+$0x100A0];
	[tilespmem:s31+$0x4D0] =	vst v6;
	v3 =	vadd.f32 v10, v3  }
0xa6: {  	v22 =	vld [tilespmem:s11+$0x80A0];
	[tilespmem:s31+$0x4E0] =	vst v4  }
0xa7: {  	v23 =	vld [tilespmem:s11+$0x100B0];
	[tilespmem:s31+$0x4F0] =	vst v3;
	s31 =	smov.u32 s11  }
0xa8: {  	v24 =	vld [tilespmem:s31+$0x80B0]  }
0xa9: {  	v25 =	vld [tilespmem:s31+$0x100C0]  }
0xaa: {  	v26 =	vld [tilespmem:s31+$0x80C0]  }
0xab: {  	v27 =	vld [tilespmem:s31+$0x100D0]  }
0xac: {  	v28 =	vld [tilespmem:s31+$0x80D0]  }
0xad: {  	v29 =	vld [tilespmem:s31+$0x100E0]  }
0xae: {  	v30 =	vld [tilespmem:s31+$0x80E0]  }
0xaf: {  	v31 =	vld [tilespmem:s31+$0x100F0]  }
0xb0: {  	v32 =	vld [tilespmem:s31+$0x80F0]  }
0xb1: {  	v33 =	vld [tilespmem:s31+$0x10480]  }
0xb2: {  	v34 =	vld [tilespmem:s31+$0x8480]  }
0xb3: {  	v14 =	vld [tilespmem:s31+$0x10490]  }
0xb4: {  	v16 =	vld [tilespmem:s31+$0x8490]  }
0xb5: {  	v13 =	vld [tilespmem:s31+$0x104A0]  }
0xb6: {  	v15 =	vld [tilespmem:s31+$0x84A0]  }
0xb7: {  	v11 =	vld [tilespmem:s31+$0x104B0]  }
0xb8: {  	v12 =	vld [tilespmem:s31+$0x84B0]  }
0xb9: {  	v9 =	vld [tilespmem:s31+$0x104C0]  }
0xba: {  	v10 =	vld [tilespmem:s31+$0x84C0]  }
0xbb: {  	v6 =	vld [tilespmem:s31+$0x104D0]  }
0xbc: {  	v8 =	vld [tilespmem:s31+$0x84D0]  }
0xbd: {  	v4 =	vld [tilespmem:s31+$0x104E0]  }
0xbe: {  	v7 =	vld [tilespmem:s31+$0x84E0]  }
0xbf: {  	v3 =	vld [tilespmem:s31+$0x104F0]  }
0xc0: {  	v5 =	vld [tilespmem:s31+$0x84F0]  }
0xc1: {  	v35 =	vld [tilespmem:s31+$0x80]  }
0xc2: {  	v36 =	vld [tilespmem:s31+$0x90]  }
0xc3: {  	v37 =	vld [tilespmem:s31+$0xA0]  }
0xc4: {  	v17 =	vsub.f32 v18, v17;
	v18 =	vld [tilespmem:s31+$0xB0]  }
0xc5: {  	v19 =	vsub.f32 v19, v20;
	v38 =	vld [tilespmem:s31+$0xC0]  }
0xc6: {  	v20 =	vsub.f32 v21, v22;
	v17 =	vadd.f32 v35, v17;
	v22 =	vld [tilespmem:s31+$0xD0]  }
0xc7: {  	v21 =	vsub.f32 v23, v24;
	v19 =	vadd.f32 v36, v19;
	v24 =	vld [tilespmem:s31+$0xE0]  }
.Ltmp0:
0xc8: {  	v23 =	vsub.f32 v25, v26;
	[tilespmem:s31+$0x80] =	vst v17;
	v17 =	vadd.f32 v37, v20;
	v20 =	vld [tilespmem:s31+$0xF0];
	(pc) =	sbr.rel @p0 .LBB2_2-.Ltmp0, $4  }
0xc9: {  	v25 =	vsub.f32 v27, v28;
	[tilespmem:s31+$0x90] =	vst v19;
	v18 =	vadd.f32 v18, v21;
	v21 =	vld [tilespmem:s31+$0x480]  }
0xca: {  	v26 =	vsub.f32 v29, v30;
	[tilespmem:s31+$0xA0] =	vst v17;
	v17 =	vadd.f32 v38, v23;
	v19 =	vld [tilespmem:s31+$0x490]  }
0xcb: {  	v23 =	vsub.f32 v31, v32;
	[tilespmem:s31+$0xB0] =	vst v18;
	v22 =	vadd.f32 v22, v25;
	v18 =	vld [tilespmem:s31+$0x4A0]  }
0xcc: {  	s1 =	sadd.s32 $0x100, s1;
	v25 =	vsub.f32 v33, v34;
	[tilespmem:s31+$0xC0] =	vst v17;
	v24 =	vadd.f32 v24, v26;
	v17 =	vld [tilespmem:s31+$0x4B0]  }
0xcd: {  	[tilespmem:s31+$0xD0] =	vst v22;
	v20 =	vadd.f32 v20, v23;
	v14 =	vsub.f32 v14, v16;
	v59 =	vld [tilespmem:s31+$0x4C0]  }
0xce: {  	v13 =	vsub.f32 v13, v15;
	v60 =	vld [tilespmem:s31+$0x4D0];
	[tilespmem:s31+$0xE0] =	vst v24;
	v21 =	vadd.f32 v21, v25  }
0xcf: {  	v11 =	vsub.f32 v11, v12;
	v61 =	vld [tilespmem:s31+$0x4E0];
	[tilespmem:s31+$0xF0] =	vst v20;
	v14 =	vadd.f32 v19, v14  }
0xd0: {  	v9 =	vsub.f32 v9, v10;
	v62 =	vld [tilespmem:s31+$0x4F0];
	[tilespmem:s31+$0x480] =	vst v21;
	v13 =	vadd.f32 v18, v13  }
0xd1: {  	v6 =	vsub.f32 v6, v8;
	[tilespmem:s31+$0x490] =	vst v14;
	v11 =	vadd.f32 v17, v11  }
0xd2: {  	v4 =	vsub.f32 v4, v7;
	[tilespmem:s31+$0x4A0] =	vst v13;
	v63 =	vadd.f32 v59, v9  }
0xd3: {  	v3 =	vsub.f32 v3, v5;
	v6 =	vadd.f32 v60, v6;
	[tilespmem:s31+$0x4B0] =	vst v11  }
0xd4: {  	v4 =	vadd.f32 v61, v4;
	[tilespmem:s31+$0x4C0] =	vst v63  }
0xd5: {  	s30 =	sadd.s32 $0x1, s30;
	v3 =	vadd.f32 v62, v3;
	[tilespmem:s31+$0x4D0] =	vst v6  }
0xd6: {  	p0 =	sne.s32 s30, s8;
	[tilespmem:s31+$0x4E0] =	vst v4  }
.Ltmp1:
0xd7: {  	[tilespmem:s31+$0x4F0] =	vst v3;
	(pc) =	sbr.rel @p0 .LBB2_1-.Ltmp1, $4  }
0xd8: {  	[hbm4b:s7+s2] =	stream.linear.scatter [tilespmem:s10], [sflag:$0x2], $0x8000, $0x38;
	[tilespmem:$0x18080] =	vst v63  }
0xd9: {  	_ =	swait.ge [sflag:s9], $0x8000  }
0xda: {  	[sflag:s9] =	ssyncset.done $0x0  }
0xdb: {  	[sflag:s9] =	ssyncadd.s32 $0xFFFF8000  }
0xdc: {  	_ =	sfence.sel $0x180000  }
0xdd: {  	[bflag:$0x0] =	sbarrier.arrive $0xFFFF  }
0xde: {  	_ =	strace $0x90000050  }
0xdf: {  	s0 =	stileid.u32;
	[bflag:$0x2] =	sbarrier.arrive $0xFFFF  }
0xe0: {  	p0 =	sne.s32 s0, $0x0;
	s0 =	rddreg [dreg:$0x2]  }
0xe1: {  	s0 =	sadd.s32 @!p0 $0x100000, s0  }
0xe2: {  	[sflag:s0] =	ssyncadd.tile.s32 @!p0 $0x1;
	_ =	shalt  }
.Lfunc_end2:
_tile_overlayer_lowered:
.L_overlay_start_2:
0xe3: {  	(tag) =	ssettag $0x2  }
0xe4: {  	s0 =	rddreg [dreg:$0x0];
	s2 =	stileid.u32  }
0xe5: {  	s1 =	rddreg [dreg:$0x1];
	p0 =	sne.s32 s2, $0x0  }
0xe6: {  	s3 =	rddreg [dreg:$0x2];
	[bflag:$0x3] =	sbarrier.arrive $0xFFFF;
	s2 =	simm.s32 @!p0 $0x1C02  }
0xe7: {  	[timem:s3], [sflag:s2] =	dma.local @!p0 [hbm:s0], s1  }
0xe8: {  	s0 =	simm.s32 @!p0 $0x2  }
0xe9: {  	_ =	swait.ge @!p0 [sflag:s0], s1  }
0xea: {  	s1 =	ssub.s32 @!p0 $0x0, s1;
	[sflag:s0] =	ssyncset.done @!p0 $0x0  }
0xeb: {  	[sflag:s0] =	ssyncadd.s32 @!p0 s1  }
0xec: {  	[bflag:$0x3] =	sbarrier.arrive $0xFFFF  }
0xed: {  	_ =	shalt  }

</sc_bundles>
